<compile_context>
chip_gen: v7x
topology: tpu7x:2x2x1
jax: 0.10.2.dev20260603
libtpu: 0.0.44.dev20260713+nightly
codegen_flags: <defaults>
</compile_context>

<pallas_src>
import functools

import jax
import jax.numpy as jnp
from jax import lax
from jax.experimental import pallas as pl
from jax.experimental.pallas import tpu as pltpu
from jax.experimental.pallas import tpu_sc as plsc

N = 100000
C = 128
B = 64
BR = 16
TOTAL = B * BR
LANES = 16

CHUNK = 128
NUM_CHUNKS = (N + CHUNK - 1) // CHUNK
NUM_WORKERS = 32
SPAN = (NUM_CHUNKS + NUM_WORKERS - 1) // NUM_WORKERS
SPAN_NODES = SPAN * CHUNK
ROWS_PER_TILE = TOTAL // 16
DUMMY = TOTAL
ACC_ROWS = TOTAL + LANES
NBUF = 4


def _sc_segment_sum(batch, branch, node_embed):
    mesh = plsc.VectorSubcoreMesh(core_axis_name="c", subcore_axis_name="s")

    @functools.partial(
        pl.kernel,
        out_type=jax.ShapeDtypeStruct((2, TOTAL, C), jnp.float32),
        mesh=mesh,
        scratch_types=[
            pltpu.VMEM((SPAN_NODES,), jnp.int32),
            pltpu.VMEM((SPAN_NODES,), jnp.int32),
            pltpu.VMEM((NBUF, CHUNK), jnp.int32),
            pltpu.VMEM((NBUF, CHUNK, C), jnp.float32),
            pltpu.VMEM((LANES, C), jnp.float32),
            pltpu.VMEM_SHARED((ACC_ROWS, C), jnp.float32),
            pltpu.SemaphoreType.DMA,
            pltpu.SemaphoreType.DMA,
            pltpu.SemaphoreType.DMA,
            pltpu.SemaphoreType.DMA,
            pltpu.SemaphoreType.DMA,
            pltpu.SemaphoreType.DMA,
            pltpu.SemaphoreType.DMA,
            pltpu.SemaphoreType.DMA,
            pltpu.SemaphoreType.DMA,
        ],
    )
    def seg_sum(batch_hbm, branch_hbm, embed_hbm, out_hbm,
                idsb, idsr, idx, rows, zbuf, acc,
                ls0, ls1, ls2, ls3, ss0, ss1, ss2, ss3, psem):
        cid = lax.axis_index("c")
        sid = lax.axis_index("s")
        wid = sid * 2 + cid
        lsem = (ls0, ls1, ls2, ls3)
        ssem = (ss0, ss1, ss2, ss3)

        span_base = jnp.minimum(wid * SPAN_NODES, N - SPAN_NODES)
        pltpu.async_copy(batch_hbm.at[pl.ds(span_base, SPAN_NODES)],
                         idsb, psem)
        pltpu.async_copy(branch_hbm.at[pl.ds(span_base, SPAN_NODES)],
                         idsr, psem)

        def rb_of(c):
            return jnp.minimum(c * CHUNK, N - CHUNK)

        def issue_rows(b, c):
            pltpu.async_copy(embed_hbm.at[pl.ds(rb_of(c), CHUNK)],
                             rows.at[b], lsem[b])

        def wait_rows(b):
            pltpu.make_async_copy(embed_hbm.at[pl.ds(0, CHUNK)],
                                  rows.at[b], lsem[b]).wait()

        def compute_idx(b, c):
            limit = c * CHUNK
            rb = rb_of(c)
            ofs = rb - span_base
            lane = lax.iota(jnp.int32, LANES)
            for j in range(CHUNK // LANES):
                isl = pl.ds(ofs + j * LANES, LANES)
                pos = rb + j * LANES + lane
                ids = idsb[isl] * BR + idsr[isl]
                idx[b, pl.ds(j * LANES, LANES)] = jnp.where(
                    pos >= limit, ids, DUMMY)

        def issue_scatter(b):
            pltpu.async_copy(rows.at[b], acc.at[idx.at[b]], ssem[b], add=True)

        def wait_scatter(b):
            pltpu.make_async_copy(rows.at[b], acc.at[idx.at[b]],
                                  ssem[b]).wait()

        c0 = wid * SPAN
        issue_rows(0, c0)
        issue_rows(1, c0 + 1)
        issue_rows(2, c0 + 2)

        zeros = jnp.zeros((LANES,), jnp.float32)
        for r in range(LANES):
            for j in range(C // LANES):
                zbuf[r, pl.ds(j * LANES, LANES)] = zeros
        for t in range(ROWS_PER_TILE // LANES):
            pltpu.sync_copy(
                zbuf, acc.at[pl.ds(sid * ROWS_PER_TILE + t * LANES, LANES)])
        pltpu.make_async_copy(batch_hbm.at[pl.ds(0, SPAN_NODES)],
                              idsb, psem).wait()
        pltpu.make_async_copy(branch_hbm.at[pl.ds(0, SPAN_NODES)],
                              idsr, psem).wait()
        plsc.subcore_barrier()

        wait_rows(0)
        compute_idx(0, c0)
        issue_scatter(0)
        issue_rows(3, c0 + 3)

        def body(p, carry):
            for k in range(4):
                i = 1 + 4 * p + k
                b = (1 + k) % 4
                wait_rows(b)
                compute_idx(b, c0 + i)
                issue_scatter(b)
                wait_scatter(k)
                issue_rows(k, c0 + i + 3)
            return carry

        lax.fori_loop(0, (SPAN - 1) // 4, body, 0)
        wait_scatter(0)
        wait_rows(1)
        wait_rows(2)
        wait_rows(3)
        plsc.subcore_barrier()

        sl = pl.ds(sid * ROWS_PER_TILE, ROWS_PER_TILE)
        pltpu.sync_copy(acc.at[sl], out_hbm.at[cid, sl])

    return seg_sum(batch, branch, node_embed)


def _mlp_body(p_ref, w1_ref, b1_ref, w2_ref, out_ref):
    e = p_ref[0] + p_ref[1]
    h = jnp.dot(e, w1_ref[...].T, preferred_element_type=jnp.float32)
    h = h + b1_ref[...]
    h = jnp.where(h >= 0, h, 0.01 * h)
    col = lax.broadcasted_iota(jnp.int32, (B, TOTAL), 1)
    row = lax.broadcasted_iota(jnp.int32, (B, TOTAL), 0)
    m = jnp.where(col // BR == row, 1.0, 0.0)
    g = jnp.dot(m, h, preferred_element_type=jnp.float32)
    out_ref[...] = jnp.dot(g, w2_ref[...].T, preferred_element_type=jnp.float32)


def kernel(node_embed, batch, branch, W1, b1, W2, b2):
    batch = batch.astype(jnp.int32)
    branch = branch.astype(jnp.int32)
    partials = _sc_segment_sum(batch, branch, node_embed)
    return pl.pallas_call(
        _mlp_body,
        out_shape=jax.ShapeDtypeStruct((B, 1), jnp.float32),
    )(partials, W1, b1.reshape(1, C), W2)

# --- scband reference (transcript-rebuilt; emitter-appended) ---
"""Pipeline reference for scband-branch-value-head-83064667504975 (READ-ONLY COPY).

The authoritative reference and input builder live on the scoring server;
editing this copy changes nothing except your own understanding.
"""

import jax, jax.numpy as jnp
import numpy as np


def leaky_relu(x):
    return jnp.where(x >= 0, x, 0.01 * x)


def setup_inputs(seed: int = 0) -> dict:
    key = jax.random.key(seed)
    k1, k2, k3, k4, k5 = jax.random.split(key, 5)
    N, C, B, BR = 100000, 128, 64, 16
    node_embed = jax.random.normal(k1, (N, C), dtype=jnp.float32)
    batch = jnp.sort(jax.random.randint(k2, (N,), 0, B, dtype=jnp.int64))
    branch = jax.random.randint(k3, (N,), 0, BR, dtype=jnp.int64)
    # MLPHead params: Linear(C->C), leaky_relu, Linear(C->1)
    W1 = jax.random.normal(k4, (C, C), dtype=jnp.float32) * (1.0 / np.sqrt(C))
    b1 = jnp.zeros((C,), dtype=jnp.float32)
    W2 = jax.random.normal(k5, (1, C), dtype=jnp.float32) * (1.0 / np.sqrt(C))
    b2 = jnp.zeros((1,), dtype=jnp.float32)
    return {"node_embed": node_embed, "batch": batch, "branch": branch,
            "W1": W1, "b1": b1, "W2": W2, "b2": b2}


def reference(node_embed, batch, branch, W1, b1, W2, b2):
    # scatter_max(branch, batch)[0] + 1
    num_graphs = 64
    num_branch_per_graph = jax.ops.segment_max(branch, batch, num_segments=num_graphs) + 1
    # offsets via exclusive cumsum
    offsets = jnp.concatenate([
        jnp.zeros((1,), dtype=num_branch_per_graph.dtype),
        jnp.cumsum(num_branch_per_graph[:-1])
    ])
    branch_global = branch + offsets[batch]
    total_branches = num_graphs * 16
    # global_add_pool(node_embed, branch_global)
    branch_embed = jax.ops.segment_sum(node_embed, branch_global, num_segments=total_branches)
    # MLPHead: Linear -> leaky_relu -> Linear
    h = leaky_relu(branch_embed @ W1.T + b1)
    branch_value = h @ W2.T + b2
    # scatter_sum(branch_value, repeat_interleave(arange(num_graphs), counts))
    graph_idx = jnp.repeat(jnp.arange(num_graphs), num_branch_per_graph, total_repeat_length=total_branches)
    graph_value = jax.ops.segment_sum(branch_value, graph_idx, num_segments=num_graphs)
    return graph_value

if __name__ == "__main__":
    import jax
    _d = setup_inputs()
    print(jax.jit(kernel)(*tuple(_d.values())))

</pallas_src>

<mosaic_0001>
#map = affine_map<(d0, d1) -> (0)>
#map1 = affine_map<(d0, d1) -> (0, 0)>
#map2 = affine_map<(d0, d1) -> (0, 0, 0)>
module attributes {stable_mosaic.version = 14 : i64} {
  func.func @seg_sum(%arg0: i32, %arg1: i32, %arg2: memref<100000xi32, #tpu.memory_space<hbm>>, %arg3: memref<100000xi32, #tpu.memory_space<hbm>>, %arg4: memref<100000x128xf32, #tpu.memory_space<hbm>>, %arg5: memref<2x1024x128xf32, #tpu.memory_space<hbm>>, %arg6: memref<3200xi32, #tpu.memory_space<vmem>>, %arg7: memref<3200xi32, #tpu.memory_space<vmem>>, %arg8: memref<4x128xi32, #tpu.memory_space<vmem>>, %arg9: memref<4x128x128xf32, #tpu.memory_space<vmem>>, %arg10: memref<16x128xf32, #tpu.memory_space<vmem>>, %arg11: memref<1040x128xf32, #tpu.memory_space<vmem_shared>>, %arg12: memref<!tpu.dma_semaphore, #tpu.memory_space<semaphore_mem>>, %arg13: memref<!tpu.dma_semaphore, #tpu.memory_space<semaphore_mem>>, %arg14: memref<!tpu.dma_semaphore, #tpu.memory_space<semaphore_mem>>, %arg15: memref<!tpu.dma_semaphore, #tpu.memory_space<semaphore_mem>>, %arg16: memref<!tpu.dma_semaphore, #tpu.memory_space<semaphore_mem>>, %arg17: memref<!tpu.dma_semaphore, #tpu.memory_space<semaphore_mem>>, %arg18: memref<!tpu.dma_semaphore, #tpu.memory_space<semaphore_mem>>, %arg19: memref<!tpu.dma_semaphore, #tpu.memory_space<semaphore_mem>>, %arg20: memref<!tpu.dma_semaphore, #tpu.memory_space<semaphore_mem>>) attributes {dimension_semantics = [#tpu.dimension_semantics<core_parallel>, #tpu.dimension_semantics<subcore_parallel>], iteration_bounds = array<i64: 2, 16>, scalar_prefetch = 0 : i64, scratch_operands = 15 : i64, tpu.core_type = #tpu.core_type<sc_vector_subcore>, window_params = [{transform_indices = #map}, {transform_indices = #map}, {transform_indices = #map1}, {transform_indices = #map2}]} {
    %mul3A = arith.constant 2 : i32
    %mul3A_0 = arith.muli %arg1, %mul3A : i32
    %add3A = arith.addi %mul3A_0, %arg0 : i32
    %mul3A_1 = arith.constant 3200 : i32
    %mul3A_2 = arith.muli %add3A, %mul3A_1 : i32
    %min3A = arith.constant 96800 : i32
    %min3A_3 = arith.minsi %mul3A_2, %min3A : i32
    %dma_start3A = tpu.memref_slice %arg2[%min3A_3] : memref<100000xi32, #tpu.memory_space<hbm>> -> memref<3200xi32, #tpu.memory_space<hbm>>
    %dma_start3A_4 = tpu.memref_slice %arg2[%min3A_3] : memref<100000xi32, #tpu.memory_space<hbm>> -> memref<3200xi32, #tpu.memory_space<hbm>>
    tpu.enqueue_dma source(%dma_start3A_4 : memref<3200xi32, #tpu.memory_space<hbm>>) target(%arg6 : memref<3200xi32, #tpu.memory_space<vmem>>) target_semaphore(%arg20 : memref<!tpu.dma_semaphore, #tpu.memory_space<semaphore_mem>>)
    %dma_start3A_5 = tpu.memref_slice %arg3[%min3A_3] : memref<100000xi32, #tpu.memory_space<hbm>> -> memref<3200xi32, #tpu.memory_space<hbm>>
    %dma_start3A_6 = tpu.memref_slice %arg3[%min3A_3] : memref<100000xi32, #tpu.memory_space<hbm>> -> memref<3200xi32, #tpu.memory_space<hbm>>
    tpu.enqueue_dma source(%dma_start3A_6 : memref<3200xi32, #tpu.memory_space<hbm>>) target(%arg7 : memref<3200xi32, #tpu.memory_space<vmem>>) target_semaphore(%arg20 : memref<!tpu.dma_semaphore, #tpu.memory_space<semaphore_mem>>)
    %mul3A_7 = arith.constant 25 : i32
    %mul3A_8 = arith.muli %add3A, %mul3A_7 : i32
    %mul3A_9 = arith.constant 128 : i32
    %mul3A_10 = arith.muli %mul3A_8, %mul3A_9 : i32
    %min3A_11 = arith.constant 99872 : i32
    %min3A_12 = arith.minsi %mul3A_10, %min3A_11 : i32
    %dma_start3A_13 = arith.constant 0 : i32
    %dma_start3A_14 = arith.constant 0 : i32
    %dma_start3A_15 = arith.constant 0 : i32
    %dma_start3A_16 = tpu.memref_slice %arg9[%dma_start3A_13, %dma_start3A_14, %dma_start3A_15] : memref<4x128x128xf32, #tpu.memory_space<vmem>> -> memref<1x128x128xf32, #tpu.memory_space<vmem>>
    %dma_start3A_17 = tpu.memref_squeeze %dma_start3A_16 : memref<1x128x128xf32, #tpu.memory_space<vmem>> -> memref<128x128xf32, #tpu.memory_space<vmem>>
    %dma_start3A_18 = arith.constant 0 : i32
    %dma_start3A_19 = tpu.memref_slice %arg4[%min3A_12, %dma_start3A_18] : memref<100000x128xf32, #tpu.memory_space<hbm>> -> memref<128x128xf32, #tpu.memory_space<hbm>>
    %dma_start3A_20 = arith.constant 0 : i32
    %dma_start3A_21 = arith.constant 0 : i32
    %dma_start3A_22 = tpu.memref_slice %arg9[%dma_start3A_13, %dma_start3A_20, %dma_start3A_21] : memref<4x128x128xf32, #tpu.memory_space<vmem>> -> memref<1x128x128xf32, #tpu.memory_space<vmem>>
    %dma_start3A_23 = tpu.memref_squeeze %dma_start3A_22 : memref<1x128x128xf32, #tpu.memory_space<vmem>> -> memref<128x128xf32, #tpu.memory_space<vmem>>
    %dma_start3A_24 = arith.constant 0 : i32
    %dma_start3A_25 = tpu.memref_slice %arg4[%min3A_12, %dma_start3A_24] : memref<100000x128xf32, #tpu.memory_space<hbm>> -> memref<128x128xf32, #tpu.memory_space<hbm>>
    tpu.enqueue_dma source(%dma_start3A_25 : memref<128x128xf32, #tpu.memory_space<hbm>>) target(%dma_start3A_23 : memref<128x128xf32, #tpu.memory_space<vmem>>) target_semaphore(%arg12 : memref<!tpu.dma_semaphore, #tpu.memory_space<semaphore_mem>>)
    %add3A_26 = arith.constant 1 : i32
    %add3A_27 = arith.addi %mul3A_8, %add3A_26 : i32
    %mul3A_28 = arith.constant 128 : i32
    %mul3A_29 = arith.muli %add3A_27, %mul3A_28 : i32
    %min3A_30 = arith.constant 99872 : i32
    %min3A_31 = arith.minsi %mul3A_29, %min3A_30 : i32
    %dma_start3A_32 = arith.constant 1 : i32
    %dma_start3A_33 = arith.constant 0 : i32
    %dma_start3A_34 = arith.constant 0 : i32
    %dma_start3A_35 = tpu.memref_slice %arg9[%dma_start3A_32, %dma_start3A_33, %dma_start3A_34] : memref<4x128x128xf32, #tpu.memory_space<vmem>> -> memref<1x128x128xf32, #tpu.memory_space<vmem>>
    %dma_start3A_36 = tpu.memref_squeeze %dma_start3A_35 : memref<1x128x128xf32, #tpu.memory_space<vmem>> -> memref<128x128xf32, #tpu.memory_space<vmem>>
    %dma_start3A_37 = arith.constant 0 : i32
    %dma_start3A_38 = tpu.memref_slice %arg4[%min3A_31, %dma_start3A_37] : memref<100000x128xf32, #tpu.memory_space<hbm>> -> memref<128x128xf32, #tpu.memory_space<hbm>>
    %dma_start3A_39 = arith.constant 0 : i32
    %dma_start3A_40 = arith.constant 0 : i32
    %dma_start3A_41 = tpu.memref_slice %arg9[%dma_start3A_32, %dma_start3A_39, %dma_start3A_40] : memref<4x128x128xf32, #tpu.memory_space<vmem>> -> memref<1x128x128xf32, #tpu.memory_space<vmem>>
    %dma_start3A_42 = tpu.memref_squeeze %dma_start3A_41 : memref<1x128x128xf32, #tpu.memory_space<vmem>> -> memref<128x128xf32, #tpu.memory_space<vmem>>
    %dma_start3A_43 = arith.constant 0 : i32
    %dma_start3A_44 = tpu.memref_slice %arg4[%min3A_31, %dma_start3A_43] : memref<100000x128xf32, #tpu.memory_space<hbm>> -> memref<128x128xf32, #tpu.memory_space<hbm>>
    tpu.enqueue_dma source(%dma_start3A_44 : memref<128x128xf32, #tpu.memory_space<hbm>>) target(%dma_start3A_42 : memref<128x128xf32, #tpu.memory_space<vmem>>) target_semaphore(%arg13 : memref<!tpu.dma_semaphore, #tpu.memory_space<semaphore_mem>>)
    %add3A_45 = arith.constant 2 : i32
    %add3A_46 = arith.addi %mul3A_8, %add3A_45 : i32
    %mul3A_47 = arith.constant 128 : i32
    %mul3A_48 = arith.muli %add3A_46, %mul3A_47 : i32
    %min3A_49 = arith.constant 99872 : i32
    %min3A_50 = arith.minsi %mul3A_48, %min3A_49 : i32
    %dma_start3A_51 = arith.constant 2 : i32
    %dma_start3A_52 = arith.constant 0 : i32
    %dma_start3A_53 = arith.constant 0 : i32
    %dma_start3A_54 = tpu.memref_slice %arg9[%dma_start3A_51, %dma_start3A_52, %dma_start3A_53] : memref<4x128x128xf32, #tpu.memory_space<vmem>> -> memref<1x128x128xf32, #tpu.memory_space<vmem>>
    %dma_start3A_55 = tpu.memref_squeeze %dma_start3A_54 : memref<1x128x128xf32, #tpu.memory_space<vmem>> -> memref<128x128xf32, #tpu.memory_space<vmem>>
    %dma_start3A_56 = arith.constant 0 : i32
    %dma_start3A_57 = tpu.memref_slice %arg4[%min3A_50, %dma_start3A_56] : memref<100000x128xf32, #tpu.memory_space<hbm>> -> memref<128x128xf32, #tpu.memory_space<hbm>>
    %dma_start3A_58 = arith.constant 0 : i32
    %dma_start3A_59 = arith.constant 0 : i32
    %dma_start3A_60 = tpu.memref_slice %arg9[%dma_start3A_51, %dma_start3A_58, %dma_start3A_59] : memref<4x128x128xf32, #tpu.memory_space<vmem>> -> memref<1x128x128xf32, #tpu.memory_space<vmem>>
    %dma_start3A_61 = tpu.memref_squeeze %dma_start3A_60 : memref<1x128x128xf32, #tpu.memory_space<vmem>> -> memref<128x128xf32, #tpu.memory_space<vmem>>
    %dma_start3A_62 = arith.constant 0 : i32
    %dma_start3A_63 = tpu.memref_slice %arg4[%min3A_50, %dma_start3A_62] : memref<100000x128xf32, #tpu.memory_space<hbm>> -> memref<128x128xf32, #tpu.memory_space<hbm>>
    tpu.enqueue_dma source(%dma_start3A_63 : memref<128x128xf32, #tpu.memory_space<hbm>>) target(%dma_start3A_61 : memref<128x128xf32, #tpu.memory_space<vmem>>) target_semaphore(%arg14 : memref<!tpu.dma_semaphore, #tpu.memory_space<semaphore_mem>>)
    %broadcast_in_dim3A = arith.constant 0.000000e+00 : f32
    %broadcast_in_dim3A_64 = vector.broadcast %broadcast_in_dim3A : f32 to vector<16xf32>
    %swap3A = arith.constant 0 : i32
    %swap3A_65 = arith.index_cast %swap3A : i32 to index
    %swap3A_66 = arith.constant 0 : index
    %swap3A_67 = tpu.vector_load %arg10[%swap3A_65, %swap3A_66] {strides = array<i32>} : memref<16x128xf32, #tpu.memory_space<vmem>>, vector<1x16xf32>,
    %swap3A_68 = vector.shape_cast %swap3A_67 : vector<1x16xf32> to vector<16xf32>
    %swap3A_69 = vector.shape_cast %broadcast_in_dim3A_64 : vector<16xf32> to vector<1x16xf32>
    tpu.vector_store %arg10[%swap3A_65, %swap3A_66], %swap3A_69 {strides = array<i32>} : memref<16x128xf32, #tpu.memory_space<vmem>>, vector<1x16xf32>,
    %swap3A_70 = arith.constant 0 : i32
    %swap3A_71 = arith.index_cast %swap3A_70 : i32 to index
    %swap3A_72 = arith.constant 16 : index
    %swap3A_73 = tpu.vector_load %arg10[%swap3A_71, %swap3A_72] {strides = array<i32>} : memref<16x128xf32, #tpu.memory_space<vmem>>, vector<1x16xf32>,
    %swap3A_74 = vector.shape_cast %swap3A_73 : vector<1x16xf32> to vector<16xf32>
    %swap3A_75 = vector.shape_cast %broadcast_in_dim3A_64 : vector<16xf32> to vector<1x16xf32>
    tpu.vector_store %arg10[%swap3A_71, %swap3A_72], %swap3A_75 {strides = array<i32>} : memref<16x128xf32, #tpu.memory_space<vmem>>, vector<1x16xf32>,
    %swap3A_76 = arith.constant 0 : i32
    %swap3A_77 = arith.index_cast %swap3A_76 : i32 to index
    %swap3A_78 = arith.constant 32 : index
    %swap3A_79 = tpu.vector_load %arg10[%swap3A_77, %swap3A_78] {strides = array<i32>} : memref<16x128xf32, #tpu.memory_space<vmem>>, vector<1x16xf32>,
    %swap3A_80 = vector.shape_cast %swap3A_79 : vector<1x16xf32> to vector<16xf32>
    %swap3A_81 = vector.shape_cast %broadcast_in_dim3A_64 : vector<16xf32> to vector<1x16xf32>
    tpu.vector_store %arg10[%swap3A_77, %swap3A_78], %swap3A_81 {strides = array<i32>} : memref<16x128xf32, #tpu.memory_space<vmem>>, vector<1x16xf32>,
    %swap3A_82 = arith.constant 0 : i32
    %swap3A_83 = arith.index_cast %swap3A_82 : i32 to index
    %swap3A_84 = arith.constant 48 : index
    %swap3A_85 = tpu.vector_load %arg10[%swap3A_83, %swap3A_84] {strides = array<i32>} : memref<16x128xf32, #tpu.memory_space<vmem>>, vector<1x16xf32>,
    %swap3A_86 = vector.shape_cast %swap3A_85 : vector<1x16xf32> to vector<16xf32>
    %swap3A_87 = vector.shape_cast %broadcast_in_dim3A_64 : vector<16xf32> to vector<1x16xf32>
    tpu.vector_store %arg10[%swap3A_83, %swap3A_84], %swap3A_87 {strides = array<i32>} : memref<16x128xf32, #tpu.memory_space<vmem>>, vector<1x16xf32>,
    %swap3A_88 = arith.constant 0 : i32
    %swap3A_89 = arith.index_cast %swap3A_88 : i32 to index
    %swap3A_90 = arith.constant 64 : index
    %swap3A_91 = tpu.vector_load %arg10[%swap3A_89, %swap3A_90] {strides = array<i32>} : memref<16x128xf32, #tpu.memory_space<vmem>>, vector<1x16xf32>,
    %swap3A_92 = vector.shape_cast %swap3A_91 : vector<1x16xf32> to vector<16xf32>
    %swap3A_93 = vector.shape_cast %broadcast_in_dim3A_64 : vector<16xf32> to vector<1x16xf32>
    tpu.vector_store %arg10[%swap3A_89, %swap3A_90], %swap3A_93 {strides = array<i32>} : memref<16x128xf32, #tpu.memory_space<vmem>>, vector<1x16xf32>,
    %swap3A_94 = arith.constant 0 : i32
    %swap3A_95 = arith.index_cast %swap3A_94 : i32 to index
    %swap3A_96 = arith.constant 80 : index
    %swap3A_97 = tpu.vector_load %arg10[%swap3A_95, %swap3A_96] {strides = array<i32>} : memref<16x128xf32, #tpu.memory_space<vmem>>, vector<1x16xf32>,
    %swap3A_98 = vector.shape_cast %swap3A_97 : vector<1x16xf32> to vector<16xf32>
    %swap3A_99 = vector.shape_cast %broadcast_in_dim3A_64 : vector<16xf32> to vector<1x16xf32>
    tpu.vector_store %arg10[%swap3A_95, %swap3A_96], %swap3A_99 {strides = array<i32>} : memref<16x128xf32, #tpu.memory_space<vmem>>, vector<1x16xf32>,
    %swap3A_100 = arith.constant 0 : i32
    %swap3A_101 = arith.index_cast %swap3A_100 : i32 to index
    %swap3A_102 = arith.constant 96 : index
    %swap3A_103 = tpu.vector_load %arg10[%swap3A_101, %swap3A_102] {strides = array<i32>} : memref<16x128xf32, #tpu.memory_space<vmem>>, vector<1x16xf32>,
    %swap3A_104 = vector.shape_cast %swap3A_103 : vector<1x16xf32> to vector<16xf32>
    %swap3A_105 = vector.shape_cast %broadcast_in_dim3A_64 : vector<16xf32> to vector<1x16xf32>
    tpu.vector_store %arg10[%swap3A_101, %swap3A_102], %swap3A_105 {strides = array<i32>} : memref<16x128xf32, #tpu.memory_space<vmem>>, vector<1x16xf32>,
    %swap3A_106 = arith.constant 0 : i32
    %swap3A_107 = arith.index_cast %swap3A_106 : i32 to index
    %swap3A_108 = arith.constant 112 : index
    %swap3A_109 = tpu.vector_load %arg10[%swap3A_107, %swap3A_108] {strides = array<i32>} : memref<16x128xf32, #tpu.memory_space<vmem>>, vector<1x16xf32>,
    %swap3A_110 = vector.shape_cast %swap3A_109 : vector<1x16xf32> to vector<16xf32>
    %swap3A_111 = vector.shape_cast %broadcast_in_dim3A_64 : vector<16xf32> to vector<1x16xf32>
    tpu.vector_store %arg10[%swap3A_107, %swap3A_108], %swap3A_111 {strides = array<i32>} : memref<16x128xf32, #tpu.memory_space<vmem>>, vector<1x16xf32>,
    %swap3A_112 = arith.constant 1 : i32
    %swap3A_113 = arith.index_cast %swap3A_112 : i32 to index
    %swap3A_114 = arith.constant 0 : index
    %swap3A_115 = tpu.vector_load %arg10[%swap3A_113, %swap3A_114] {strides = array<i32>} : memref<16x128xf32, #tpu.memory_space<vmem>>, vector<1x16xf32>,
    %swap3A_116 = vector.shape_cast %swap3A_115 : vector<1x16xf32> to vector<16xf32>
    %swap3A_117 = vector.shape_cast %broadcast_in_dim3A_64 : vector<16xf32> to vector<1x16xf32>
    tpu.vector_store %arg10[%swap3A_113, %swap3A_114], %swap3A_117 {strides = array<i32>} : memref<16x128xf32, #tpu.memory_space<vmem>>, vector<1x16xf32>,
    %swap3A_118 = arith.constant 1 : i32
    %swap3A_119 = arith.index_cast %swap3A_118 : i32 to index
    %swap3A_120 = arith.constant 16 : index
    %swap3A_121 = tpu.vector_load %arg10[%swap3A_119, %swap3A_120] {strides = array<i32>} : memref<16x128xf32, #tpu.memory_space<vmem>>, vector<1x16xf32>,
    %swap3A_122 = vector.shape_cast %swap3A_121 : vector<1x16xf32> to vector<16xf32>
    %swap3A_123 = vector.shape_cast %broadcast_in_dim3A_64 : vector<16xf32> to vector<1x16xf32>
    tpu.vector_store %arg10[%swap3A_119, %swap3A_120], %swap3A_123 {strides = array<i32>} : memref<16x128xf32, #tpu.memory_space<vmem>>, vector<1x16xf32>,
    %swap3A_124 = arith.constant 1 : i32
    %swap3A_125 = arith.index_cast %swap3A_124 : i32 to index
    %swap3A_126 = arith.constant 32 : index
    %swap3A_127 = tpu.vector_load %arg10[%swap3A_125, %swap3A_126] {strides = array<i32>} : memref<16x128xf32, #tpu.memory_space<vmem>>, vector<1x16xf32>,
    %swap3A_128 = vector.shape_cast %swap3A_127 : vector<1x16xf32> to vector<16xf32>
    %swap3A_129 = vector.shape_cast %broadcast_in_dim3A_64 : vector<16xf32> to vector<1x16xf32>
    tpu.vector_store %arg10[%swap3A_125, %swap3A_126], %swap3A_129 {strides = array<i32>} : memref<16x128xf32, #tpu.memory_space<vmem>>, vector<1x16xf32>,
    %swap3A_130 = arith.constant 1 : i32
    %swap3A_131 = arith.index_cast %swap3A_130 : i32 to index
    %swap3A_132 = arith.constant 48 : index
    %swap3A_133 = tpu.vector_load %arg10[%swap3A_131, %swap3A_132] {strides = array<i32>} : memref<16x128xf32, #tpu.memory_space<vmem>>, vector<1x16xf32>,
    %swap3A_134 = vector.shape_cast %swap3A_133 : vector<1x16xf32> to vector<16xf32>
    %swap3A_135 = vector.shape_cast %broadcast_in_dim3A_64 : vector<16xf32> to vector<1x16xf32>
    tpu.vector_store %arg10[%swap3A_131, %swap3A_132], %swap3A_135 {strides = array<i32>} : memref<16x128xf32, #tpu.memory_space<vmem>>, vector<1x16xf32>,
    %swap3A_136 = arith.constant 1 : i32
    %swap3A_137 = arith.index_cast %swap3A_136 : i32 to index
    %swap3A_138 = arith.constant 64 : index
    %swap3A_139 = tpu.vector_load %arg10[%swap3A_137, %swap3A_138] {strides = array<i32>} : memref<16x128xf32, #tpu.memory_space<vmem>>, vector<1x16xf32>,
    %swap3A_140 = vector.shape_cast %swap3A_139 : vector<1x16xf32> to vector<16xf32>
    %swap3A_141 = vector.shape_cast %broadcast_in_dim3A_64 : vector<16xf32> to vector<1x16xf32>
    tpu.vector_store %arg10[%swap3A_137, %swap3A_138], %swap3A_141 {strides = array<i32>} : memref<16x128xf32, #tpu.memory_space<vmem>>, vector<1x16xf32>,
    %swap3A_142 = arith.constant 1 : i32
    %swap3A_143 = arith.index_cast %swap3A_142 : i32 to index
    %swap3A_144 = arith.constant 80 : index
    %swap3A_145 = tpu.vector_load %arg10[%swap3A_143, %swap3A_144] {strides = array<i32>} : memref<16x128xf32, #tpu.memory_space<vmem>>, vector<1x16xf32>,
    %swap3A_146 = vector.shape_cast %swap3A_145 : vector<1x16xf32> to vector<16xf32>
    %swap3A_147 = vector.shape_cast %broadcast_in_dim3A_64 : vector<16xf32> to vector<1x16xf32>
    tpu.vector_store %arg10[%swap3A_143, %swap3A_144], %swap3A_147 {strides = array<i32>} : memref<16x128xf32, #tpu.memory_space<vmem>>, vector<1x16xf32>,
    %swap3A_148 = arith.constant 1 : i32
    %swap3A_149 = arith.index_cast %swap3A_148 : i32 to index
    %swap3A_150 = arith.constant 96 : index
    %swap3A_151 = tpu.vector_load %arg10[%swap3A_149, %swap3A_150] {strides = array<i32>} : memref<16x128xf32, #tpu.memory_space<vmem>>, vector<1x16xf32>,
    %swap3A_152 = vector.shape_cast %swap3A_151 : vector<1x16xf32> to vector<16xf32>
    %swap3A_153 = vector.shape_cast %broadcast_in_dim3A_64 : vector<16xf32> to vector<1x16xf32>
    tpu.vector_store %arg10[%swap3A_149, %swap3A_150], %swap3A_153 {strides = array<i32>} : memref<16x128xf32, #tpu.memory_space<vmem>>, vector<1x16xf32>,
    %swap3A_154 = arith.constant 1 : i32
    %swap3A_155 = arith.index_cast %swap3A_154 : i32 to index
    %swap3A_156 = arith.constant 112 : index
    %swap3A_157 = tpu.vector_load %arg10[%swap3A_155, %swap3A_156] {strides = array<i32>} : memref<16x128xf32, #tpu.memory_space<vmem>>, vector<1x16xf32>,
    %swap3A_158 = vector.shape_cast %swap3A_157 : vector<1x16xf32> to vector<16xf32>
    %swap3A_159 = vector.shape_cast %broadcast_in_dim3A_64 : vector<16xf32> to vector<1x16xf32>
    tpu.vector_store %arg10[%swap3A_155, %swap3A_156], %swap3A_159 {strides = array<i32>} : memref<16x128xf32, #tpu.memory_space<vmem>>, vector<1x16xf32>,
    %swap3A_160 = arith.constant 2 : i32
    %swap3A_161 = arith.index_cast %swap3A_160 : i32 to index
    %swap3A_162 = arith.constant 0 : index
    %swap3A_163 = tpu.vector_load %arg10[%swap3A_161, %swap3A_162] {strides = array<i32>} : memref<16x128xf32, #tpu.memory_space<vmem>>, vector<1x16xf32>,
    %swap3A_164 = vector.shape_cast %swap3A_163 : vector<1x16xf32> to vector<16xf32>
    %swap3A_165 = vector.shape_cast %broadcast_in_dim3A_64 : vector<16xf32> to vector<1x16xf32>
    tpu.vector_store %arg10[%swap3A_161, %swap3A_162], %swap3A_165 {strides = array<i32>} : memref<16x128xf32, #tpu.memory_space<vmem>>, vector<1x16xf32>,
    %swap3A_166 = arith.constant 2 : i32
    %swap3A_167 = arith.index_cast %swap3A_166 : i32 to index
    %swap3A_168 = arith.constant 16 : index
    %swap3A_169 = tpu.vector_load %arg10[%swap3A_167, %swap3A_168] {strides = array<i32>} : memref<16x128xf32, #tpu.memory_space<vmem>>, vector<1x16xf32>,
    %swap3A_170 = vector.shape_cast %swap3A_169 : vector<1x16xf32> to vector<16xf32>
    %swap3A_171 = vector.shape_cast %broadcast_in_dim3A_64 : vector<16xf32> to vector<1x16xf32>
    tpu.vector_store %arg10[%swap3A_167, %swap3A_168], %swap3A_171 {strides = array<i32>} : memref<16x128xf32, #tpu.memory_space<vmem>>, vector<1x16xf32>,
    %swap3A_172 = arith.constant 2 : i32
    %swap3A_173 = arith.index_cast %swap3A_172 : i32 to index
    %swap3A_174 = arith.constant 32 : index
    %swap3A_175 = tpu.vector_load %arg10[%swap3A_173, %swap3A_174] {strides = array<i32>} : memref<16x128xf32, #tpu.memory_space<vmem>>, vector<1x16xf32>,
    %swap3A_176 = vector.shape_cast %swap3A_175 : vector<1x16xf32> to vector<16xf32>
    %swap3A_177 = vector.shape_cast %broadcast_in_dim3A_64 : vector<16xf32> to vector<1x16xf32>
    tpu.vector_store %arg10[%swap3A_173, %swap3A_174], %swap3A_177 {strides = array<i32>} : memref<16x128xf32, #tpu.memory_space<vmem>>, vector<1x16xf32>,
    %swap3A_178 = arith.constant 2 : i32
    %swap3A_179 = arith.index_cast %swap3A_178 : i32 to index
    %swap3A_180 = arith.constant 48 : index
    %swap3A_181 = tpu.vector_load %arg10[%swap3A_179, %swap3A_180] {strides = array<i32>} : memref<16x128xf32, #tpu.memory_space<vmem>>, vector<1x16xf32>,
    %swap3A_182 = vector.shape_cast %swap3A_181 : vector<1x16xf32> to vector<16xf32>
    %swap3A_183 = vector.shape_cast %broadcast_in_dim3A_64 : vector<16xf32> to vector<1x16xf32>
    tpu.vector_store %arg10[%swap3A_179, %swap3A_180], %swap3A_183 {strides = array<i32>} : memref<16x128xf32, #tpu.memory_space<vmem>>, vector<1x16xf32>,
    %swap3A_184 = arith.constant 2 : i32
    %swap3A_185 = arith.index_cast %swap3A_184 : i32 to index
    %swap3A_186 = arith.constant 64 : index
    %swap3A_187 = tpu.vector_load %arg10[%swap3A_185, %swap3A_186] {strides = array<i32>} : memref<16x128xf32, #tpu.memory_space<vmem>>, vector<1x16xf32>,
    %swap3A_188 = vector.shape_cast %swap3A_187 : vector<1x16xf32> to vector<16xf32>
    %swap3A_189 = vector.shape_cast %broadcast_in_dim3A_64 : vector<16xf32> to vector<1x16xf32>
    tpu.vector_store %arg10[%swap3A_185, %swap3A_186], %swap3A_189 {strides = array<i32>} : memref<16x128xf32, #tpu.memory_space<vmem>>, vector<1x16xf32>,
    %swap3A_190 = arith.constant 2 : i32
    %swap3A_191 = arith.index_cast %swap3A_190 : i32 to index
    %swap3A_192 = arith.constant 80 : index
    %swap3A_193 = tpu.vector_load %arg10[%swap3A_191, %swap3A_192] {strides = array<i32>} : memref<16x128xf32, #tpu.memory_space<vmem>>, vector<1x16xf32>,
    %swap3A_194 = vector.shape_cast %swap3A_193 : vector<1x16xf32> to vector<16xf32>
    %swap3A_195 = vector.shape_cast %broadcast_in_dim3A_64 : vector<16xf32> to vector<1x16xf32>
    tpu.vector_store %arg10[%swap3A_191, %swap3A_192], %swap3A_195 {strides = array<i32>} : memref<16x128xf32, #tpu.memory_space<vmem>>, vector<1x16xf32>,
    %swap3A_196 = arith.constant 2 : i32
    %swap3A_197 = arith.index_cast %swap3A_196 : i32 to index
    %swap3A_198 = arith.constant 96 : index
    %swap3A_199 = tpu.vector_load %arg10[%swap3A_197, %swap3A_198] {strides = array<i32>} : memref<16x128xf32, #tpu.memory_space<vmem>>, vector<1x16xf32>,
    %swap3A_200 = vector.shape_cast %swap3A_199 : vector<1x16xf32> to vector<16xf32>
    %swap3A_201 = vector.shape_cast %broadcast_in_dim3A_64 : vector<16xf32> to vector<1x16xf32>
    tpu.vector_store %arg10[%swap3A_197, %swap3A_198], %swap3A_201 {strides = array<i32>} : memref<16x128xf32, #tpu.memory_space<vmem>>, vector<1x16xf32>,
    %swap3A_202 = arith.constant 2 : i32
    %swap3A_203 = arith.index_cast %swap3A_202 : i32 to index
    %swap3A_204 = arith.constant 112 : index
    %swap3A_205 = tpu.vector_load %arg10[%swap3A_203, %swap3A_204] {strides = array<i32>} : memref<16x128xf32, #tpu.memory_space<vmem>>, vector<1x16xf32>,
    %swap3A_206 = vector.shape_cast %swap3A_205 : vector<1x16xf32> to vector<16xf32>
    %swap3A_207 = vector.shape_cast %broadcast_in_dim3A_64 : vector<16xf32> to vector<1x16xf32>
    tpu.vector_store %arg10[%swap3A_203, %swap3A_204], %swap3A_207 {strides = array<i32>} : memref<16x128xf32, #tpu.memory_space<vmem>>, vector<1x16xf32>,
    %swap3A_208 = arith.constant 3 : i32
    %swap3A_209 = arith.index_cast %swap3A_208 : i32 to index
    %swap3A_210 = arith.constant 0 : index
    %swap3A_211 = tpu.vector_load %arg10[%swap3A_209, %swap3A_210] {strides = array<i32>} : memref<16x128xf32, #tpu.memory_space<vmem>>, vector<1x16xf32>,
    %swap3A_212 = vector.shape_cast %swap3A_211 : vector<1x16xf32> to vector<16xf32>
    %swap3A_213 = vector.shape_cast %broadcast_in_dim3A_64 : vector<16xf32> to vector<1x16xf32>
    tpu.vector_store %arg10[%swap3A_209, %swap3A_210], %swap3A_213 {strides = array<i32>} : memref<16x128xf32, #tpu.memory_space<vmem>>, vector<1x16xf32>,
    %swap3A_214 = arith.constant 3 : i32
    %swap3A_215 = arith.index_cast %swap3A_214 : i32 to index
    %swap3A_216 = arith.constant 16 : index
    %swap3A_217 = tpu.vector_load %arg10[%swap3A_215, %swap3A_216] {strides = array<i32>} : memref<16x128xf32, #tpu.memory_space<vmem>>, vector<1x16xf32>,
    %swap3A_218 = vector.shape_cast %swap3A_217 : vector<1x16xf32> to vector<16xf32>
    %swap3A_219 = vector.shape_cast %broadcast_in_dim3A_64 : vector<16xf32> to vector<1x16xf32>
    tpu.vector_store %arg10[%swap3A_215, %swap3A_216], %swap3A_219 {strides = array<i32>} : memref<16x128xf32, #tpu.memory_space<vmem>>, vector<1x16xf32>,
    %swap3A_220 = arith.constant 3 : i32
    %swap3A_221 = arith.index_cast %swap3A_220 : i32 to index
    %swap3A_222 = arith.constant 32 : index
    %swap3A_223 = tpu.vector_load %arg10[%swap3A_221, %swap3A_222] {strides = array<i32>} : memref<16x128xf32, #tpu.memory_space<vmem>>, vector<1x16xf32>,
    %swap3A_224 = vector.shape_cast %swap3A_223 : vector<1x16xf32> to vector<16xf32>
    %swap3A_225 = vector.shape_cast %broadcast_in_dim3A_64 : vector<16xf32> to vector<1x16xf32>
    tpu.vector_store %arg10[%swap3A_221, %swap3A_222], %swap3A_225 {strides = array<i32>} : memref<16x128xf32, #tpu.memory_space<vmem>>, vector<1x16xf32>,
    %swap3A_226 = arith.constant 3 : i32
    %swap3A_227 = arith.index_cast %swap3A_226 : i32 to index
    %swap3A_228 = arith.constant 48 : index
    %swap3A_229 = tpu.vector_load %arg10[%swap3A_227, %swap3A_228] {strides = array<i32>} : memref<16x128xf32, #tpu.memory_space<vmem>>, vector<1x16xf32>,
    %swap3A_230 = vector.shape_cast %swap3A_229 : vector<1x16xf32> to vector<16xf32>
    %swap3A_231 = vector.shape_cast %broadcast_in_dim3A_64 : vector<16xf32> to vector<1x16xf32>
    tpu.vector_store %arg10[%swap3A_227, %swap3A_228], %swap3A_231 {strides = array<i32>} : memref<16x128xf32, #tpu.memory_space<vmem>>, vector<1x16xf32>,
    %swap3A_232 = arith.constant 3 : i32
    %swap3A_233 = arith.index_cast %swap3A_232 : i32 to index
    %swap3A_234 = arith.constant 64 : index
    %swap3A_235 = tpu.vector_load %arg10[%swap3A_233, %swap3A_234] {strides = array<i32>} : memref<16x128xf32, #tpu.memory_space<vmem>>, vector<1x16xf32>,
    %swap3A_236 = vector.shape_cast %swap3A_235 : vector<1x16xf32> to vector<16xf32>
    %swap3A_237 = vector.shape_cast %broadcast_in_dim3A_64 : vector<16xf32> to vector<1x16xf32>
    tpu.vector_store %arg10[%swap3A_233, %swap3A_234], %swap3A_237 {strides = array<i32>} : memref<16x128xf32, #tpu.memory_space<vmem>>, vector<1x16xf32>,
    %swap3A_238 = arith.constant 3 : i32
    %swap3A_239 = arith.index_cast %swap3A_238 : i32 to index
    %swap3A_240 = arith.constant 80 : index
    %swap3A_241 = tpu.vector_load %arg10[%swap3A_239, %swap3A_240] {strides = array<i32>} : memref<16x128xf32, #tpu.memory_space<vmem>>, vector<1x16xf32>,
    %swap3A_242 = vector.shape_cast %swap3A_241 : vector<1x16xf32> to vector<16xf32>
    %swap3A_243 = vector.shape_cast %broadcast_in_dim3A_64 : vector<16xf32> to vector<1x16xf32>
    tpu.vector_store %arg10[%swap3A_239, %swap3A_240], %swap3A_243 {strides = array<i32>} : memref<16x128xf32, #tpu.memory_space<vmem>>, vector<1x16xf32>,
    %swap3A_244 = arith.constant 3 : i32
    %swap3A_245 = arith.index_cast %swap3A_244 : i32 to index
    %swap3A_246 = arith.constant 96 : index
    %swap3A_247 = tpu.vector_load %arg10[%swap3A_245, %swap3A_246] {strides = array<i32>} : memref<16x128xf32, #tpu.memory_space<vmem>>, vector<1x16xf32>,
    %swap3A_248 = vector.shape_cast %swap3A_247 : vector<1x16xf32> to vector<16xf32>
    %swap3A_249 = vector.shape_cast %broadcast_in_dim3A_64 : vector<16xf32> to vector<1x16xf32>
    tpu.vector_store %arg10[%swap3A_245, %swap3A_246], %swap3A_249 {strides = array<i32>} : memref<16x128xf32, #tpu.memory_space<vmem>>, vector<1x16xf32>,
    %swap3A_250 = arith.constant 3 : i32
    %swap3A_251 = arith.index_cast %swap3A_250 : i32 to index
    %swap3A_252 = arith.constant 112 : index
    %swap3A_253 = tpu.vector_load %arg10[%swap3A_251, %swap3A_252] {strides = array<i32>} : memref<16x128xf32, #tpu.memory_space<vmem>>, vector<1x16xf32>,
    %swap3A_254 = vector.shape_cast %swap3A_253 : vector<1x16xf32> to vector<16xf32>
    %swap3A_255 = vector.shape_cast %broadcast_in_dim3A_64 : vector<16xf32> to vector<1x16xf32>
    tpu.vector_store %arg10[%swap3A_251, %swap3A_252], %swap3A_255 {strides = array<i32>} : memref<16x128xf32, #tpu.memory_space<vmem>>, vector<1x16xf32>,
    %swap3A_256 = arith.constant 4 : i32
    %swap3A_257 = arith.index_cast %swap3A_256 : i32 to index
    %swap3A_258 = arith.constant 0 : index
    %swap3A_259 = tpu.vector_load %arg10[%swap3A_257, %swap3A_258] {strides = array<i32>} : memref<16x128xf32, #tpu.memory_space<vmem>>, vector<1x16xf32>,
    %swap3A_260 = vector.shape_cast %swap3A_259 : vector<1x16xf32> to vector<16xf32>
    %swap3A_261 = vector.shape_cast %broadcast_in_dim3A_64 : vector<16xf32> to vector<1x16xf32>
    tpu.vector_store %arg10[%swap3A_257, %swap3A_258], %swap3A_261 {strides = array<i32>} : memref<16x128xf32, #tpu.memory_space<vmem>>, vector<1x16xf32>,
    %swap3A_262 = arith.constant 4 : i32
    %swap3A_263 = arith.index_cast %swap3A_262 : i32 to index
    %swap3A_264 = arith.constant 16 : index
    %swap3A_265 = tpu.vector_load %arg10[%swap3A_263, %swap3A_264] {strides = array<i32>} : memref<16x128xf32, #tpu.memory_space<vmem>>, vector<1x16xf32>,
    %swap3A_266 = vector.shape_cast %swap3A_265 : vector<1x16xf32> to vector<16xf32>
    %swap3A_267 = vector.shape_cast %broadcast_in_dim3A_64 : vector<16xf32> to vector<1x16xf32>
    tpu.vector_store %arg10[%swap3A_263, %swap3A_264], %swap3A_267 {strides = array<i32>} : memref<16x128xf32, #tpu.memory_space<vmem>>, vector<1x16xf32>,
    %swap3A_268 = arith.constant 4 : i32
    %swap3A_269 = arith.index_cast %swap3A_268 : i32 to index
    %swap3A_270 = arith.constant 32 : index
    %swap3A_271 = tpu.vector_load %arg10[%swap3A_269, %swap3A_270] {strides = array<i32>} : memref<16x128xf32, #tpu.memory_space<vmem>>, vector<1x16xf32>,
    %swap3A_272 = vector.shape_cast %swap3A_271 : vector<1x16xf32> to vector<16xf32>
    %swap3A_273 = vector.shape_cast %broadcast_in_dim3A_64 : vector<16xf32> to vector<1x16xf32>
    tpu.vector_store %arg10[%swap3A_269, %swap3A_270], %swap3A_273 {strides = array<i32>} : memref<16x128xf32, #tpu.memory_space<vmem>>, vector<1x16xf32>,
    %swap3A_274 = arith.constant 4 : i32
    %swap3A_275 = arith.index_cast %swap3A_274 : i32 to index
    %swap3A_276 = arith.constant 48 : index
    %swap3A_277 = tpu.vector_load %arg10[%swap3A_275, %swap3A_276] {strides = array<i32>} : memref<16x128xf32, #tpu.memory_space<vmem>>, vector<1x16xf32>,
    %swap3A_278 = vector.shape_cast %swap3A_277 : vector<1x16xf32> to vector<16xf32>
    %swap3A_279 = vector.shape_cast %broadcast_in_dim3A_64 : vector<16xf32> to vector<1x16xf32>
    tpu.vector_store %arg10[%swap3A_275, %swap3A_276], %swap3A_279 {strides = array<i32>} : memref<16x128xf32, #tpu.memory_space<vmem>>, vector<1x16xf32>,
    %swap3A_280 = arith.constant 4 : i32
    %swap3A_281 = arith.index_cast %swap3A_280 : i32 to index
    %swap3A_282 = arith.constant 64 : index
    %swap3A_283 = tpu.vector_load %arg10[%swap3A_281, %swap3A_282] {strides = array<i32>} : memref<16x128xf32, #tpu.memory_space<vmem>>, vector<1x16xf32>,
    %swap3A_284 = vector.shape_cast %swap3A_283 : vector<1x16xf32> to vector<16xf32>
    %swap3A_285 = vector.shape_cast %broadcast_in_dim3A_64 : vector<16xf32> to vector<1x16xf32>
    tpu.vector_store %arg10[%swap3A_281, %swap3A_282], %swap3A_285 {strides = array<i32>} : memref<16x128xf32, #tpu.memory_space<vmem>>, vector<1x16xf32>,
    %swap3A_286 = arith.constant 4 : i32
    %swap3A_287 = arith.index_cast %swap3A_286 : i32 to index
    %swap3A_288 = arith.constant 80 : index
    %swap3A_289 = tpu.vector_load %arg10[%swap3A_287, %swap3A_288] {strides = array<i32>} : memref<16x128xf32, #tpu.memory_space<vmem>>, vector<1x16xf32>,
    %swap3A_290 = vector.shape_cast %swap3A_289 : vector<1x16xf32> to vector<16xf32>
    %swap3A_291 = vector.shape_cast %broadcast_in_dim3A_64 : vector<16xf32> to vector<1x16xf32>
    tpu.vector_store %arg10[%swap3A_287, %swap3A_288], %swap3A_291 {strides = array<i32>} : memref<16x128xf32, #tpu.memory_space<vmem>>, vector<1x16xf32>,
    %swap3A_292 = arith.constant 4 : i32
    %swap3A_293 = arith.index_cast %swap3A_292 : i32 to index
    %swap3A_294 = arith.constant 96 : index
    %swap3A_295 = tpu.vector_load %arg10[%swap3A_293, %swap3A_294] {strides = array<i32>} : memref<16x128xf32, #tpu.memory_space<vmem>>, vector<1x16xf32>,
    %swap3A_296 = vector.shape_cast %swap3A_295 : vector<1x16xf32> to vector<16xf32>
    %swap3A_297 = vector.shape_cast %broadcast_in_dim3A_64 : vector<16xf32> to vector<1x16xf32>
    tpu.vector_store %arg10[%swap3A_293, %swap3A_294], %swap3A_297 {strides = array<i32>} : memref<16x128xf32, #tpu.memory_space<vmem>>, vector<1x16xf32>,
    %swap3A_298 = arith.constant 4 : i32
    %swap3A_299 = arith.index_cast %swap3A_298 : i32 to index
    %swap3A_300 = arith.constant 112 : index
    %swap3A_301 = tpu.vector_load %arg10[%swap3A_299, %swap3A_300] {strides = array<i32>} : memref<16x128xf32, #tpu.memory_space<vmem>>, vector<1x16xf32>,
    %swap3A_302 = vector.shape_cast %swap3A_301 : vector<1x16xf32> to vector<16xf32>
    %swap3A_303 = vector.shape_cast %broadcast_in_dim3A_64 : vector<16xf32> to vector<1x16xf32>
    tpu.vector_store %arg10[%swap3A_299, %swap3A_300], %swap3A_303 {strides = array<i32>} : memref<16x128xf32, #tpu.memory_space<vmem>>, vector<1x16xf32>,
    %swap3A_304 = arith.constant 5 : i32
    %swap3A_305 = arith.index_cast %swap3A_304 : i32 to index
    %swap3A_306 = arith.constant 0 : index
    %swap3A_307 = tpu.vector_load %arg10[%swap3A_305, %swap3A_306] {strides = array<i32>} : memref<16x128xf32, #tpu.memory_space<vmem>>, vector<1x16xf32>,
    %swap3A_308 = vector.shape_cast %swap3A_307 : vector<1x16xf32> to vector<16xf32>
    %swap3A_309 = vector.shape_cast %broadcast_in_dim3A_64 : vector<16xf32> to vector<1x16xf32>
    tpu.vector_store %arg10[%swap3A_305, %swap3A_306], %swap3A_309 {strides = array<i32>} : memref<16x128xf32, #tpu.memory_space<vmem>>, vector<1x16xf32>,
    %swap3A_310 = arith.constant 5 : i32
    %swap3A_311 = arith.index_cast %swap3A_310 : i32 to index
    %swap3A_312 = arith.constant 16 : index
    %swap3A_313 = tpu.vector_load %arg10[%swap3A_311, %swap3A_312] {strides = array<i32>} : memref<16x128xf32, #tpu.memory_space<vmem>>, vector<1x16xf32>,
    %swap3A_314 = vector.shape_cast %swap3A_313 : vector<1x16xf32> to vector<16xf32>
    %swap3A_315 = vector.shape_cast %broadcast_in_dim3A_64 : vector<16xf32> to vector<1x16xf32>
    tpu.vector_store %arg10[%swap3A_311, %swap3A_312], %swap3A_315 {strides = array<i32>} : memref<16x128xf32, #tpu.memory_space<vmem>>, vector<1x16xf32>,
    %swap3A_316 = arith.constant 5 : i32
    %swap3A_317 = arith.index_cast %swap3A_316 : i32 to index
    %swap3A_318 = arith.constant 32 : index
    %swap3A_319 = tpu.vector_load %arg10[%swap3A_317, %swap3A_318] {strides = array<i32>} : memref<16x128xf32, #tpu.memory_space<vmem>>, vector<1x16xf32>,
    %swap3A_320 = vector.shape_cast %swap3A_319 : vector<1x16xf32> to vector<16xf32>
    %swap3A_321 = vector.shape_cast %broadcast_in_dim3A_64 : vector<16xf32> to vector<1x16xf32>
    tpu.vector_store %arg10[%swap3A_317, %swap3A_318], %swap3A_321 {strides = array<i32>} : memref<16x128xf32, #tpu.memory_space<vmem>>, vector<1x16xf32>,
    %swap3A_322 = arith.constant 5 : i32
    %swap3A_323 = arith.index_cast %swap3A_322 : i32 to index
    %swap3A_324 = arith.constant 48 : index
    %swap3A_325 = tpu.vector_load %arg10[%swap3A_323, %swap3A_324] {strides = array<i32>} : memref<16x128xf32, #tpu.memory_space<vmem>>, vector<1x16xf32>,
    %swap3A_326 = vector.shape_cast %swap3A_325 : vector<1x16xf32> to vector<16xf32>
    %swap3A_327 = vector.shape_cast %broadcast_in_dim3A_64 : vector<16xf32> to vector<1x16xf32>
    tpu.vector_store %arg10[%swap3A_323, %swap3A_324], %swap3A_327 {strides = array<i32>} : memref<16x128xf32, #tpu.memory_space<vmem>>, vector<1x16xf32>,
    %swap3A_328 = arith.constant 5 : i32
    %swap3A_329 = arith.index_cast %swap3A_328 : i32 to index
    %swap3A_330 = arith.constant 64 : index
    %swap3A_331 = tpu.vector_load %arg10[%swap3A_329, %swap3A_330] {strides = array<i32>} : memref<16x128xf32, #tpu.memory_space<vmem>>, vector<1x16xf32>,
    %swap3A_332 = vector.shape_cast %swap3A_331 : vector<1x16xf32> to vector<16xf32>
    %swap3A_333 = vector.shape_cast %broadcast_in_dim3A_64 : vector<16xf32> to vector<1x16xf32>
    tpu.vector_store %arg10[%swap3A_329, %swap3A_330], %swap3A_333 {strides = array<i32>} : memref<16x128xf32, #tpu.memory_space<vmem>>, vector<1x16xf32>,
    %swap3A_334 = arith.constant 5 : i32
    %swap3A_335 = arith.index_cast %swap3A_334 : i32 to index
    %swap3A_336 = arith.constant 80 : index
    %swap3A_337 = tpu.vector_load %arg10[%swap3A_335, %swap3A_336] {strides = array<i32>} : memref<16x128xf32, #tpu.memory_space<vmem>>, vector<1x16xf32>,
    %swap3A_338 = vector.shape_cast %swap3A_337 : vector<1x16xf32> to vector<16xf32>
    %swap3A_339 = vector.shape_cast %broadcast_in_dim3A_64 : vector<16xf32> to vector<1x16xf32>
    tpu.vector_store %arg10[%swap3A_335, %swap3A_336], %swap3A_339 {strides = array<i32>} : memref<16x128xf32, #tpu.memory_space<vmem>>, vector<1x16xf32>,
    %swap3A_340 = arith.constant 5 : i32
    %swap3A_341 = arith.index_cast %swap3A_340 : i32 to index
    %swap3A_342 = arith.constant 96 : index
    %swap3A_343 = tpu.vector_load %arg10[%swap3A_341, %swap3A_342] {strides = array<i32>} : memref<16x128xf32, #tpu.memory_space<vmem>>, vector<1x16xf32>,
    %swap3A_344 = vector.shape_cast %swap3A_343 : vector<1x16xf32> to vector<16xf32>
    %swap3A_345 = vector.shape_cast %broadcast_in_dim3A_64 : vector<16xf32> to vector<1x16xf32>
    tpu.vector_store %arg10[%swap3A_341, %swap3A_342], %swap3A_345 {strides = array<i32>} : memref<16x128xf32, #tpu.memory_space<vmem>>, vector<1x16xf32>,
    %swap3A_346 = arith.constant 5 : i32
    %swap3A_347 = arith.index_cast %swap3A_346 : i32 to index
    %swap3A_348 = arith.constant 112 : index
    %swap3A_349 = tpu.vector_load %arg10[%swap3A_347, %swap3A_348] {strides = array<i32>} : memref<16x128xf32, #tpu.memory_space<vmem>>, vector<1x16xf32>,
    %swap3A_350 = vector.shape_cast %swap3A_349 : vector<1x16xf32> to vector<16xf32>
    %swap3A_351 = vector.shape_cast %broadcast_in_dim3A_64 : vector<16xf32> to vector<1x16xf32>
    tpu.vector_store %arg10[%swap3A_347, %swap3A_348], %swap3A_351 {strides = array<i32>} : memref<16x128xf32, #tpu.memory_space<vmem>>, vector<1x16xf32>,
    %swap3A_352 = arith.constant 6 : i32
    %swap3A_353 = arith.index_cast %swap3A_352 : i32 to index
    %swap3A_354 = arith.constant 0 : index
    %swap3A_355 = tpu.vector_load %arg10[%swap3A_353, %swap3A_354] {strides = array<i32>} : memref<16x128xf32, #tpu.memory_space<vmem>>, vector<1x16xf32>,
    %swap3A_356 = vector.shape_cast %swap3A_355 : vector<1x16xf32> to vector<16xf32>
    %swap3A_357 = vector.shape_cast %broadcast_in_dim3A_64 : vector<16xf32> to vector<1x16xf32>
    tpu.vector_store %arg10[%swap3A_353, %swap3A_354], %swap3A_357 {strides = array<i32>} : memref<16x128xf32, #tpu.memory_space<vmem>>, vector<1x16xf32>,
    %swap3A_358 = arith.constant 6 : i32
    %swap3A_359 = arith.index_cast %swap3A_358 : i32 to index
    %swap3A_360 = arith.constant 16 : index
    %swap3A_361 = tpu.vector_load %arg10[%swap3A_359, %swap3A_360] {strides = array<i32>} : memref<16x128xf32, #tpu.memory_space<vmem>>, vector<1x16xf32>,
    %swap3A_362 = vector.shape_cast %swap3A_361 : vector<1x16xf32> to vector<16xf32>
    %swap3A_363 = vector.shape_cast %broadcast_in_dim3A_64 : vector<16xf32> to vector<1x16xf32>
    tpu.vector_store %arg10[%swap3A_359, %swap3A_360], %swap3A_363 {strides = array<i32>} : memref<16x128xf32, #tpu.memory_space<vmem>>, vector<1x16xf32>,
    %swap3A_364 = arith.constant 6 : i32
    %swap3A_365 = arith.index_cast %swap3A_364 : i32 to index
    %swap3A_366 = arith.constant 32 : index
    %swap3A_367 = tpu.vector_load %arg10[%swap3A_365, %swap3A_366] {strides = array<i32>} : memref<16x128xf32, #tpu.memory_space<vmem>>, vector<1x16xf32>,
    %swap3A_368 = vector.shape_cast %swap3A_367 : vector<1x16xf32> to vector<16xf32>
    %swap3A_369 = vector.shape_cast %broadcast_in_dim3A_64 : vector<16xf32> to vector<1x16xf32>
    tpu.vector_store %arg10[%swap3A_365, %swap3A_366], %swap3A_369 {strides = array<i32>} : memref<16x128xf32, #tpu.memory_space<vmem>>, vector<1x16xf32>,
    %swap3A_370 = arith.constant 6 : i32
    %swap3A_371 = arith.index_cast %swap3A_370 : i32 to index
    %swap3A_372 = arith.constant 48 : index
    %swap3A_373 = tpu.vector_load %arg10[%swap3A_371, %swap3A_372] {strides = array<i32>} : memref<16x128xf32, #tpu.memory_space<vmem>>, vector<1x16xf32>,
    %swap3A_374 = vector.shape_cast %swap3A_373 : vector<1x16xf32> to vector<16xf32>
    %swap3A_375 = vector.shape_cast %broadcast_in_dim3A_64 : vector<16xf32> to vector<1x16xf32>
    tpu.vector_store %arg10[%swap3A_371, %swap3A_372], %swap3A_375 {strides = array<i32>} : memref<16x128xf32, #tpu.memory_space<vmem>>, vector<1x16xf32>,
    %swap3A_376 = arith.constant 6 : i32
    %swap3A_377 = arith.index_cast %swap3A_376 : i32 to index
    %swap3A_378 = arith.constant 64 : index
    %swap3A_379 = tpu.vector_load %arg10[%swap3A_377, %swap3A_378] {strides = array<i32>} : memref<16x128xf32, #tpu.memory_space<vmem>>, vector<1x16xf32>,
    %swap3A_380 = vector.shape_cast %swap3A_379 : vector<1x16xf32> to vector<16xf32>
    %swap3A_381 = vector.shape_cast %broadcast_in_dim3A_64 : vector<16xf32> to vector<1x16xf32>
    tpu.vector_store %arg10[%swap3A_377, %swap3A_378], %swap3A_381 {strides = array<i32>} : memref<16x128xf32, #tpu.memory_space<vmem>>, vector<1x16xf32>,
    %swap3A_382 = arith.constant 6 : i32
    %swap3A_383 = arith.index_cast %swap3A_382 : i32 to index
    %swap3A_384 = arith.constant 80 : index
    %swap3A_385 = tpu.vector_load %arg10[%swap3A_383, %swap3A_384] {strides = array<i32>} : memref<16x128xf32, #tpu.memory_space<vmem>>, vector<1x16xf32>,
    %swap3A_386 = vector.shape_cast %swap3A_385 : vector<1x16xf32> to vector<16xf32>
    %swap3A_387 = vector.shape_cast %broadcast_in_dim3A_64 : vector<16xf32> to vector<1x16xf32>
    tpu.vector_store %arg10[%swap3A_383, %swap3A_384], %swap3A_387 {strides = array<i32>} : memref<16x128xf32, #tpu.memory_space<vmem>>, vector<1x16xf32>,
    %swap3A_388 = arith.constant 6 : i32
    %swap3A_389 = arith.index_cast %swap3A_388 : i32 to index
    %swap3A_390 = arith.constant 96 : index
    %swap3A_391 = tpu.vector_load %arg10[%swap3A_389, %swap3A_390] {strides = array<i32>} : memref<16x128xf32, #tpu.memory_space<vmem>>, vector<1x16xf32>,
    %swap3A_392 = vector.shape_cast %swap3A_391 : vector<1x16xf32> to vector<16xf32>
    %swap3A_393 = vector.shape_cast %broadcast_in_dim3A_64 : vector<16xf32> to vector<1x16xf32>
    tpu.vector_store %arg10[%swap3A_389, %swap3A_390], %swap3A_393 {strides = array<i32>} : memref<16x128xf32, #tpu.memory_space<vmem>>, vector<1x16xf32>,
    %swap3A_394 = arith.constant 6 : i32
    %swap3A_395 = arith.index_cast %swap3A_394 : i32 to index
    %swap3A_396 = arith.constant 112 : index
    %swap3A_397 = tpu.vector_load %arg10[%swap3A_395, %swap3A_396] {strides = array<i32>} : memref<16x128xf32, #tpu.memory_space<vmem>>, vector<1x16xf32>,
    %swap3A_398 = vector.shape_cast %swap3A_397 : vector<1x16xf32> to vector<16xf32>
    %swap3A_399 = vector.shape_cast %broadcast_in_dim3A_64 : vector<16xf32> to vector<1x16xf32>
    tpu.vector_store %arg10[%swap3A_395, %swap3A_396], %swap3A_399 {strides = array<i32>} : memref<16x128xf32, #tpu.memory_space<vmem>>, vector<1x16xf32>,
    %swap3A_400 = arith.constant 7 : i32
    %swap3A_401 = arith.index_cast %swap3A_400 : i32 to index
    %swap3A_402 = arith.constant 0 : index
    %swap3A_403 = tpu.vector_load %arg10[%swap3A_401, %swap3A_402] {strides = array<i32>} : memref<16x128xf32, #tpu.memory_space<vmem>>, vector<1x16xf32>,
    %swap3A_404 = vector.shape_cast %swap3A_403 : vector<1x16xf32> to vector<16xf32>
    %swap3A_405 = vector.shape_cast %broadcast_in_dim3A_64 : vector<16xf32> to vector<1x16xf32>
    tpu.vector_store %arg10[%swap3A_401, %swap3A_402], %swap3A_405 {strides = array<i32>} : memref<16x128xf32, #tpu.memory_space<vmem>>, vector<1x16xf32>,
    %swap3A_406 = arith.constant 7 : i32
    %swap3A_407 = arith.index_cast %swap3A_406 : i32 to index
    %swap3A_408 = arith.constant 16 : index
    %swap3A_409 = tpu.vector_load %arg10[%swap3A_407, %swap3A_408] {strides = array<i32>} : memref<16x128xf32, #tpu.memory_space<vmem>>, vector<1x16xf32>,
    %swap3A_410 = vector.shape_cast %swap3A_409 : vector<1x16xf32> to vector<16xf32>
    %swap3A_411 = vector.shape_cast %broadcast_in_dim3A_64 : vector<16xf32> to vector<1x16xf32>
    tpu.vector_store %arg10[%swap3A_407, %swap3A_408], %swap3A_411 {strides = array<i32>} : memref<16x128xf32, #tpu.memory_space<vmem>>, vector<1x16xf32>,
    %swap3A_412 = arith.constant 7 : i32
    %swap3A_413 = arith.index_cast %swap3A_412 : i32 to index
    %swap3A_414 = arith.constant 32 : index
    %swap3A_415 = tpu.vector_load %arg10[%swap3A_413, %swap3A_414] {strides = array<i32>} : memref<16x128xf32, #tpu.memory_space<vmem>>, vector<1x16xf32>,
    %swap3A_416 = vector.shape_cast %swap3A_415 : vector<1x16xf32> to vector<16xf32>
    %swap3A_417 = vector.shape_cast %broadcast_in_dim3A_64 : vector<16xf32> to vector<1x16xf32>
    tpu.vector_store %arg10[%swap3A_413, %swap3A_414], %swap3A_417 {strides = array<i32>} : memref<16x128xf32, #tpu.memory_space<vmem>>, vector<1x16xf32>,
    %swap3A_418 = arith.constant 7 : i32
    %swap3A_419 = arith.index_cast %swap3A_418 : i32 to index
    %swap3A_420 = arith.constant 48 : index
    %swap3A_421 = tpu.vector_load %arg10[%swap3A_419, %swap3A_420] {strides = array<i32>} : memref<16x128xf32, #tpu.memory_space<vmem>>, vector<1x16xf32>,
    %swap3A_422 = vector.shape_cast %swap3A_421 : vector<1x16xf32> to vector<16xf32>
    %swap3A_423 = vector.shape_cast %broadcast_in_dim3A_64 : vector<16xf32> to vector<1x16xf32>
    tpu.vector_store %arg10[%swap3A_419, %swap3A_420], %swap3A_423 {strides = array<i32>} : memref<16x128xf32, #tpu.memory_space<vmem>>, vector<1x16xf32>,
    %swap3A_424 = arith.constant 7 : i32
    %swap3A_425 = arith.index_cast %swap3A_424 : i32 to index
    %swap3A_426 = arith.constant 64 : index
    %swap3A_427 = tpu.vector_load %arg10[%swap3A_425, %swap3A_426] {strides = array<i32>} : memref<16x128xf32, #tpu.memory_space<vmem>>, vector<1x16xf32>,
    %swap3A_428 = vector.shape_cast %swap3A_427 : vector<1x16xf32> to vector<16xf32>
    %swap3A_429 = vector.shape_cast %broadcast_in_dim3A_64 : vector<16xf32> to vector<1x16xf32>
    tpu.vector_store %arg10[%swap3A_425, %swap3A_426], %swap3A_429 {strides = array<i32>} : memref<16x128xf32, #tpu.memory_space<vmem>>, vector<1x16xf32>,
    %swap3A_430 = arith.constant 7 : i32
    %swap3A_431 = arith.index_cast %swap3A_430 : i32 to index
    %swap3A_432 = arith.constant 80 : index
    %swap3A_433 = tpu.vector_load %arg10[%swap3A_431, %swap3A_432] {strides = array<i32>} : memref<16x128xf32, #tpu.memory_space<vmem>>, vector<1x16xf32>,
    %swap3A_434 = vector.shape_cast %swap3A_433 : vector<1x16xf32> to vector<16xf32>
    %swap3A_435 = vector.shape_cast %broadcast_in_dim3A_64 : vector<16xf32> to vector<1x16xf32>
    tpu.vector_store %arg10[%swap3A_431, %swap3A_432], %swap3A_435 {strides = array<i32>} : memref<16x128xf32, #tpu.memory_space<vmem>>, vector<1x16xf32>,
    %swap3A_436 = arith.constant 7 : i32
    %swap3A_437 = arith.index_cast %swap3A_436 : i32 to index
    %swap3A_438 = arith.constant 96 : index
    %swap3A_439 = tpu.vector_load %arg10[%swap3A_437, %swap3A_438] {strides = array<i32>} : memref<16x128xf32, #tpu.memory_space<vmem>>, vector<1x16xf32>,
    %swap3A_440 = vector.shape_cast %swap3A_439 : vector<1x16xf32> to vector<16xf32>
    %swap3A_441 = vector.shape_cast %broadcast_in_dim3A_64 : vector<16xf32> to vector<1x16xf32>
    tpu.vector_store %arg10[%swap3A_437, %swap3A_438], %swap3A_441 {strides = array<i32>} : memref<16x128xf32, #tpu.memory_space<vmem>>, vector<1x16xf32>,
    %swap3A_442 = arith.constant 7 : i32
    %swap3A_443 = arith.index_cast %swap3A_442 : i32 to index
    %swap3A_444 = arith.constant 112 : index
    %swap3A_445 = tpu.vector_load %arg10[%swap3A_443, %swap3A_444] {strides = array<i32>} : memref<16x128xf32, #tpu.memory_space<vmem>>, vector<1x16xf32>,
    %swap3A_446 = vector.shape_cast %swap3A_445 : vector<1x16xf32> to vector<16xf32>
    %swap3A_447 = vector.shape_cast %broadcast_in_dim3A_64 : vector<16xf32> to vector<1x16xf32>
    tpu.vector_store %arg10[%swap3A_443, %swap3A_444], %swap3A_447 {strides = array<i32>} : memref<16x128xf32, #tpu.memory_space<vmem>>, vector<1x16xf32>,
    %swap3A_448 = arith.constant 8 : i32
    %swap3A_449 = arith.index_cast %swap3A_448 : i32 to index
    %swap3A_450 = arith.constant 0 : index
    %swap3A_451 = tpu.vector_load %arg10[%swap3A_449, %swap3A_450] {strides = array<i32>} : memref<16x128xf32, #tpu.memory_space<vmem>>, vector<1x16xf32>,
    %swap3A_452 = vector.shape_cast %swap3A_451 : vector<1x16xf32> to vector<16xf32>
    %swap3A_453 = vector.shape_cast %broadcast_in_dim3A_64 : vector<16xf32> to vector<1x16xf32>
    tpu.vector_store %arg10[%swap3A_449, %swap3A_450], %swap3A_453 {strides = array<i32>} : memref<16x128xf32, #tpu.memory_space<vmem>>, vector<1x16xf32>,
    %swap3A_454 = arith.constant 8 : i32
    %swap3A_455 = arith.index_cast %swap3A_454 : i32 to index
    %swap3A_456 = arith.constant 16 : index
    %swap3A_457 = tpu.vector_load %arg10[%swap3A_455, %swap3A_456] {strides = array<i32>} : memref<16x128xf32, #tpu.memory_space<vmem>>, vector<1x16xf32>,
    %swap3A_458 = vector.shape_cast %swap3A_457 : vector<1x16xf32> to vector<16xf32>
    %swap3A_459 = vector.shape_cast %broadcast_in_dim3A_64 : vector<16xf32> to vector<1x16xf32>
    tpu.vector_store %arg10[%swap3A_455, %swap3A_456], %swap3A_459 {strides = array<i32>} : memref<16x128xf32, #tpu.memory_space<vmem>>, vector<1x16xf32>,
    %swap3A_460 = arith.constant 8 : i32
    %swap3A_461 = arith.index_cast %swap3A_460 : i32 to index
    %swap3A_462 = arith.constant 32 : index
    %swap3A_463 = tpu.vector_load %arg10[%swap3A_461, %swap3A_462] {strides = array<i32>} : memref<16x128xf32, #tpu.memory_space<vmem>>, vector<1x16xf32>,
    %swap3A_464 = vector.shape_cast %swap3A_463 : vector<1x16xf32> to vector<16xf32>
    %swap3A_465 = vector.shape_cast %broadcast_in_dim3A_64 : vector<16xf32> to vector<1x16xf32>
    tpu.vector_store %arg10[%swap3A_461, %swap3A_462], %swap3A_465 {strides = array<i32>} : memref<16x128xf32, #tpu.memory_space<vmem>>, vector<1x16xf32>,
    %swap3A_466 = arith.constant 8 : i32
    %swap3A_467 = arith.index_cast %swap3A_466 : i32 to index
    %swap3A_468 = arith.constant 48 : index
    %swap3A_469 = tpu.vector_load %arg10[%swap3A_467, %swap3A_468] {strides = array<i32>} : memref<16x128xf32, #tpu.memory_space<vmem>>, vector<1x16xf32>,
    %swap3A_470 = vector.shape_cast %swap3A_469 : vector<1x16xf32> to vector<16xf32>
    %swap3A_471 = vector.shape_cast %broadcast_in_dim3A_64 : vector<16xf32> to vector<1x16xf32>
    tpu.vector_store %arg10[%swap3A_467, %swap3A_468], %swap3A_471 {strides = array<i32>} : memref<16x128xf32, #tpu.memory_space<vmem>>, vector<1x16xf32>,
    %swap3A_472 = arith.constant 8 : i32
    %swap3A_473 = arith.index_cast %swap3A_472 : i32 to index
    %swap3A_474 = arith.constant 64 : index
    %swap3A_475 = tpu.vector_load %arg10[%swap3A_473, %swap3A_474] {strides = array<i32>} : memref<16x128xf32, #tpu.memory_space<vmem>>, vector<1x16xf32>,
    %swap3A_476 = vector.shape_cast %swap3A_475 : vector<1x16xf32> to vector<16xf32>
    %swap3A_477 = vector.shape_cast %broadcast_in_dim3A_64 : vector<16xf32> to vector<1x16xf32>
    tpu.vector_store %arg10[%swap3A_473, %swap3A_474], %swap3A_477 {strides = array<i32>} : memref<16x128xf32, #tpu.memory_space<vmem>>, vector<1x16xf32>,
    %swap3A_478 = arith.constant 8 : i32
    %swap3A_479 = arith.index_cast %swap3A_478 : i32 to index
    %swap3A_480 = arith.constant 80 : index
    %swap3A_481 = tpu.vector_load %arg10[%swap3A_479, %swap3A_480] {strides = array<i32>} : memref<16x128xf32, #tpu.memory_space<vmem>>, vector<1x16xf32>,
    %swap3A_482 = vector.shape_cast %swap3A_481 : vector<1x16xf32> to vector<16xf32>
    %swap3A_483 = vector.shape_cast %broadcast_in_dim3A_64 : vector<16xf32> to vector<1x16xf32>
    tpu.vector_store %arg10[%swap3A_479, %swap3A_480], %swap3A_483 {strides = array<i32>} : memref<16x128xf32, #tpu.memory_space<vmem>>, vector<1x16xf32>,
    %swap3A_484 = arith.constant 8 : i32
    %swap3A_485 = arith.index_cast %swap3A_484 : i32 to index
    %swap3A_486 = arith.constant 96 : index
    %swap3A_487 = tpu.vector_load %arg10[%swap3A_485, %swap3A_486] {strides = array<i32>} : memref<16x128xf32, #tpu.memory_space<vmem>>, vector<1x16xf32>,
    %swap3A_488 = vector.shape_cast %swap3A_487 : vector<1x16xf32> to vector<16xf32>
    %swap3A_489 = vector.shape_cast %broadcast_in_dim3A_64 : vector<16xf32> to vector<1x16xf32>
    tpu.vector_store %arg10[%swap3A_485, %swap3A_486], %swap3A_489 {strides = array<i32>} : memref<16x128xf32, #tpu.memory_space<vmem>>, vector<1x16xf32>,
    %swap3A_490 = arith.constant 8 : i32
    %swap3A_491 = arith.index_cast %swap3A_490 : i32 to index
    %swap3A_492 = arith.constant 112 : index
    %swap3A_493 = tpu.vector_load %arg10[%swap3A_491, %swap3A_492] {strides = array<i32>} : memref<16x128xf32, #tpu.memory_space<vmem>>, vector<1x16xf32>,
    %swap3A_494 = vector.shape_cast %swap3A_493 : vector<1x16xf32> to vector<16xf32>
    %swap3A_495 = vector.shape_cast %broadcast_in_dim3A_64 : vector<16xf32> to vector<1x16xf32>
    tpu.vector_store %arg10[%swap3A_491, %swap3A_492], %swap3A_495 {strides = array<i32>} : memref<16x128xf32, #tpu.memory_space<vmem>>, vector<1x16xf32>,
    %swap3A_496 = arith.constant 9 : i32
    %swap3A_497 = arith.index_cast %swap3A_496 : i32 to index
    %swap3A_498 = arith.constant 0 : index
    %swap3A_499 = tpu.vector_load %arg10[%swap3A_497, %swap3A_498] {strides = array<i32>} : memref<16x128xf32, #tpu.memory_space<vmem>>, vector<1x16xf32>,
    %swap3A_500 = vector.shape_cast %swap3A_499 : vector<1x16xf32> to vector<16xf32>
    %swap3A_501 = vector.shape_cast %broadcast_in_dim3A_64 : vector<16xf32> to vector<1x16xf32>
    tpu.vector_store %arg10[%swap3A_497, %swap3A_498], %swap3A_501 {strides = array<i32>} : memref<16x128xf32, #tpu.memory_space<vmem>>, vector<1x16xf32>,
    %swap3A_502 = arith.constant 9 : i32
    %swap3A_503 = arith.index_cast %swap3A_502 : i32 to index
    %swap3A_504 = arith.constant 16 : index
    %swap3A_505 = tpu.vector_load %arg10[%swap3A_503, %swap3A_504] {strides = array<i32>} : memref<16x128xf32, #tpu.memory_space<vmem>>, vector<1x16xf32>,
    %swap3A_506 = vector.shape_cast %swap3A_505 : vector<1x16xf32> to vector<16xf32>
    %swap3A_507 = vector.shape_cast %broadcast_in_dim3A_64 : vector<16xf32> to vector<1x16xf32>
    tpu.vector_store %arg10[%swap3A_503, %swap3A_504], %swap3A_507 {strides = array<i32>} : memref<16x128xf32, #tpu.memory_space<vmem>>, vector<1x16xf32>,
    %swap3A_508 = arith.constant 9 : i32
    %swap3A_509 = arith.index_cast %swap3A_508 : i32 to index
    %swap3A_510 = arith.constant 32 : index
    %swap3A_511 = tpu.vector_load %arg10[%swap3A_509, %swap3A_510] {strides = array<i32>} : memref<16x128xf32, #tpu.memory_space<vmem>>, vector<1x16xf32>,
    %swap3A_512 = vector.shape_cast %swap3A_511 : vector<1x16xf32> to vector<16xf32>
    %swap3A_513 = vector.shape_cast %broadcast_in_dim3A_64 : vector<16xf32> to vector<1x16xf32>
    tpu.vector_store %arg10[%swap3A_509, %swap3A_510], %swap3A_513 {strides = array<i32>} : memref<16x128xf32, #tpu.memory_space<vmem>>, vector<1x16xf32>,
    %swap3A_514 = arith.constant 9 : i32
    %swap3A_515 = arith.index_cast %swap3A_514 : i32 to index
    %swap3A_516 = arith.constant 48 : index
    %swap3A_517 = tpu.vector_load %arg10[%swap3A_515, %swap3A_516] {strides = array<i32>} : memref<16x128xf32, #tpu.memory_space<vmem>>, vector<1x16xf32>,
    %swap3A_518 = vector.shape_cast %swap3A_517 : vector<1x16xf32> to vector<16xf32>
    %swap3A_519 = vector.shape_cast %broadcast_in_dim3A_64 : vector<16xf32> to vector<1x16xf32>
    tpu.vector_store %arg10[%swap3A_515, %swap3A_516], %swap3A_519 {strides = array<i32>} : memref<16x128xf32, #tpu.memory_space<vmem>>, vector<1x16xf32>,
    %swap3A_520 = arith.constant 9 : i32
    %swap3A_521 = arith.index_cast %swap3A_520 : i32 to index
    %swap3A_522 = arith.constant 64 : index
    %swap3A_523 = tpu.vector_load %arg10[%swap3A_521, %swap3A_522] {strides = array<i32>} : memref<16x128xf32, #tpu.memory_space<vmem>>, vector<1x16xf32>,
    %swap3A_524 = vector.shape_cast %swap3A_523 : vector<1x16xf32> to vector<16xf32>
    %swap3A_525 = vector.shape_cast %broadcast_in_dim3A_64 : vector<16xf32> to vector<1x16xf32>
    tpu.vector_store %arg10[%swap3A_521, %swap3A_522], %swap3A_525 {strides = array<i32>} : memref<16x128xf32, #tpu.memory_space<vmem>>, vector<1x16xf32>,
    %swap3A_526 = arith.constant 9 : i32
    %swap3A_527 = arith.index_cast %swap3A_526 : i32 to index
    %swap3A_528 = arith.constant 80 : index
    %swap3A_529 = tpu.vector_load %arg10[%swap3A_527, %swap3A_528] {strides = array<i32>} : memref<16x128xf32, #tpu.memory_space<vmem>>, vector<1x16xf32>,
    %swap3A_530 = vector.shape_cast %swap3A_529 : vector<1x16xf32> to vector<16xf32>
    %swap3A_531 = vector.shape_cast %broadcast_in_dim3A_64 : vector<16xf32> to vector<1x16xf32>
    tpu.vector_store %arg10[%swap3A_527, %swap3A_528], %swap3A_531 {strides = array<i32>} : memref<16x128xf32, #tpu.memory_space<vmem>>, vector<1x16xf32>,
    %swap3A_532 = arith.constant 9 : i32
    %swap3A_533 = arith.index_cast %swap3A_532 : i32 to index
    %swap3A_534 = arith.constant 96 : index
    %swap3A_535 = tpu.vector_load %arg10[%swap3A_533, %swap3A_534] {strides = array<i32>} : memref<16x128xf32, #tpu.memory_space<vmem>>, vector<1x16xf32>,
    %swap3A_536 = vector.shape_cast %swap3A_535 : vector<1x16xf32> to vector<16xf32>
    %swap3A_537 = vector.shape_cast %broadcast_in_dim3A_64 : vector<16xf32> to vector<1x16xf32>
    tpu.vector_store %arg10[%swap3A_533, %swap3A_534], %swap3A_537 {strides = array<i32>} : memref<16x128xf32, #tpu.memory_space<vmem>>, vector<1x16xf32>,
    %swap3A_538 = arith.constant 9 : i32
    %swap3A_539 = arith.index_cast %swap3A_538 : i32 to index
    %swap3A_540 = arith.constant 112 : index
    %swap3A_541 = tpu.vector_load %arg10[%swap3A_539, %swap3A_540] {strides = array<i32>} : memref<16x128xf32, #tpu.memory_space<vmem>>, vector<1x16xf32>,
    %swap3A_542 = vector.shape_cast %swap3A_541 : vector<1x16xf32> to vector<16xf32>
    %swap3A_543 = vector.shape_cast %broadcast_in_dim3A_64 : vector<16xf32> to vector<1x16xf32>
    tpu.vector_store %arg10[%swap3A_539, %swap3A_540], %swap3A_543 {strides = array<i32>} : memref<16x128xf32, #tpu.memory_space<vmem>>, vector<1x16xf32>,
    %swap3A_544 = arith.constant 10 : i32
    %swap3A_545 = arith.index_cast %swap3A_544 : i32 to index
    %swap3A_546 = arith.constant 0 : index
    %swap3A_547 = tpu.vector_load %arg10[%swap3A_545, %swap3A_546] {strides = array<i32>} : memref<16x128xf32, #tpu.memory_space<vmem>>, vector<1x16xf32>,
    %swap3A_548 = vector.shape_cast %swap3A_547 : vector<1x16xf32> to vector<16xf32>
    %swap3A_549 = vector.shape_cast %broadcast_in_dim3A_64 : vector<16xf32> to vector<1x16xf32>
    tpu.vector_store %arg10[%swap3A_545, %swap3A_546], %swap3A_549 {strides = array<i32>} : memref<16x128xf32, #tpu.memory_space<vmem>>, vector<1x16xf32>,
    %swap3A_550 = arith.constant 10 : i32
    %swap3A_551 = arith.index_cast %swap3A_550 : i32 to index
    %swap3A_552 = arith.constant 16 : index
    %swap3A_553 = tpu.vector_load %arg10[%swap3A_551, %swap3A_552] {strides = array<i32>} : memref<16x128xf32, #tpu.memory_space<vmem>>, vector<1x16xf32>,
    %swap3A_554 = vector.shape_cast %swap3A_553 : vector<1x16xf32> to vector<16xf32>
    %swap3A_555 = vector.shape_cast %broadcast_in_dim3A_64 : vector<16xf32> to vector<1x16xf32>
    tpu.vector_store %arg10[%swap3A_551, %swap3A_552], %swap3A_555 {strides = array<i32>} : memref<16x128xf32, #tpu.memory_space<vmem>>, vector<1x16xf32>,
    %swap3A_556 = arith.constant 10 : i32
    %swap3A_557 = arith.index_cast %swap3A_556 : i32 to index
    %swap3A_558 = arith.constant 32 : index
    %swap3A_559 = tpu.vector_load %arg10[%swap3A_557, %swap3A_558] {strides = array<i32>} : memref<16x128xf32, #tpu.memory_space<vmem>>, vector<1x16xf32>,
    %swap3A_560 = vector.shape_cast %swap3A_559 : vector<1x16xf32> to vector<16xf32>
    %swap3A_561 = vector.shape_cast %broadcast_in_dim3A_64 : vector<16xf32> to vector<1x16xf32>
    tpu.vector_store %arg10[%swap3A_557, %swap3A_558], %swap3A_561 {strides = array<i32>} : memref<16x128xf32, #tpu.memory_space<vmem>>, vector<1x16xf32>,
    %swap3A_562 = arith.constant 10 : i32
    %swap3A_563 = arith.index_cast %swap3A_562 : i32 to index
    %swap3A_564 = arith.constant 48 : index
    %swap3A_565 = tpu.vector_load %arg10[%swap3A_563, %swap3A_564] {strides = array<i32>} : memref<16x128xf32, #tpu.memory_space<vmem>>, vector<1x16xf32>,
    %swap3A_566 = vector.shape_cast %swap3A_565 : vector<1x16xf32> to vector<16xf32>
    %swap3A_567 = vector.shape_cast %broadcast_in_dim3A_64 : vector<16xf32> to vector<1x16xf32>
    tpu.vector_store %arg10[%swap3A_563, %swap3A_564], %swap3A_567 {strides = array<i32>} : memref<16x128xf32, #tpu.memory_space<vmem>>, vector<1x16xf32>,
    %swap3A_568 = arith.constant 10 : i32
    %swap3A_569 = arith.index_cast %swap3A_568 : i32 to index
    %swap3A_570 = arith.constant 64 : index
    %swap3A_571 = tpu.vector_load %arg10[%swap3A_569, %swap3A_570] {strides = array<i32>} : memref<16x128xf32, #tpu.memory_space<vmem>>, vector<1x16xf32>,
    %swap3A_572 = vector.shape_cast %swap3A_571 : vector<1x16xf32> to vector<16xf32>
    %swap3A_573 = vector.shape_cast %broadcast_in_dim3A_64 : vector<16xf32> to vector<1x16xf32>
    tpu.vector_store %arg10[%swap3A_569, %swap3A_570], %swap3A_573 {strides = array<i32>} : memref<16x128xf32, #tpu.memory_space<vmem>>, vector<1x16xf32>,
    %swap3A_574 = arith.constant 10 : i32
    %swap3A_575 = arith.index_cast %swap3A_574 : i32 to index
    %swap3A_576 = arith.constant 80 : index
    %swap3A_577 = tpu.vector_load %arg10[%swap3A_575, %swap3A_576] {strides = array<i32>} : memref<16x128xf32, #tpu.memory_space<vmem>>, vector<1x16xf32>,
    %swap3A_578 = vector.shape_cast %swap3A_577 : vector<1x16xf32> to vector<16xf32>
    %swap3A_579 = vector.shape_cast %broadcast_in_dim3A_64 : vector<16xf32> to vector<1x16xf32>
    tpu.vector_store %arg10[%swap3A_575, %swap3A_576], %swap3A_579 {strides = array<i32>} : memref<16x128xf32, #tpu.memory_space<vmem>>, vector<1x16xf32>,
    %swap3A_580 = arith.constant 10 : i32
    %swap3A_581 = arith.index_cast %swap3A_580 : i32 to index
    %swap3A_582 = arith.constant 96 : index
    %swap3A_583 = tpu.vector_load %arg10[%swap3A_581, %swap3A_582] {strides = array<i32>} : memref<16x128xf32, #tpu.memory_space<vmem>>, vector<1x16xf32>,
    %swap3A_584 = vector.shape_cast %swap3A_583 : vector<1x16xf32> to vector<16xf32>
    %swap3A_585 = vector.shape_cast %broadcast_in_dim3A_64 : vector<16xf32> to vector<1x16xf32>
    tpu.vector_store %arg10[%swap3A_581, %swap3A_582], %swap3A_585 {strides = array<i32>} : memref<16x128xf32, #tpu.memory_space<vmem>>, vector<1x16xf32>,
    %swap3A_586 = arith.constant 10 : i32
    %swap3A_587 = arith.index_cast %swap3A_586 : i32 to index
    %swap3A_588 = arith.constant 112 : index
    %swap3A_589 = tpu.vector_load %arg10[%swap3A_587, %swap3A_588] {strides = array<i32>} : memref<16x128xf32, #tpu.memory_space<vmem>>, vector<1x16xf32>,
    %swap3A_590 = vector.shape_cast %swap3A_589 : vector<1x16xf32> to vector<16xf32>
    %swap3A_591 = vector.shape_cast %broadcast_in_dim3A_64 : vector<16xf32> to vector<1x16xf32>
    tpu.vector_store %arg10[%swap3A_587, %swap3A_588], %swap3A_591 {strides = array<i32>} : memref<16x128xf32, #tpu.memory_space<vmem>>, vector<1x16xf32>,
    %swap3A_592 = arith.constant 11 : i32
    %swap3A_593 = arith.index_cast %swap3A_592 : i32 to index
    %swap3A_594 = arith.constant 0 : index
    %swap3A_595 = tpu.vector_load %arg10[%swap3A_593, %swap3A_594] {strides = array<i32>} : memref<16x128xf32, #tpu.memory_space<vmem>>, vector<1x16xf32>,
    %swap3A_596 = vector.shape_cast %swap3A_595 : vector<1x16xf32> to vector<16xf32>
    %swap3A_597 = vector.shape_cast %broadcast_in_dim3A_64 : vector<16xf32> to vector<1x16xf32>
    tpu.vector_store %arg10[%swap3A_593, %swap3A_594], %swap3A_597 {strides = array<i32>} : memref<16x128xf32, #tpu.memory_space<vmem>>, vector<1x16xf32>,
    %swap3A_598 = arith.constant 11 : i32
    %swap3A_599 = arith.index_cast %swap3A_598 : i32 to index
    %swap3A_600 = arith.constant 16 : index
    %swap3A_601 = tpu.vector_load %arg10[%swap3A_599, %swap3A_600] {strides = array<i32>} : memref<16x128xf32, #tpu.memory_space<vmem>>, vector<1x16xf32>,
    %swap3A_602 = vector.shape_cast %swap3A_601 : vector<1x16xf32> to vector<16xf32>
    %swap3A_603 = vector.shape_cast %broadcast_in_dim3A_64 : vector<16xf32> to vector<1x16xf32>
    tpu.vector_store %arg10[%swap3A_599, %swap3A_600], %swap3A_603 {strides = array<i32>} : memref<16x128xf32, #tpu.memory_space<vmem>>, vector<1x16xf32>,
    %swap3A_604 = arith.constant 11 : i32
    %swap3A_605 = arith.index_cast %swap3A_604 : i32 to index
    %swap3A_606 = arith.constant 32 : index
    %swap3A_607 = tpu.vector_load %arg10[%swap3A_605, %swap3A_606] {strides = array<i32>} : memref<16x128xf32, #tpu.memory_space<vmem>>, vector<1x16xf32>,
    %swap3A_608 = vector.shape_cast %swap3A_607 : vector<1x16xf32> to vector<16xf32>
    %swap3A_609 = vector.shape_cast %broadcast_in_dim3A_64 : vector<16xf32> to vector<1x16xf32>
    tpu.vector_store %arg10[%swap3A_605, %swap3A_606], %swap3A_609 {strides = array<i32>} : memref<16x128xf32, #tpu.memory_space<vmem>>, vector<1x16xf32>,
    %swap3A_610 = arith.constant 11 : i32
    %swap3A_611 = arith.index_cast %swap3A_610 : i32 to index
    %swap3A_612 = arith.constant 48 : index
    %swap3A_613 = tpu.vector_load %arg10[%swap3A_611, %swap3A_612] {strides = array<i32>} : memref<16x128xf32, #tpu.memory_space<vmem>>, vector<1x16xf32>,
    %swap3A_614 = vector.shape_cast %swap3A_613 : vector<1x16xf32> to vector<16xf32>
    %swap3A_615 = vector.shape_cast %broadcast_in_dim3A_64 : vector<16xf32> to vector<1x16xf32>
    tpu.vector_store %arg10[%swap3A_611, %swap3A_612], %swap3A_615 {strides = array<i32>} : memref<16x128xf32, #tpu.memory_space<vmem>>, vector<1x16xf32>,
    %swap3A_616 = arith.constant 11 : i32
    %swap3A_617 = arith.index_cast %swap3A_616 : i32 to index
    %swap3A_618 = arith.constant 64 : index
    %swap3A_619 = tpu.vector_load %arg10[%swap3A_617, %swap3A_618] {strides = array<i32>} : memref<16x128xf32, #tpu.memory_space<vmem>>, vector<1x16xf32>,
    %swap3A_620 = vector.shape_cast %swap3A_619 : vector<1x16xf32> to vector<16xf32>
    %swap3A_621 = vector.shape_cast %broadcast_in_dim3A_64 : vector<16xf32> to vector<1x16xf32>
    tpu.vector_store %arg10[%swap3A_617, %swap3A_618], %swap3A_621 {strides = array<i32>} : memref<16x128xf32, #tpu.memory_space<vmem>>, vector<1x16xf32>,
    %swap3A_622 = arith.constant 11 : i32
    %swap3A_623 = arith.index_cast %swap3A_622 : i32 to index
    %swap3A_624 = arith.constant 80 : index
    %swap3A_625 = tpu.vector_load %arg10[%swap3A_623, %swap3A_624] {strides = array<i32>} : memref<16x128xf32, #tpu.memory_space<vmem>>, vector<1x16xf32>,
    %swap3A_626 = vector.shape_cast %swap3A_625 : vector<1x16xf32> to vector<16xf32>
    %swap3A_627 = vector.shape_cast %broadcast_in_dim3A_64 : vector<16xf32> to vector<1x16xf32>
    tpu.vector_store %arg10[%swap3A_623, %swap3A_624], %swap3A_627 {strides = array<i32>} : memref<16x128xf32, #tpu.memory_space<vmem>>, vector<1x16xf32>,
    %swap3A_628 = arith.constant 11 : i32
    %swap3A_629 = arith.index_cast %swap3A_628 : i32 to index
    %swap3A_630 = arith.constant 96 : index
    %swap3A_631 = tpu.vector_load %arg10[%swap3A_629, %swap3A_630] {strides = array<i32>} : memref<16x128xf32, #tpu.memory_space<vmem>>, vector<1x16xf32>,
    %swap3A_632 = vector.shape_cast %swap3A_631 : vector<1x16xf32> to vector<16xf32>
    %swap3A_633 = vector.shape_cast %broadcast_in_dim3A_64 : vector<16xf32> to vector<1x16xf32>
    tpu.vector_store %arg10[%swap3A_629, %swap3A_630], %swap3A_633 {strides = array<i32>} : memref<16x128xf32, #tpu.memory_space<vmem>>, vector<1x16xf32>,
    %swap3A_634 = arith.constant 11 : i32
    %swap3A_635 = arith.index_cast %swap3A_634 : i32 to index
    %swap3A_636 = arith.constant 112 : index
    %swap3A_637 = tpu.vector_load %arg10[%swap3A_635, %swap3A_636] {strides = array<i32>} : memref<16x128xf32, #tpu.memory_space<vmem>>, vector<1x16xf32>,
    %swap3A_638 = vector.shape_cast %swap3A_637 : vector<1x16xf32> to vector<16xf32>
    %swap3A_639 = vector.shape_cast %broadcast_in_dim3A_64 : vector<16xf32> to vector<1x16xf32>
    tpu.vector_store %arg10[%swap3A_635, %swap3A_636], %swap3A_639 {strides = array<i32>} : memref<16x128xf32, #tpu.memory_space<vmem>>, vector<1x16xf32>,
    %swap3A_640 = arith.constant 12 : i32
    %swap3A_641 = arith.index_cast %swap3A_640 : i32 to index
    %swap3A_642 = arith.constant 0 : index
    %swap3A_643 = tpu.vector_load %arg10[%swap3A_641, %swap3A_642] {strides = array<i32>} : memref<16x128xf32, #tpu.memory_space<vmem>>, vector<1x16xf32>,
    %swap3A_644 = vector.shape_cast %swap3A_643 : vector<1x16xf32> to vector<16xf32>
    %swap3A_645 = vector.shape_cast %broadcast_in_dim3A_64 : vector<16xf32> to vector<1x16xf32>
    tpu.vector_store %arg10[%swap3A_641, %swap3A_642], %swap3A_645 {strides = array<i32>} : memref<16x128xf32, #tpu.memory_space<vmem>>, vector<1x16xf32>,
    %swap3A_646 = arith.constant 12 : i32
    %swap3A_647 = arith.index_cast %swap3A_646 : i32 to index
    %swap3A_648 = arith.constant 16 : index
    %swap3A_649 = tpu.vector_load %arg10[%swap3A_647, %swap3A_648] {strides = array<i32>} : memref<16x128xf32, #tpu.memory_space<vmem>>, vector<1x16xf32>,
    %swap3A_650 = vector.shape_cast %swap3A_649 : vector<1x16xf32> to vector<16xf32>
    %swap3A_651 = vector.shape_cast %broadcast_in_dim3A_64 : vector<16xf32> to vector<1x16xf32>
    tpu.vector_store %arg10[%swap3A_647, %swap3A_648], %swap3A_651 {strides = array<i32>} : memref<16x128xf32, #tpu.memory_space<vmem>>, vector<1x16xf32>,
    %swap3A_652 = arith.constant 12 : i32
    %swap3A_653 = arith.index_cast %swap3A_652 : i32 to index
    %swap3A_654 = arith.constant 32 : index
    %swap3A_655 = tpu.vector_load %arg10[%swap3A_653, %swap3A_654] {strides = array<i32>} : memref<16x128xf32, #tpu.memory_space<vmem>>, vector<1x16xf32>,
    %swap3A_656 = vector.shape_cast %swap3A_655 : vector<1x16xf32> to vector<16xf32>
    %swap3A_657 = vector.shape_cast %broadcast_in_dim3A_64 : vector<16xf32> to vector<1x16xf32>
    tpu.vector_store %arg10[%swap3A_653, %swap3A_654], %swap3A_657 {strides = array<i32>} : memref<16x128xf32, #tpu.memory_space<vmem>>, vector<1x16xf32>,
    %swap3A_658 = arith.constant 12 : i32
    %swap3A_659 = arith.index_cast %swap3A_658 : i32 to index
    %swap3A_660 = arith.constant 48 : index
    %swap3A_661 = tpu.vector_load %arg10[%swap3A_659, %swap3A_660] {strides = array<i32>} : memref<16x128xf32, #tpu.memory_space<vmem>>, vector<1x16xf32>,
    %swap3A_662 = vector.shape_cast %swap3A_661 : vector<1x16xf32> to vector<16xf32>
    %swap3A_663 = vector.shape_cast %broadcast_in_dim3A_64 : vector<16xf32> to vector<1x16xf32>
    tpu.vector_store %arg10[%swap3A_659, %swap3A_660], %swap3A_663 {strides = array<i32>} : memref<16x128xf32, #tpu.memory_space<vmem>>, vector<1x16xf32>,
    %swap3A_664 = arith.constant 12 : i32
    %swap3A_665 = arith.index_cast %swap3A_664 : i32 to index
    %swap3A_666 = arith.constant 64 : index
    %swap3A_667 = tpu.vector_load %arg10[%swap3A_665, %swap3A_666] {strides = array<i32>} : memref<16x128xf32, #tpu.memory_space<vmem>>, vector<1x16xf32>,
    %swap3A_668 = vector.shape_cast %swap3A_667 : vector<1x16xf32> to vector<16xf32>
    %swap3A_669 = vector.shape_cast %broadcast_in_dim3A_64 : vector<16xf32> to vector<1x16xf32>
    tpu.vector_store %arg10[%swap3A_665, %swap3A_666], %swap3A_669 {strides = array<i32>} : memref<16x128xf32, #tpu.memory_space<vmem>>, vector<1x16xf32>,
    %swap3A_670 = arith.constant 12 : i32
    %swap3A_671 = arith.index_cast %swap3A_670 : i32 to index
    %swap3A_672 = arith.constant 80 : index
    %swap3A_673 = tpu.vector_load %arg10[%swap3A_671, %swap3A_672] {strides = array<i32>} : memref<16x128xf32, #tpu.memory_space<vmem>>, vector<1x16xf32>,
    %swap3A_674 = vector.shape_cast %swap3A_673 : vector<1x16xf32> to vector<16xf32>
    %swap3A_675 = vector.shape_cast %broadcast_in_dim3A_64 : vector<16xf32> to vector<1x16xf32>
    tpu.vector_store %arg10[%swap3A_671, %swap3A_672], %swap3A_675 {strides = array<i32>} : memref<16x128xf32, #tpu.memory_space<vmem>>, vector<1x16xf32>,
    %swap3A_676 = arith.constant 12 : i32
    %swap3A_677 = arith.index_cast %swap3A_676 : i32 to index
    %swap3A_678 = arith.constant 96 : index
    %swap3A_679 = tpu.vector_load %arg10[%swap3A_677, %swap3A_678] {strides = array<i32>} : memref<16x128xf32, #tpu.memory_space<vmem>>, vector<1x16xf32>,
    %swap3A_680 = vector.shape_cast %swap3A_679 : vector<1x16xf32> to vector<16xf32>
    %swap3A_681 = vector.shape_cast %broadcast_in_dim3A_64 : vector<16xf32> to vector<1x16xf32>
    tpu.vector_store %arg10[%swap3A_677, %swap3A_678], %swap3A_681 {strides = array<i32>} : memref<16x128xf32, #tpu.memory_space<vmem>>, vector<1x16xf32>,
    %swap3A_682 = arith.constant 12 : i32
    %swap3A_683 = arith.index_cast %swap3A_682 : i32 to index
    %swap3A_684 = arith.constant 112 : index
    %swap3A_685 = tpu.vector_load %arg10[%swap3A_683, %swap3A_684] {strides = array<i32>} : memref<16x128xf32, #tpu.memory_space<vmem>>, vector<1x16xf32>,
    %swap3A_686 = vector.shape_cast %swap3A_685 : vector<1x16xf32> to vector<16xf32>
    %swap3A_687 = vector.shape_cast %broadcast_in_dim3A_64 : vector<16xf32> to vector<1x16xf32>
    tpu.vector_store %arg10[%swap3A_683, %swap3A_684], %swap3A_687 {strides = array<i32>} : memref<16x128xf32, #tpu.memory_space<vmem>>, vector<1x16xf32>,
    %swap3A_688 = arith.constant 13 : i32
    %swap3A_689 = arith.index_cast %swap3A_688 : i32 to index
    %swap3A_690 = arith.constant 0 : index
    %swap3A_691 = tpu.vector_load %arg10[%swap3A_689, %swap3A_690] {strides = array<i32>} : memref<16x128xf32, #tpu.memory_space<vmem>>, vector<1x16xf32>,
    %swap3A_692 = vector.shape_cast %swap3A_691 : vector<1x16xf32> to vector<16xf32>
    %swap3A_693 = vector.shape_cast %broadcast_in_dim3A_64 : vector<16xf32> to vector<1x16xf32>
    tpu.vector_store %arg10[%swap3A_689, %swap3A_690], %swap3A_693 {strides = array<i32>} : memref<16x128xf32, #tpu.memory_space<vmem>>, vector<1x16xf32>,
    %swap3A_694 = arith.constant 13 : i32
    %swap3A_695 = arith.index_cast %swap3A_694 : i32 to index
    %swap3A_696 = arith.constant 16 : index
    %swap3A_697 = tpu.vector_load %arg10[%swap3A_695, %swap3A_696] {strides = array<i32>} : memref<16x128xf32, #tpu.memory_space<vmem>>, vector<1x16xf32>,
    %swap3A_698 = vector.shape_cast %swap3A_697 : vector<1x16xf32> to vector<16xf32>
    %swap3A_699 = vector.shape_cast %broadcast_in_dim3A_64 : vector<16xf32> to vector<1x16xf32>
    tpu.vector_store %arg10[%swap3A_695, %swap3A_696], %swap3A_699 {strides = array<i32>} : memref<16x128xf32, #tpu.memory_space<vmem>>, vector<1x16xf32>,
    %swap3A_700 = arith.constant 13 : i32
    %swap3A_701 = arith.index_cast %swap3A_700 : i32 to index
    %swap3A_702 = arith.constant 32 : index
    %swap3A_703 = tpu.vector_load %arg10[%swap3A_701, %swap3A_702] {strides = array<i32>} : memref<16x128xf32, #tpu.memory_space<vmem>>, vector<1x16xf32>,
    %swap3A_704 = vector.shape_cast %swap3A_703 : vector<1x16xf32> to vector<16xf32>
    %swap3A_705 = vector.shape_cast %broadcast_in_dim3A_64 : vector<16xf32> to vector<1x16xf32>
    tpu.vector_store %arg10[%swap3A_701, %swap3A_702], %swap3A_705 {strides = array<i32>} : memref<16x128xf32, #tpu.memory_space<vmem>>, vector<1x16xf32>,
    %swap3A_706 = arith.constant 13 : i32
    %swap3A_707 = arith.index_cast %swap3A_706 : i32 to index
    %swap3A_708 = arith.constant 48 : index
    %swap3A_709 = tpu.vector_load %arg10[%swap3A_707, %swap3A_708] {strides = array<i32>} : memref<16x128xf32, #tpu.memory_space<vmem>>, vector<1x16xf32>,
    %swap3A_710 = vector.shape_cast %swap3A_709 : vector<1x16xf32> to vector<16xf32>
    %swap3A_711 = vector.shape_cast %broadcast_in_dim3A_64 : vector<16xf32> to vector<1x16xf32>
    tpu.vector_store %arg10[%swap3A_707, %swap3A_708], %swap3A_711 {strides = array<i32>} : memref<16x128xf32, #tpu.memory_space<vmem>>, vector<1x16xf32>,
    %swap3A_712 = arith.constant 13 : i32
    %swap3A_713 = arith.index_cast %swap3A_712 : i32 to index
    %swap3A_714 = arith.constant 64 : index
    %swap3A_715 = tpu.vector_load %arg10[%swap3A_713, %swap3A_714] {strides = array<i32>} : memref<16x128xf32, #tpu.memory_space<vmem>>, vector<1x16xf32>,
    %swap3A_716 = vector.shape_cast %swap3A_715 : vector<1x16xf32> to vector<16xf32>
    %swap3A_717 = vector.shape_cast %broadcast_in_dim3A_64 : vector<16xf32> to vector<1x16xf32>
    tpu.vector_store %arg10[%swap3A_713, %swap3A_714], %swap3A_717 {strides = array<i32>} : memref<16x128xf32, #tpu.memory_space<vmem>>, vector<1x16xf32>,
    %swap3A_718 = arith.constant 13 : i32
    %swap3A_719 = arith.index_cast %swap3A_718 : i32 to index
    %swap3A_720 = arith.constant 80 : index
    %swap3A_721 = tpu.vector_load %arg10[%swap3A_719, %swap3A_720] {strides = array<i32>} : memref<16x128xf32, #tpu.memory_space<vmem>>, vector<1x16xf32>,
    %swap3A_722 = vector.shape_cast %swap3A_721 : vector<1x16xf32> to vector<16xf32>
    %swap3A_723 = vector.shape_cast %broadcast_in_dim3A_64 : vector<16xf32> to vector<1x16xf32>
    tpu.vector_store %arg10[%swap3A_719, %swap3A_720], %swap3A_723 {strides = array<i32>} : memref<16x128xf32, #tpu.memory_space<vmem>>, vector<1x16xf32>,
    %swap3A_724 = arith.constant 13 : i32
    %swap3A_725 = arith.index_cast %swap3A_724 : i32 to index
    %swap3A_726 = arith.constant 96 : index
    %swap3A_727 = tpu.vector_load %arg10[%swap3A_725, %swap3A_726] {strides = array<i32>} : memref<16x128xf32, #tpu.memory_space<vmem>>, vector<1x16xf32>,
    %swap3A_728 = vector.shape_cast %swap3A_727 : vector<1x16xf32> to vector<16xf32>
    %swap3A_729 = vector.shape_cast %broadcast_in_dim3A_64 : vector<16xf32> to vector<1x16xf32>
    tpu.vector_store %arg10[%swap3A_725, %swap3A_726], %swap3A_729 {strides = array<i32>} : memref<16x128xf32, #tpu.memory_space<vmem>>, vector<1x16xf32>,
    %swap3A_730 = arith.constant 13 : i32
    %swap3A_731 = arith.index_cast %swap3A_730 : i32 to index
    %swap3A_732 = arith.constant 112 : index
    %swap3A_733 = tpu.vector_load %arg10[%swap3A_731, %swap3A_732] {strides = array<i32>} : memref<16x128xf32, #tpu.memory_space<vmem>>, vector<1x16xf32>,
    %swap3A_734 = vector.shape_cast %swap3A_733 : vector<1x16xf32> to vector<16xf32>
    %swap3A_735 = vector.shape_cast %broadcast_in_dim3A_64 : vector<16xf32> to vector<1x16xf32>
    tpu.vector_store %arg10[%swap3A_731, %swap3A_732], %swap3A_735 {strides = array<i32>} : memref<16x128xf32, #tpu.memory_space<vmem>>, vector<1x16xf32>,
    %swap3A_736 = arith.constant 14 : i32
    %swap3A_737 = arith.index_cast %swap3A_736 : i32 to index
    %swap3A_738 = arith.constant 0 : index
    %swap3A_739 = tpu.vector_load %arg10[%swap3A_737, %swap3A_738] {strides = array<i32>} : memref<16x128xf32, #tpu.memory_space<vmem>>, vector<1x16xf32>,
    %swap3A_740 = vector.shape_cast %swap3A_739 : vector<1x16xf32> to vector<16xf32>
    %swap3A_741 = vector.shape_cast %broadcast_in_dim3A_64 : vector<16xf32> to vector<1x16xf32>
    tpu.vector_store %arg10[%swap3A_737, %swap3A_738], %swap3A_741 {strides = array<i32>} : memref<16x128xf32, #tpu.memory_space<vmem>>, vector<1x16xf32>,
    %swap3A_742 = arith.constant 14 : i32
    %swap3A_743 = arith.index_cast %swap3A_742 : i32 to index
    %swap3A_744 = arith.constant 16 : index
    %swap3A_745 = tpu.vector_load %arg10[%swap3A_743, %swap3A_744] {strides = array<i32>} : memref<16x128xf32, #tpu.memory_space<vmem>>, vector<1x16xf32>,
    %swap3A_746 = vector.shape_cast %swap3A_745 : vector<1x16xf32> to vector<16xf32>
    %swap3A_747 = vector.shape_cast %broadcast_in_dim3A_64 : vector<16xf32> to vector<1x16xf32>
    tpu.vector_store %arg10[%swap3A_743, %swap3A_744], %swap3A_747 {strides = array<i32>} : memref<16x128xf32, #tpu.memory_space<vmem>>, vector<1x16xf32>,
    %swap3A_748 = arith.constant 14 : i32
    %swap3A_749 = arith.index_cast %swap3A_748 : i32 to index
    %swap3A_750 = arith.constant 32 : index
    %swap3A_751 = tpu.vector_load %arg10[%swap3A_749, %swap3A_750] {strides = array<i32>} : memref<16x128xf32, #tpu.memory_space<vmem>>, vector<1x16xf32>,
    %swap3A_752 = vector.shape_cast %swap3A_751 : vector<1x16xf32> to vector<16xf32>
    %swap3A_753 = vector.shape_cast %broadcast_in_dim3A_64 : vector<16xf32> to vector<1x16xf32>
    tpu.vector_store %arg10[%swap3A_749, %swap3A_750], %swap3A_753 {strides = array<i32>} : memref<16x128xf32, #tpu.memory_space<vmem>>, vector<1x16xf32>,
    %swap3A_754 = arith.constant 14 : i32
    %swap3A_755 = arith.index_cast %swap3A_754 : i32 to index
    %swap3A_756 = arith.constant 48 : index
    %swap3A_757 = tpu.vector_load %arg10[%swap3A_755, %swap3A_756] {strides = array<i32>} : memref<16x128xf32, #tpu.memory_space<vmem>>, vector<1x16xf32>,
    %swap3A_758 = vector.shape_cast %swap3A_757 : vector<1x16xf32> to vector<16xf32>
    %swap3A_759 = vector.shape_cast %broadcast_in_dim3A_64 : vector<16xf32> to vector<1x16xf32>
    tpu.vector_store %arg10[%swap3A_755, %swap3A_756], %swap3A_759 {strides = array<i32>} : memref<16x128xf32, #tpu.memory_space<vmem>>, vector<1x16xf32>,
    %swap3A_760 = arith.constant 14 : i32
    %swap3A_761 = arith.index_cast %swap3A_760 : i32 to index
    %swap3A_762 = arith.constant 64 : index
    %swap3A_763 = tpu.vector_load %arg10[%swap3A_761, %swap3A_762] {strides = array<i32>} : memref<16x128xf32, #tpu.memory_space<vmem>>, vector<1x16xf32>,
    %swap3A_764 = vector.shape_cast %swap3A_763 : vector<1x16xf32> to vector<16xf32>
    %swap3A_765 = vector.shape_cast %broadcast_in_dim3A_64 : vector<16xf32> to vector<1x16xf32>
    tpu.vector_store %arg10[%swap3A_761, %swap3A_762], %swap3A_765 {strides = array<i32>} : memref<16x128xf32, #tpu.memory_space<vmem>>, vector<1x16xf32>,
    %swap3A_766 = arith.constant 14 : i32
    %swap3A_767 = arith.index_cast %swap3A_766 : i32 to index
    %swap3A_768 = arith.constant 80 : index
    %swap3A_769 = tpu.vector_load %arg10[%swap3A_767, %swap3A_768] {strides = array<i32>} : memref<16x128xf32, #tpu.memory_space<vmem>>, vector<1x16xf32>,
    %swap3A_770 = vector.shape_cast %swap3A_769 : vector<1x16xf32> to vector<16xf32>
    %swap3A_771 = vector.shape_cast %broadcast_in_dim3A_64 : vector<16xf32> to vector<1x16xf32>
    tpu.vector_store %arg10[%swap3A_767, %swap3A_768], %swap3A_771 {strides = array<i32>} : memref<16x128xf32, #tpu.memory_space<vmem>>, vector<1x16xf32>,
    %swap3A_772 = arith.constant 14 : i32
    %swap3A_773 = arith.index_cast %swap3A_772 : i32 to index
    %swap3A_774 = arith.constant 96 : index
    %swap3A_775 = tpu.vector_load %arg10[%swap3A_773, %swap3A_774] {strides = array<i32>} : memref<16x128xf32, #tpu.memory_space<vmem>>, vector<1x16xf32>,
    %swap3A_776 = vector.shape_cast %swap3A_775 : vector<1x16xf32> to vector<16xf32>
    %swap3A_777 = vector.shape_cast %broadcast_in_dim3A_64 : vector<16xf32> to vector<1x16xf32>
    tpu.vector_store %arg10[%swap3A_773, %swap3A_774], %swap3A_777 {strides = array<i32>} : memref<16x128xf32, #tpu.memory_space<vmem>>, vector<1x16xf32>,
    %swap3A_778 = arith.constant 14 : i32
    %swap3A_779 = arith.index_cast %swap3A_778 : i32 to index
    %swap3A_780 = arith.constant 112 : index
    %swap3A_781 = tpu.vector_load %arg10[%swap3A_779, %swap3A_780] {strides = array<i32>} : memref<16x128xf32, #tpu.memory_space<vmem>>, vector<1x16xf32>,
    %swap3A_782 = vector.shape_cast %swap3A_781 : vector<1x16xf32> to vector<16xf32>
    %swap3A_783 = vector.shape_cast %broadcast_in_dim3A_64 : vector<16xf32> to vector<1x16xf32>
    tpu.vector_store %arg10[%swap3A_779, %swap3A_780], %swap3A_783 {strides = array<i32>} : memref<16x128xf32, #tpu.memory_space<vmem>>, vector<1x16xf32>,
    %swap3A_784 = arith.constant 15 : i32
    %swap3A_785 = arith.index_cast %swap3A_784 : i32 to index
    %swap3A_786 = arith.constant 0 : index
    %swap3A_787 = tpu.vector_load %arg10[%swap3A_785, %swap3A_786] {strides = array<i32>} : memref<16x128xf32, #tpu.memory_space<vmem>>, vector<1x16xf32>,
    %swap3A_788 = vector.shape_cast %swap3A_787 : vector<1x16xf32> to vector<16xf32>
    %swap3A_789 = vector.shape_cast %broadcast_in_dim3A_64 : vector<16xf32> to vector<1x16xf32>
    tpu.vector_store %arg10[%swap3A_785, %swap3A_786], %swap3A_789 {strides = array<i32>} : memref<16x128xf32, #tpu.memory_space<vmem>>, vector<1x16xf32>,
    %swap3A_790 = arith.constant 15 : i32
    %swap3A_791 = arith.index_cast %swap3A_790 : i32 to index
    %swap3A_792 = arith.constant 16 : index
    %swap3A_793 = tpu.vector_load %arg10[%swap3A_791, %swap3A_792] {strides = array<i32>} : memref<16x128xf32, #tpu.memory_space<vmem>>, vector<1x16xf32>,
    %swap3A_794 = vector.shape_cast %swap3A_793 : vector<1x16xf32> to vector<16xf32>
    %swap3A_795 = vector.shape_cast %broadcast_in_dim3A_64 : vector<16xf32> to vector<1x16xf32>
    tpu.vector_store %arg10[%swap3A_791, %swap3A_792], %swap3A_795 {strides = array<i32>} : memref<16x128xf32, #tpu.memory_space<vmem>>, vector<1x16xf32>,
    %swap3A_796 = arith.constant 15 : i32
    %swap3A_797 = arith.index_cast %swap3A_796 : i32 to index
    %swap3A_798 = arith.constant 32 : index
    %swap3A_799 = tpu.vector_load %arg10[%swap3A_797, %swap3A_798] {strides = array<i32>} : memref<16x128xf32, #tpu.memory_space<vmem>>, vector<1x16xf32>,
    %swap3A_800 = vector.shape_cast %swap3A_799 : vector<1x16xf32> to vector<16xf32>
    %swap3A_801 = vector.shape_cast %broadcast_in_dim3A_64 : vector<16xf32> to vector<1x16xf32>
    tpu.vector_store %arg10[%swap3A_797, %swap3A_798], %swap3A_801 {strides = array<i32>} : memref<16x128xf32, #tpu.memory_space<vmem>>, vector<1x16xf32>,
    %swap3A_802 = arith.constant 15 : i32
    %swap3A_803 = arith.index_cast %swap3A_802 : i32 to index
    %swap3A_804 = arith.constant 48 : index
    %swap3A_805 = tpu.vector_load %arg10[%swap3A_803, %swap3A_804] {strides = array<i32>} : memref<16x128xf32, #tpu.memory_space<vmem>>, vector<1x16xf32>,
    %swap3A_806 = vector.shape_cast %swap3A_805 : vector<1x16xf32> to vector<16xf32>
    %swap3A_807 = vector.shape_cast %broadcast_in_dim3A_64 : vector<16xf32> to vector<1x16xf32>
    tpu.vector_store %arg10[%swap3A_803, %swap3A_804], %swap3A_807 {strides = array<i32>} : memref<16x128xf32, #tpu.memory_space<vmem>>, vector<1x16xf32>,
    %swap3A_808 = arith.constant 15 : i32
    %swap3A_809 = arith.index_cast %swap3A_808 : i32 to index
    %swap3A_810 = arith.constant 64 : index
    %swap3A_811 = tpu.vector_load %arg10[%swap3A_809, %swap3A_810] {strides = array<i32>} : memref<16x128xf32, #tpu.memory_space<vmem>>, vector<1x16xf32>,
    %swap3A_812 = vector.shape_cast %swap3A_811 : vector<1x16xf32> to vector<16xf32>
    %swap3A_813 = vector.shape_cast %broadcast_in_dim3A_64 : vector<16xf32> to vector<1x16xf32>
    tpu.vector_store %arg10[%swap3A_809, %swap3A_810], %swap3A_813 {strides = array<i32>} : memref<16x128xf32, #tpu.memory_space<vmem>>, vector<1x16xf32>,
    %swap3A_814 = arith.constant 15 : i32
    %swap3A_815 = arith.index_cast %swap3A_814 : i32 to index
    %swap3A_816 = arith.constant 80 : index
    %swap3A_817 = tpu.vector_load %arg10[%swap3A_815, %swap3A_816] {strides = array<i32>} : memref<16x128xf32, #tpu.memory_space<vmem>>, vector<1x16xf32>,
    %swap3A_818 = vector.shape_cast %swap3A_817 : vector<1x16xf32> to vector<16xf32>
    %swap3A_819 = vector.shape_cast %broadcast_in_dim3A_64 : vector<16xf32> to vector<1x16xf32>
    tpu.vector_store %arg10[%swap3A_815, %swap3A_816], %swap3A_819 {strides = array<i32>} : memref<16x128xf32, #tpu.memory_space<vmem>>, vector<1x16xf32>,
    %swap3A_820 = arith.constant 15 : i32
    %swap3A_821 = arith.index_cast %swap3A_820 : i32 to index
    %swap3A_822 = arith.constant 96 : index
    %swap3A_823 = tpu.vector_load %arg10[%swap3A_821, %swap3A_822] {strides = array<i32>} : memref<16x128xf32, #tpu.memory_space<vmem>>, vector<1x16xf32>,
    %swap3A_824 = vector.shape_cast %swap3A_823 : vector<1x16xf32> to vector<16xf32>
    %swap3A_825 = vector.shape_cast %broadcast_in_dim3A_64 : vector<16xf32> to vector<1x16xf32>
    tpu.vector_store %arg10[%swap3A_821, %swap3A_822], %swap3A_825 {strides = array<i32>} : memref<16x128xf32, #tpu.memory_space<vmem>>, vector<1x16xf32>,
    %swap3A_826 = arith.constant 15 : i32
    %swap3A_827 = arith.index_cast %swap3A_826 : i32 to index
    %swap3A_828 = arith.constant 112 : index
    %swap3A_829 = tpu.vector_load %arg10[%swap3A_827, %swap3A_828] {strides = array<i32>} : memref<16x128xf32, #tpu.memory_space<vmem>>, vector<1x16xf32>,
    %swap3A_830 = vector.shape_cast %swap3A_829 : vector<1x16xf32> to vector<16xf32>
    %swap3A_831 = vector.shape_cast %broadcast_in_dim3A_64 : vector<16xf32> to vector<1x16xf32>
    tpu.vector_store %arg10[%swap3A_827, %swap3A_828], %swap3A_831 {strides = array<i32>} : memref<16x128xf32, #tpu.memory_space<vmem>>, vector<1x16xf32>,
    %mul3A_832 = arith.constant 64 : i32
    %mul3A_833 = arith.muli %arg1, %mul3A_832 : i32
    %add3A_834 = arith.constant 0 : i32
    %add3A_835 = arith.addi %mul3A_833, %add3A_834 : i32
    "tpu.region"() ({
      %run_scoped3A = tpu.sem_alloc : memref<!tpu.dma_semaphore, #tpu.memory_space<semaphore_mem>>
      %dma_start3A_1184 = arith.constant 0 : i32
      %dma_start3A_1185 = tpu.memref_slice %arg11[%add3A_835, %dma_start3A_1184] : memref<1040x128xf32, #tpu.memory_space<vmem_shared>> -> memref<16x128xf32, #tpu.memory_space<vmem_shared>>
      %dma_start3A_1186 = arith.constant 0 : i32
      %dma_start3A_1187 = tpu.memref_slice %arg11[%add3A_835, %dma_start3A_1186] : memref<1040x128xf32, #tpu.memory_space<vmem_shared>> -> memref<16x128xf32, #tpu.memory_space<vmem_shared>>
      tpu.enqueue_dma source(%arg10 : memref<16x128xf32, #tpu.memory_space<vmem>>) target(%dma_start3A_1187 : memref<16x128xf32, #tpu.memory_space<vmem_shared>>) target_semaphore(%run_scoped3A : memref<!tpu.dma_semaphore, #tpu.memory_space<semaphore_mem>>)
      %dma_wait3A_1188 = arith.constant 0 : i32
      %dma_wait3A_1189 = tpu.memref_slice %arg11[%add3A_835, %dma_wait3A_1188] : memref<1040x128xf32, #tpu.memory_space<vmem_shared>> -> memref<16x128xf32, #tpu.memory_space<vmem_shared>>
      %dma_wait3A_1190 = arith.constant 0 : i32
      %dma_wait3A_1191 = tpu.memref_slice %arg11[%add3A_835, %dma_wait3A_1190] : memref<1040x128xf32, #tpu.memory_space<vmem_shared>> -> memref<16x128xf32, #tpu.memory_space<vmem_shared>>
      tpu.wait_dma2 semaphore(%run_scoped3A : memref<!tpu.dma_semaphore, #tpu.memory_space<semaphore_mem>>) src(%arg10 : memref<16x128xf32, #tpu.memory_space<vmem>>) dst(%dma_wait3A_1191 : memref<16x128xf32, #tpu.memory_space<vmem_shared>>)
      tpu.yield
    }) : () -> ()
    %mul3A_836 = arith.constant 64 : i32
    %mul3A_837 = arith.muli %arg1, %mul3A_836 : i32
    %add3A_838 = arith.constant 16 : i32
    %add3A_839 = arith.addi %mul3A_837, %add3A_838 : i32
    "tpu.region"() ({
      %run_scoped3A = tpu.sem_alloc : memref<!tpu.dma_semaphore, #tpu.memory_space<semaphore_mem>>
      %dma_start3A_1184 = arith.constant 0 : i32
      %dma_start3A_1185 = tpu.memref_slice %arg11[%add3A_839, %dma_start3A_1184] : memref<1040x128xf32, #tpu.memory_space<vmem_shared>> -> memref<16x128xf32, #tpu.memory_space<vmem_shared>>
      %dma_start3A_1186 = arith.constant 0 : i32
      %dma_start3A_1187 = tpu.memref_slice %arg11[%add3A_839, %dma_start3A_1186] : memref<1040x128xf32, #tpu.memory_space<vmem_shared>> -> memref<16x128xf32, #tpu.memory_space<vmem_shared>>
      tpu.enqueue_dma source(%arg10 : memref<16x128xf32, #tpu.memory_space<vmem>>) target(%dma_start3A_1187 : memref<16x128xf32, #tpu.memory_space<vmem_shared>>) target_semaphore(%run_scoped3A : memref<!tpu.dma_semaphore, #tpu.memory_space<semaphore_mem>>)
      %dma_wait3A_1188 = arith.constant 0 : i32
      %dma_wait3A_1189 = tpu.memref_slice %arg11[%add3A_839, %dma_wait3A_1188] : memref<1040x128xf32, #tpu.memory_space<vmem_shared>> -> memref<16x128xf32, #tpu.memory_space<vmem_shared>>
      %dma_wait3A_1190 = arith.constant 0 : i32
      %dma_wait3A_1191 = tpu.memref_slice %arg11[%add3A_839, %dma_wait3A_1190] : memref<1040x128xf32, #tpu.memory_space<vmem_shared>> -> memref<16x128xf32, #tpu.memory_space<vmem_shared>>
      tpu.wait_dma2 semaphore(%run_scoped3A : memref<!tpu.dma_semaphore, #tpu.memory_space<semaphore_mem>>) src(%arg10 : memref<16x128xf32, #tpu.memory_space<vmem>>) dst(%dma_wait3A_1191 : memref<16x128xf32, #tpu.memory_space<vmem_shared>>)
      tpu.yield
    }) : () -> ()
    %mul3A_840 = arith.constant 64 : i32
    %mul3A_841 = arith.muli %arg1, %mul3A_840 : i32
    %add3A_842 = arith.constant 32 : i32
    %add3A_843 = arith.addi %mul3A_841, %add3A_842 : i32
    "tpu.region"() ({
      %run_scoped3A = tpu.sem_alloc : memref<!tpu.dma_semaphore, #tpu.memory_space<semaphore_mem>>
      %dma_start3A_1184 = arith.constant 0 : i32
      %dma_start3A_1185 = tpu.memref_slice %arg11[%add3A_843, %dma_start3A_1184] : memref<1040x128xf32, #tpu.memory_space<vmem_shared>> -> memref<16x128xf32, #tpu.memory_space<vmem_shared>>
      %dma_start3A_1186 = arith.constant 0 : i32
      %dma_start3A_1187 = tpu.memref_slice %arg11[%add3A_843, %dma_start3A_1186] : memref<1040x128xf32, #tpu.memory_space<vmem_shared>> -> memref<16x128xf32, #tpu.memory_space<vmem_shared>>
      tpu.enqueue_dma source(%arg10 : memref<16x128xf32, #tpu.memory_space<vmem>>) target(%dma_start3A_1187 : memref<16x128xf32, #tpu.memory_space<vmem_shared>>) target_semaphore(%run_scoped3A : memref<!tpu.dma_semaphore, #tpu.memory_space<semaphore_mem>>)
      %dma_wait3A_1188 = arith.constant 0 : i32
      %dma_wait3A_1189 = tpu.memref_slice %arg11[%add3A_843, %dma_wait3A_1188] : memref<1040x128xf32, #tpu.memory_space<vmem_shared>> -> memref<16x128xf32, #tpu.memory_space<vmem_shared>>
      %dma_wait3A_1190 = arith.constant 0 : i32
      %dma_wait3A_1191 = tpu.memref_slice %arg11[%add3A_843, %dma_wait3A_1190] : memref<1040x128xf32, #tpu.memory_space<vmem_shared>> -> memref<16x128xf32, #tpu.memory_space<vmem_shared>>
      tpu.wait_dma2 semaphore(%run_scoped3A : memref<!tpu.dma_semaphore, #tpu.memory_space<semaphore_mem>>) src(%arg10 : memref<16x128xf32, #tpu.memory_space<vmem>>) dst(%dma_wait3A_1191 : memref<16x128xf32, #tpu.memory_space<vmem_shared>>)
      tpu.yield
    }) : () -> ()
    %mul3A_844 = arith.constant 64 : i32
    %mul3A_845 = arith.muli %arg1, %mul3A_844 : i32
    %add3A_846 = arith.constant 48 : i32
    %add3A_847 = arith.addi %mul3A_845, %add3A_846 : i32
    "tpu.region"() ({
      %run_scoped3A = tpu.sem_alloc : memref<!tpu.dma_semaphore, #tpu.memory_space<semaphore_mem>>
      %dma_start3A_1184 = arith.constant 0 : i32
      %dma_start3A_1185 = tpu.memref_slice %arg11[%add3A_847, %dma_start3A_1184] : memref<1040x128xf32, #tpu.memory_space<vmem_shared>> -> memref<16x128xf32, #tpu.memory_space<vmem_shared>>
      %dma_start3A_1186 = arith.constant 0 : i32
      %dma_start3A_1187 = tpu.memref_slice %arg11[%add3A_847, %dma_start3A_1186] : memref<1040x128xf32, #tpu.memory_space<vmem_shared>> -> memref<16x128xf32, #tpu.memory_space<vmem_shared>>
      tpu.enqueue_dma source(%arg10 : memref<16x128xf32, #tpu.memory_space<vmem>>) target(%dma_start3A_1187 : memref<16x128xf32, #tpu.memory_space<vmem_shared>>) target_semaphore(%run_scoped3A : memref<!tpu.dma_semaphore, #tpu.memory_space<semaphore_mem>>)
      %dma_wait3A_1188 = arith.constant 0 : i32
      %dma_wait3A_1189 = tpu.memref_slice %arg11[%add3A_847, %dma_wait3A_1188] : memref<1040x128xf32, #tpu.memory_space<vmem_shared>> -> memref<16x128xf32, #tpu.memory_space<vmem_shared>>
      %dma_wait3A_1190 = arith.constant 0 : i32
      %dma_wait3A_1191 = tpu.memref_slice %arg11[%add3A_847, %dma_wait3A_1190] : memref<1040x128xf32, #tpu.memory_space<vmem_shared>> -> memref<16x128xf32, #tpu.memory_space<vmem_shared>>
      tpu.wait_dma2 semaphore(%run_scoped3A : memref<!tpu.dma_semaphore, #tpu.memory_space<semaphore_mem>>) src(%arg10 : memref<16x128xf32, #tpu.memory_space<vmem>>) dst(%dma_wait3A_1191 : memref<16x128xf32, #tpu.memory_space<vmem_shared>>)
      tpu.yield
    }) : () -> ()
    %dma_wait3A = arith.constant 0 : i32
    %dma_wait3A_848 = tpu.memref_slice %arg2[%dma_wait3A] : memref<100000xi32, #tpu.memory_space<hbm>> -> memref<3200xi32, #tpu.memory_space<hbm>>
    %dma_wait3A_849 = arith.constant 0 : i32
    %dma_wait3A_850 = tpu.memref_slice %arg2[%dma_wait3A_849] : memref<100000xi32, #tpu.memory_space<hbm>> -> memref<3200xi32, #tpu.memory_space<hbm>>
    tpu.wait_dma2 semaphore(%arg20 : memref<!tpu.dma_semaphore, #tpu.memory_space<semaphore_mem>>) src(%dma_wait3A_850 : memref<3200xi32, #tpu.memory_space<hbm>>) dst(%arg6 : memref<3200xi32, #tpu.memory_space<vmem>>)
    %dma_wait3A_851 = arith.constant 0 : i32
    %dma_wait3A_852 = tpu.memref_slice %arg3[%dma_wait3A_851] : memref<100000xi32, #tpu.memory_space<hbm>> -> memref<3200xi32, #tpu.memory_space<hbm>>
    %dma_wait3A_853 = arith.constant 0 : i32
    %dma_wait3A_854 = tpu.memref_slice %arg3[%dma_wait3A_853] : memref<100000xi32, #tpu.memory_space<hbm>> -> memref<3200xi32, #tpu.memory_space<hbm>>
    tpu.wait_dma2 semaphore(%arg20 : memref<!tpu.dma_semaphore, #tpu.memory_space<semaphore_mem>>) src(%dma_wait3A_854 : memref<3200xi32, #tpu.memory_space<hbm>>) dst(%arg7 : memref<3200xi32, #tpu.memory_space<vmem>>)
    %barrier3A = arith.constant 0 : index
    tpu.barrier barrier_id(%barrier3A)
    %dma_wait3A_855 = arith.constant 0 : i32
    %dma_wait3A_856 = arith.constant 0 : i32
    %dma_wait3A_857 = arith.constant 0 : i32
    %dma_wait3A_858 = tpu.memref_slice %arg9[%dma_wait3A_855, %dma_wait3A_856, %dma_wait3A_857] : memref<4x128x128xf32, #tpu.memory_space<vmem>> -> memref<1x128x128xf32, #tpu.memory_space<vmem>>
    %dma_wait3A_859 = tpu.memref_squeeze %dma_wait3A_858 : memref<1x128x128xf32, #tpu.memory_space<vmem>> -> memref<128x128xf32, #tpu.memory_space<vmem>>
    %dma_wait3A_860 = arith.constant 0 : i32
    %dma_wait3A_861 = arith.constant 0 : i32
    %dma_wait3A_862 = tpu.memref_slice %arg4[%dma_wait3A_860, %dma_wait3A_861] : memref<100000x128xf32, #tpu.memory_space<hbm>> -> memref<128x128xf32, #tpu.memory_space<hbm>>
    %dma_wait3A_863 = arith.constant 0 : i32
    %dma_wait3A_864 = arith.constant 0 : i32
    %dma_wait3A_865 = tpu.memref_slice %arg9[%dma_wait3A_855, %dma_wait3A_863, %dma_wait3A_864] : memref<4x128x128xf32, #tpu.memory_space<vmem>> -> memref<1x128x128xf32, #tpu.memory_space<vmem>>
    %dma_wait3A_866 = tpu.memref_squeeze %dma_wait3A_865 : memref<1x128x128xf32, #tpu.memory_space<vmem>> -> memref<128x128xf32, #tpu.memory_space<vmem>>
    %dma_wait3A_867 = arith.constant 0 : i32
    %dma_wait3A_868 = arith.constant 0 : i32
    %dma_wait3A_869 = tpu.memref_slice %arg4[%dma_wait3A_867, %dma_wait3A_868] : memref<100000x128xf32, #tpu.memory_space<hbm>> -> memref<128x128xf32, #tpu.memory_space<hbm>>
    tpu.wait_dma2 semaphore(%arg12 : memref<!tpu.dma_semaphore, #tpu.memory_space<semaphore_mem>>) src(%dma_wait3A_869 : memref<128x128xf32, #tpu.memory_space<hbm>>) dst(%dma_wait3A_866 : memref<128x128xf32, #tpu.memory_space<vmem>>)
    %mul3A_870 = arith.constant 128 : i32
    %mul3A_871 = arith.muli %mul3A_8, %mul3A_870 : i32
    %mul3A_872 = arith.constant 128 : i32
    %mul3A_873 = arith.muli %mul3A_8, %mul3A_872 : i32
    %min3A_874 = arith.constant 99872 : i32
    %min3A_875 = arith.minsi %mul3A_873, %min3A_874 : i32
    %sub3A = arith.subi %min3A_875, %min3A_3 : i32
    %iota3A = tpu.iota {dimensions = array<i32: 0>} : vector<16xi32>
    %add3A_876 = arith.constant 0 : i32
    %add3A_877 = arith.addi %sub3A, %add3A_876 : i32
    %add3A_878 = arith.constant 0 : i32
    %add3A_879 = arith.addi %min3A_875, %add3A_878 : i32
    %add3A_880 = vector.broadcast %add3A_879 : i32 to vector<16xi32>
    %add3A_881 = arith.addi %add3A_880, %iota3A : vector<16xi32>
    %get3A = arith.index_cast %add3A_877 : i32 to index
    %get3A_882 = tpu.vector_load %arg6[%get3A] {strides = array<i32>} : memref<3200xi32, #tpu.memory_space<vmem>>, vector<16xi32>,
    %get3A_883 = vector.shape_cast %get3A_882 : vector<16xi32> to vector<16xi32>
    %mul3A_884 = arith.constant 16 : i32
    %mul3A_885 = vector.broadcast %mul3A_884 : i32 to vector<16xi32>
    %mul3A_886 = arith.muli %get3A_883, %mul3A_885 : vector<16xi32>
    %get3A_887 = arith.index_cast %add3A_877 : i32 to index
    %get3A_888 = tpu.vector_load %arg7[%get3A_887] {strides = array<i32>} : memref<3200xi32, #tpu.memory_space<vmem>>, vector<16xi32>,
    %get3A_889 = vector.shape_cast %get3A_888 : vector<16xi32> to vector<16xi32>
    %add3A_890 = arith.addi %mul3A_886, %get3A_889 : vector<16xi32>
    %ge3A = vector.broadcast %mul3A_871 : i32 to vector<16xi32>
    %ge3A_891 = arith.cmpi sge, %add3A_881, %ge3A : vector<16xi32>
    %jit3A = arith.constant 1024 : i32
    %broadcast_in_dim3A_892 = vector.broadcast %jit3A : i32 to vector<16xi32>
    %select_n3A = arith.select %ge3A_891, %add3A_890, %broadcast_in_dim3A_892 : vector<16xi1>, vector<16xi32>
    %swap3A_893 = arith.constant 0 : i32
    %swap3A_894 = arith.index_cast %swap3A_893 : i32 to index
    %swap3A_895 = arith.constant 0 : index
    %swap3A_896 = tpu.vector_load %arg8[%swap3A_894, %swap3A_895] {strides = array<i32>} : memref<4x128xi32, #tpu.memory_space<vmem>>, vector<1x16xi32>,
    %swap3A_897 = vector.shape_cast %swap3A_896 : vector<1x16xi32> to vector<16xi32>
    %swap3A_898 = vector.shape_cast %select_n3A : vector<16xi32> to vector<1x16xi32>
    tpu.vector_store %arg8[%swap3A_894, %swap3A_895], %swap3A_898 {strides = array<i32>} : memref<4x128xi32, #tpu.memory_space<vmem>>, vector<1x16xi32>,
    %add3A_899 = arith.constant 16 : i32
    %add3A_900 = arith.addi %sub3A, %add3A_899 : i32
    %add3A_901 = arith.constant 16 : i32
    %add3A_902 = arith.addi %min3A_875, %add3A_901 : i32
    %add3A_903 = vector.broadcast %add3A_902 : i32 to vector<16xi32>
    %add3A_904 = arith.addi %add3A_903, %iota3A : vector<16xi32>
    %get3A_905 = arith.index_cast %add3A_900 : i32 to index
    %get3A_906 = tpu.vector_load %arg6[%get3A_905] {strides = array<i32>} : memref<3200xi32, #tpu.memory_space<vmem>>, vector<16xi32>,
    %get3A_907 = vector.shape_cast %get3A_906 : vector<16xi32> to vector<16xi32>
    %mul3A_908 = arith.constant 16 : i32
    %mul3A_909 = vector.broadcast %mul3A_908 : i32 to vector<16xi32>
    %mul3A_910 = arith.muli %get3A_907, %mul3A_909 : vector<16xi32>
    %get3A_911 = arith.index_cast %add3A_900 : i32 to index
    %get3A_912 = tpu.vector_load %arg7[%get3A_911] {strides = array<i32>} : memref<3200xi32, #tpu.memory_space<vmem>>, vector<16xi32>,
    %get3A_913 = vector.shape_cast %get3A_912 : vector<16xi32> to vector<16xi32>
    %add3A_914 = arith.addi %mul3A_910, %get3A_913 : vector<16xi32>
    %ge3A_915 = vector.broadcast %mul3A_871 : i32 to vector<16xi32>
    %ge3A_916 = arith.cmpi sge, %add3A_904, %ge3A_915 : vector<16xi32>
    %jit3A_917 = arith.constant 1024 : i32
    %broadcast_in_dim3A_918 = vector.broadcast %jit3A_917 : i32 to vector<16xi32>
    %select_n3A_919 = arith.select %ge3A_916, %add3A_914, %broadcast_in_dim3A_918 : vector<16xi1>, vector<16xi32>
    %swap3A_920 = arith.constant 0 : i32
    %swap3A_921 = arith.index_cast %swap3A_920 : i32 to index
    %swap3A_922 = arith.constant 16 : index
    %swap3A_923 = tpu.vector_load %arg8[%swap3A_921, %swap3A_922] {strides = array<i32>} : memref<4x128xi32, #tpu.memory_space<vmem>>, vector<1x16xi32>,
    %swap3A_924 = vector.shape_cast %swap3A_923 : vector<1x16xi32> to vector<16xi32>
    %swap3A_925 = vector.shape_cast %select_n3A_919 : vector<16xi32> to vector<1x16xi32>
    tpu.vector_store %arg8[%swap3A_921, %swap3A_922], %swap3A_925 {strides = array<i32>} : memref<4x128xi32, #tpu.memory_space<vmem>>, vector<1x16xi32>,
    %add3A_926 = arith.constant 32 : i32
    %add3A_927 = arith.addi %sub3A, %add3A_926 : i32
    %add3A_928 = arith.constant 32 : i32
    %add3A_929 = arith.addi %min3A_875, %add3A_928 : i32
    %add3A_930 = vector.broadcast %add3A_929 : i32 to vector<16xi32>
    %add3A_931 = arith.addi %add3A_930, %iota3A : vector<16xi32>
    %get3A_932 = arith.index_cast %add3A_927 : i32 to index
    %get3A_933 = tpu.vector_load %arg6[%get3A_932] {strides = array<i32>} : memref<3200xi32, #tpu.memory_space<vmem>>, vector<16xi32>,
    %get3A_934 = vector.shape_cast %get3A_933 : vector<16xi32> to vector<16xi32>
    %mul3A_935 = arith.constant 16 : i32
    %mul3A_936 = vector.broadcast %mul3A_935 : i32 to vector<16xi32>
    %mul3A_937 = arith.muli %get3A_934, %mul3A_936 : vector<16xi32>
    %get3A_938 = arith.index_cast %add3A_927 : i32 to index
    %get3A_939 = tpu.vector_load %arg7[%get3A_938] {strides = array<i32>} : memref<3200xi32, #tpu.memory_space<vmem>>, vector<16xi32>,
    %get3A_940 = vector.shape_cast %get3A_939 : vector<16xi32> to vector<16xi32>
    %add3A_941 = arith.addi %mul3A_937, %get3A_940 : vector<16xi32>
    %ge3A_942 = vector.broadcast %mul3A_871 : i32 to vector<16xi32>
    %ge3A_943 = arith.cmpi sge, %add3A_931, %ge3A_942 : vector<16xi32>
    %jit3A_944 = arith.constant 1024 : i32
    %broadcast_in_dim3A_945 = vector.broadcast %jit3A_944 : i32 to vector<16xi32>
    %select_n3A_946 = arith.select %ge3A_943, %add3A_941, %broadcast_in_dim3A_945 : vector<16xi1>, vector<16xi32>
    %swap3A_947 = arith.constant 0 : i32
    %swap3A_948 = arith.index_cast %swap3A_947 : i32 to index
    %swap3A_949 = arith.constant 32 : index
    %swap3A_950 = tpu.vector_load %arg8[%swap3A_948, %swap3A_949] {strides = array<i32>} : memref<4x128xi32, #tpu.memory_space<vmem>>, vector<1x16xi32>,
    %swap3A_951 = vector.shape_cast %swap3A_950 : vector<1x16xi32> to vector<16xi32>
    %swap3A_952 = vector.shape_cast %select_n3A_946 : vector<16xi32> to vector<1x16xi32>
    tpu.vector_store %arg8[%swap3A_948, %swap3A_949], %swap3A_952 {strides = array<i32>} : memref<4x128xi32, #tpu.memory_space<vmem>>, vector<1x16xi32>,
    %add3A_953 = arith.constant 48 : i32
    %add3A_954 = arith.addi %sub3A, %add3A_953 : i32
    %add3A_955 = arith.constant 48 : i32
    %add3A_956 = arith.addi %min3A_875, %add3A_955 : i32
    %add3A_957 = vector.broadcast %add3A_956 : i32 to vector<16xi32>
    %add3A_958 = arith.addi %add3A_957, %iota3A : vector<16xi32>
    %get3A_959 = arith.index_cast %add3A_954 : i32 to index
    %get3A_960 = tpu.vector_load %arg6[%get3A_959] {strides = array<i32>} : memref<3200xi32, #tpu.memory_space<vmem>>, vector<16xi32>,
    %get3A_961 = vector.shape_cast %get3A_960 : vector<16xi32> to vector<16xi32>
    %mul3A_962 = arith.constant 16 : i32
    %mul3A_963 = vector.broadcast %mul3A_962 : i32 to vector<16xi32>
    %mul3A_964 = arith.muli %get3A_961, %mul3A_963 : vector<16xi32>
    %get3A_965 = arith.index_cast %add3A_954 : i32 to index
    %get3A_966 = tpu.vector_load %arg7[%get3A_965] {strides = array<i32>} : memref<3200xi32, #tpu.memory_space<vmem>>, vector<16xi32>,
    %get3A_967 = vector.shape_cast %get3A_966 : vector<16xi32> to vector<16xi32>
    %add3A_968 = arith.addi %mul3A_964, %get3A_967 : vector<16xi32>
    %ge3A_969 = vector.broadcast %mul3A_871 : i32 to vector<16xi32>
    %ge3A_970 = arith.cmpi sge, %add3A_958, %ge3A_969 : vector<16xi32>
    %jit3A_971 = arith.constant 1024 : i32
    %broadcast_in_dim3A_972 = vector.broadcast %jit3A_971 : i32 to vector<16xi32>
    %select_n3A_973 = arith.select %ge3A_970, %add3A_968, %broadcast_in_dim3A_972 : vector<16xi1>, vector<16xi32>
    %swap3A_974 = arith.constant 0 : i32
    %swap3A_975 = arith.index_cast %swap3A_974 : i32 to index
    %swap3A_976 = arith.constant 48 : index
    %swap3A_977 = tpu.vector_load %arg8[%swap3A_975, %swap3A_976] {strides = array<i32>} : memref<4x128xi32, #tpu.memory_space<vmem>>, vector<1x16xi32>,
    %swap3A_978 = vector.shape_cast %swap3A_977 : vector<1x16xi32> to vector<16xi32>
    %swap3A_979 = vector.shape_cast %select_n3A_973 : vector<16xi32> to vector<1x16xi32>
    tpu.vector_store %arg8[%swap3A_975, %swap3A_976], %swap3A_979 {strides = array<i32>} : memref<4x128xi32, #tpu.memory_space<vmem>>, vector<1x16xi32>,
    %add3A_980 = arith.constant 64 : i32
    %add3A_981 = arith.addi %sub3A, %add3A_980 : i32
    %add3A_982 = arith.constant 64 : i32
    %add3A_983 = arith.addi %min3A_875, %add3A_982 : i32
    %add3A_984 = vector.broadcast %add3A_983 : i32 to vector<16xi32>
    %add3A_985 = arith.addi %add3A_984, %iota3A : vector<16xi32>
    %get3A_986 = arith.index_cast %add3A_981 : i32 to index
    %get3A_987 = tpu.vector_load %arg6[%get3A_986] {strides = array<i32>} : memref<3200xi32, #tpu.memory_space<vmem>>, vector<16xi32>,
    %get3A_988 = vector.shape_cast %get3A_987 : vector<16xi32> to vector<16xi32>
    %mul3A_989 = arith.constant 16 : i32
    %mul3A_990 = vector.broadcast %mul3A_989 : i32 to vector<16xi32>
    %mul3A_991 = arith.muli %get3A_988, %mul3A_990 : vector<16xi32>
    %get3A_992 = arith.index_cast %add3A_981 : i32 to index
    %get3A_993 = tpu.vector_load %arg7[%get3A_992] {strides = array<i32>} : memref<3200xi32, #tpu.memory_space<vmem>>, vector<16xi32>,
    %get3A_994 = vector.shape_cast %get3A_993 : vector<16xi32> to vector<16xi32>
    %add3A_995 = arith.addi %mul3A_991, %get3A_994 : vector<16xi32>
    %ge3A_996 = vector.broadcast %mul3A_871 : i32 to vector<16xi32>
    %ge3A_997 = arith.cmpi sge, %add3A_985, %ge3A_996 : vector<16xi32>
    %jit3A_998 = arith.constant 1024 : i32
    %broadcast_in_dim3A_999 = vector.broadcast %jit3A_998 : i32 to vector<16xi32>
    %select_n3A_1000 = arith.select %ge3A_997, %add3A_995, %broadcast_in_dim3A_999 : vector<16xi1>, vector<16xi32>
    %swap3A_1001 = arith.constant 0 : i32
    %swap3A_1002 = arith.index_cast %swap3A_1001 : i32 to index
    %swap3A_1003 = arith.constant 64 : index
    %swap3A_1004 = tpu.vector_load %arg8[%swap3A_1002, %swap3A_1003] {strides = array<i32>} : memref<4x128xi32, #tpu.memory_space<vmem>>, vector<1x16xi32>,
    %swap3A_1005 = vector.shape_cast %swap3A_1004 : vector<1x16xi32> to vector<16xi32>
    %swap3A_1006 = vector.shape_cast %select_n3A_1000 : vector<16xi32> to vector<1x16xi32>
    tpu.vector_store %arg8[%swap3A_1002, %swap3A_1003], %swap3A_1006 {strides = array<i32>} : memref<4x128xi32, #tpu.memory_space<vmem>>, vector<1x16xi32>,
    %add3A_1007 = arith.constant 80 : i32
    %add3A_1008 = arith.addi %sub3A, %add3A_1007 : i32
    %add3A_1009 = arith.constant 80 : i32
    %add3A_1010 = arith.addi %min3A_875, %add3A_1009 : i32
    %add3A_1011 = vector.broadcast %add3A_1010 : i32 to vector<16xi32>
    %add3A_1012 = arith.addi %add3A_1011, %iota3A : vector<16xi32>
    %get3A_1013 = arith.index_cast %add3A_1008 : i32 to index
    %get3A_1014 = tpu.vector_load %arg6[%get3A_1013] {strides = array<i32>} : memref<3200xi32, #tpu.memory_space<vmem>>, vector<16xi32>,
    %get3A_1015 = vector.shape_cast %get3A_1014 : vector<16xi32> to vector<16xi32>
    %mul3A_1016 = arith.constant 16 : i32
    %mul3A_1017 = vector.broadcast %mul3A_1016 : i32 to vector<16xi32>
    %mul3A_1018 = arith.muli %get3A_1015, %mul3A_1017 : vector<16xi32>
    %get3A_1019 = arith.index_cast %add3A_1008 : i32 to index
    %get3A_1020 = tpu.vector_load %arg7[%get3A_1019] {strides = array<i32>} : memref<3200xi32, #tpu.memory_space<vmem>>, vector<16xi32>,
    %get3A_1021 = vector.shape_cast %get3A_1020 : vector<16xi32> to vector<16xi32>
    %add3A_1022 = arith.addi %mul3A_1018, %get3A_1021 : vector<16xi32>
    %ge3A_1023 = vector.broadcast %mul3A_871 : i32 to vector<16xi32>
    %ge3A_1024 = arith.cmpi sge, %add3A_1012, %ge3A_1023 : vector<16xi32>
    %jit3A_1025 = arith.constant 1024 : i32
    %broadcast_in_dim3A_1026 = vector.broadcast %jit3A_1025 : i32 to vector<16xi32>
    %select_n3A_1027 = arith.select %ge3A_1024, %add3A_1022, %broadcast_in_dim3A_1026 : vector<16xi1>, vector<16xi32>
    %swap3A_1028 = arith.constant 0 : i32
    %swap3A_1029 = arith.index_cast %swap3A_1028 : i32 to index
    %swap3A_1030 = arith.constant 80 : index
    %swap3A_1031 = tpu.vector_load %arg8[%swap3A_1029, %swap3A_1030] {strides = array<i32>} : memref<4x128xi32, #tpu.memory_space<vmem>>, vector<1x16xi32>,
    %swap3A_1032 = vector.shape_cast %swap3A_1031 : vector<1x16xi32> to vector<16xi32>
    %swap3A_1033 = vector.shape_cast %select_n3A_1027 : vector<16xi32> to vector<1x16xi32>
    tpu.vector_store %arg8[%swap3A_1029, %swap3A_1030], %swap3A_1033 {strides = array<i32>} : memref<4x128xi32, #tpu.memory_space<vmem>>, vector<1x16xi32>,
    %add3A_1034 = arith.constant 96 : i32
    %add3A_1035 = arith.addi %sub3A, %add3A_1034 : i32
    %add3A_1036 = arith.constant 96 : i32
    %add3A_1037 = arith.addi %min3A_875, %add3A_1036 : i32
    %add3A_1038 = vector.broadcast %add3A_1037 : i32 to vector<16xi32>
    %add3A_1039 = arith.addi %add3A_1038, %iota3A : vector<16xi32>
    %get3A_1040 = arith.index_cast %add3A_1035 : i32 to index
    %get3A_1041 = tpu.vector_load %arg6[%get3A_1040] {strides = array<i32>} : memref<3200xi32, #tpu.memory_space<vmem>>, vector<16xi32>,
    %get3A_1042 = vector.shape_cast %get3A_1041 : vector<16xi32> to vector<16xi32>
    %mul3A_1043 = arith.constant 16 : i32
    %mul3A_1044 = vector.broadcast %mul3A_1043 : i32 to vector<16xi32>
    %mul3A_1045 = arith.muli %get3A_1042, %mul3A_1044 : vector<16xi32>
    %get3A_1046 = arith.index_cast %add3A_1035 : i32 to index
    %get3A_1047 = tpu.vector_load %arg7[%get3A_1046] {strides = array<i32>} : memref<3200xi32, #tpu.memory_space<vmem>>, vector<16xi32>,
    %get3A_1048 = vector.shape_cast %get3A_1047 : vector<16xi32> to vector<16xi32>
    %add3A_1049 = arith.addi %mul3A_1045, %get3A_1048 : vector<16xi32>
    %ge3A_1050 = vector.broadcast %mul3A_871 : i32 to vector<16xi32>
    %ge3A_1051 = arith.cmpi sge, %add3A_1039, %ge3A_1050 : vector<16xi32>
    %jit3A_1052 = arith.constant 1024 : i32
    %broadcast_in_dim3A_1053 = vector.broadcast %jit3A_1052 : i32 to vector<16xi32>
    %select_n3A_1054 = arith.select %ge3A_1051, %add3A_1049, %broadcast_in_dim3A_1053 : vector<16xi1>, vector<16xi32>
    %swap3A_1055 = arith.constant 0 : i32
    %swap3A_1056 = arith.index_cast %swap3A_1055 : i32 to index
    %swap3A_1057 = arith.constant 96 : index
    %swap3A_1058 = tpu.vector_load %arg8[%swap3A_1056, %swap3A_1057] {strides = array<i32>} : memref<4x128xi32, #tpu.memory_space<vmem>>, vector<1x16xi32>,
    %swap3A_1059 = vector.shape_cast %swap3A_1058 : vector<1x16xi32> to vector<16xi32>
    %swap3A_1060 = vector.shape_cast %select_n3A_1054 : vector<16xi32> to vector<1x16xi32>
    tpu.vector_store %arg8[%swap3A_1056, %swap3A_1057], %swap3A_1060 {strides = array<i32>} : memref<4x128xi32, #tpu.memory_space<vmem>>, vector<1x16xi32>,
    %add3A_1061 = arith.constant 112 : i32
    %add3A_1062 = arith.addi %sub3A, %add3A_1061 : i32
    %add3A_1063 = arith.constant 112 : i32
    %add3A_1064 = arith.addi %min3A_875, %add3A_1063 : i32
    %add3A_1065 = vector.broadcast %add3A_1064 : i32 to vector<16xi32>
    %add3A_1066 = arith.addi %add3A_1065, %iota3A : vector<16xi32>
    %get3A_1067 = arith.index_cast %add3A_1062 : i32 to index
    %get3A_1068 = tpu.vector_load %arg6[%get3A_1067] {strides = array<i32>} : memref<3200xi32, #tpu.memory_space<vmem>>, vector<16xi32>,
    %get3A_1069 = vector.shape_cast %get3A_1068 : vector<16xi32> to vector<16xi32>
    %mul3A_1070 = arith.constant 16 : i32
    %mul3A_1071 = vector.broadcast %mul3A_1070 : i32 to vector<16xi32>
    %mul3A_1072 = arith.muli %get3A_1069, %mul3A_1071 : vector<16xi32>
    %get3A_1073 = arith.index_cast %add3A_1062 : i32 to index
    %get3A_1074 = tpu.vector_load %arg7[%get3A_1073] {strides = array<i32>} : memref<3200xi32, #tpu.memory_space<vmem>>, vector<16xi32>,
    %get3A_1075 = vector.shape_cast %get3A_1074 : vector<16xi32> to vector<16xi32>
    %add3A_1076 = arith.addi %mul3A_1072, %get3A_1075 : vector<16xi32>
    %ge3A_1077 = vector.broadcast %mul3A_871 : i32 to vector<16xi32>
    %ge3A_1078 = arith.cmpi sge, %add3A_1066, %ge3A_1077 : vector<16xi32>
    %jit3A_1079 = arith.constant 1024 : i32
    %broadcast_in_dim3A_1080 = vector.broadcast %jit3A_1079 : i32 to vector<16xi32>
    %select_n3A_1081 = arith.select %ge3A_1078, %add3A_1076, %broadcast_in_dim3A_1080 : vector<16xi1>, vector<16xi32>
    %swap3A_1082 = arith.constant 0 : i32
    %swap3A_1083 = arith.index_cast %swap3A_1082 : i32 to index
    %swap3A_1084 = arith.constant 112 : index
    %swap3A_1085 = tpu.vector_load %arg8[%swap3A_1083, %swap3A_1084] {strides = array<i32>} : memref<4x128xi32, #tpu.memory_space<vmem>>, vector<1x16xi32>,
    %swap3A_1086 = vector.shape_cast %swap3A_1085 : vector<1x16xi32> to vector<16xi32>
    %swap3A_1087 = vector.shape_cast %select_n3A_1081 : vector<16xi32> to vector<1x16xi32>
    tpu.vector_store %arg8[%swap3A_1083, %swap3A_1084], %swap3A_1087 {strides = array<i32>} : memref<4x128xi32, #tpu.memory_space<vmem>>, vector<1x16xi32>,
    %dma_start3A_1088 = arith.constant 0 : i32
    %dma_start3A_1089 = arith.constant 0 : i32
    %dma_start3A_1090 = arith.constant 0 : i32
    %dma_start3A_1091 = arith.constant 0 : i32
    %dma_start3A_1092 = tpu.memref_slice %arg9[%dma_start3A_1088, %dma_start3A_1090, %dma_start3A_1091] : memref<4x128x128xf32, #tpu.memory_space<vmem>> -> memref<1x128x128xf32, #tpu.memory_space<vmem>>
    %dma_start3A_1093 = tpu.memref_squeeze %dma_start3A_1092 : memref<1x128x128xf32, #tpu.memory_space<vmem>> -> memref<128x128xf32, #tpu.memory_space<vmem>>
    %dma_start3A_1094 = arith.constant 0 : i32
    %dma_start3A_1095 = tpu.memref_slice %arg8[%dma_start3A_1089, %dma_start3A_1094] : memref<4x128xi32, #tpu.memory_space<vmem>> -> memref<1x128xi32, #tpu.memory_space<vmem>>
    %dma_start3A_1096 = tpu.memref_squeeze %dma_start3A_1095 : memref<1x128xi32, #tpu.memory_space<vmem>> -> memref<128xi32, #tpu.memory_space<vmem>>
    %dma_start3A_1097 = arith.constant 0 : i32
    %dma_start3A_1098 = arith.constant 0 : i32
    %dma_start3A_1099 = tpu.memref_slice %arg11[%dma_start3A_1097, %dma_start3A_1098] : memref<1040x128xf32, #tpu.memory_space<vmem_shared>> -> memref<1040x128xf32, #tpu.memory_space<vmem_shared>>
    tpu.enqueue_indirect_dma source(%dma_start3A_1093 : memref<128x128xf32, #tpu.memory_space<vmem>>) target(%dma_start3A_1099 : memref<1040x128xf32, #tpu.memory_space<vmem_shared>>) offsets(%dma_start3A_1096 : memref<128xi32, #tpu.memory_space<vmem>>) semaphore(%arg16 : memref<!tpu.dma_semaphore, #tpu.memory_space<semaphore_mem>>) {add = true}
    %add3A_1100 = arith.constant 3 : i32
    %add3A_1101 = arith.addi %mul3A_8, %add3A_1100 : i32
    %mul3A_1102 = arith.constant 128 : i32
    %mul3A_1103 = arith.muli %add3A_1101, %mul3A_1102 : i32
    %min3A_1104 = arith.constant 99872 : i32
    %min3A_1105 = arith.minsi %mul3A_1103, %min3A_1104 : i32
    %dma_start3A_1106 = arith.constant 3 : i32
    %dma_start3A_1107 = arith.constant 0 : i32
    %dma_start3A_1108 = arith.constant 0 : i32
    %dma_start3A_1109 = tpu.memref_slice %arg9[%dma_start3A_1106, %dma_start3A_1107, %dma_start3A_1108] : memref<4x128x128xf32, #tpu.memory_space<vmem>> -> memref<1x128x128xf32, #tpu.memory_space<vmem>>
    %dma_start3A_1110 = tpu.memref_squeeze %dma_start3A_1109 : memref<1x128x128xf32, #tpu.memory_space<vmem>> -> memref<128x128xf32, #tpu.memory_space<vmem>>
    %dma_start3A_1111 = arith.constant 0 : i32
    %dma_start3A_1112 = tpu.memref_slice %arg4[%min3A_1105, %dma_start3A_1111] : memref<100000x128xf32, #tpu.memory_space<hbm>> -> memref<128x128xf32, #tpu.memory_space<hbm>>
    %dma_start3A_1113 = arith.constant 0 : i32
    %dma_start3A_1114 = arith.constant 0 : i32
    %dma_start3A_1115 = tpu.memref_slice %arg9[%dma_start3A_1106, %dma_start3A_1113, %dma_start3A_1114] : memref<4x128x128xf32, #tpu.memory_space<vmem>> -> memref<1x128x128xf32, #tpu.memory_space<vmem>>
    %dma_start3A_1116 = tpu.memref_squeeze %dma_start3A_1115 : memref<1x128x128xf32, #tpu.memory_space<vmem>> -> memref<128x128xf32, #tpu.memory_space<vmem>>
    %dma_start3A_1117 = arith.constant 0 : i32
    %dma_start3A_1118 = tpu.memref_slice %arg4[%min3A_1105, %dma_start3A_1117] : memref<100000x128xf32, #tpu.memory_space<hbm>> -> memref<128x128xf32, #tpu.memory_space<hbm>>
    tpu.enqueue_dma source(%dma_start3A_1118 : memref<128x128xf32, #tpu.memory_space<hbm>>) target(%dma_start3A_1116 : memref<128x128xf32, #tpu.memory_space<vmem>>) target_semaphore(%arg15 : memref<!tpu.dma_semaphore, #tpu.memory_space<semaphore_mem>>)
    %scan3A = arith.constant 0 : i32
    %scan3A_1119 = arith.constant 0 : i32
    %scan3A_1120 = arith.constant 6 : i32
    %scan3A_1121 = arith.addi %scan3A_1119, %scan3A_1120 : i32
    %scan3A_1122 = arith.constant 1 : i32
    scf.for %scan3A_1184 = %scan3A_1119 to %scan3A_1121 step %scan3A_1122  : i32 {
      %mul3A_1185 = arith.constant 4 : i32
      %mul3A_1186 = arith.muli %mul3A_1185, %scan3A_1184 : i32
      %add3A_1187 = arith.constant 1 : i32
      %add3A_1188 = arith.addi %add3A_1187, %mul3A_1186 : i32
      %add3A_1189 = arith.constant 0 : i32
      %add3A_1190 = arith.addi %add3A_1188, %add3A_1189 : i32
      %dma_wait3A_1191 = arith.constant 1 : i32
      %dma_wait3A_1192 = arith.constant 0 : i32
      %dma_wait3A_1193 = arith.constant 0 : i32
      %dma_wait3A_1194 = tpu.memref_slice %arg9[%dma_wait3A_1191, %dma_wait3A_1192, %dma_wait3A_1193] : memref<4x128x128xf32, #tpu.memory_space<vmem>> -> memref<1x128x128xf32, #tpu.memory_space<vmem>>
      %dma_wait3A_1195 = tpu.memref_squeeze %dma_wait3A_1194 : memref<1x128x128xf32, #tpu.memory_space<vmem>> -> memref<128x128xf32, #tpu.memory_space<vmem>>
      %dma_wait3A_1196 = arith.constant 0 : i32
      %dma_wait3A_1197 = arith.constant 0 : i32
      %dma_wait3A_1198 = tpu.memref_slice %arg4[%dma_wait3A_1196, %dma_wait3A_1197] : memref<100000x128xf32, #tpu.memory_space<hbm>> -> memref<128x128xf32, #tpu.memory_space<hbm>>
      %dma_wait3A_1199 = arith.constant 0 : i32
      %dma_wait3A_1200 = arith.constant 0 : i32
      %dma_wait3A_1201 = tpu.memref_slice %arg9[%dma_wait3A_1191, %dma_wait3A_1199, %dma_wait3A_1200] : memref<4x128x128xf32, #tpu.memory_space<vmem>> -> memref<1x128x128xf32, #tpu.memory_space<vmem>>
      %dma_wait3A_1202 = tpu.memref_squeeze %dma_wait3A_1201 : memref<1x128x128xf32, #tpu.memory_space<vmem>> -> memref<128x128xf32, #tpu.memory_space<vmem>>
      %dma_wait3A_1203 = arith.constant 0 : i32
      %dma_wait3A_1204 = arith.constant 0 : i32
      %dma_wait3A_1205 = tpu.memref_slice %arg4[%dma_wait3A_1203, %dma_wait3A_1204] : memref<100000x128xf32, #tpu.memory_space<hbm>> -> memref<128x128xf32, #tpu.memory_space<hbm>>
      tpu.wait_dma2 semaphore(%arg13 : memref<!tpu.dma_semaphore, #tpu.memory_space<semaphore_mem>>) src(%dma_wait3A_1205 : memref<128x128xf32, #tpu.memory_space<hbm>>) dst(%dma_wait3A_1202 : memref<128x128xf32, #tpu.memory_space<vmem>>)
      %add3A_1206 = arith.addi %mul3A_8, %add3A_1190 : i32
      %mul3A_1207 = arith.constant 128 : i32
      %mul3A_1208 = arith.muli %add3A_1206, %mul3A_1207 : i32
      %mul3A_1209 = arith.constant 128 : i32
      %mul3A_1210 = arith.muli %add3A_1206, %mul3A_1209 : i32
      %min3A_1211 = arith.constant 99872 : i32
      %min3A_1212 = arith.minsi %mul3A_1210, %min3A_1211 : i32
      %sub3A_1213 = arith.subi %min3A_1212, %min3A_3 : i32
      %iota3A_1214 = tpu.iota {dimensions = array<i32: 0>} : vector<16xi32>
      %add3A_1215 = arith.constant 0 : i32
      %add3A_1216 = arith.addi %sub3A_1213, %add3A_1215 : i32
      %add3A_1217 = arith.constant 0 : i32
      %add3A_1218 = arith.addi %min3A_1212, %add3A_1217 : i32
      %add3A_1219 = vector.broadcast %add3A_1218 : i32 to vector<16xi32>
      %add3A_1220 = arith.addi %add3A_1219, %iota3A_1214 : vector<16xi32>
      %get3A_1221 = arith.index_cast %add3A_1216 : i32 to index
      %get3A_1222 = tpu.vector_load %arg6[%get3A_1221] {strides = array<i32>} : memref<3200xi32, #tpu.memory_space<vmem>>, vector<16xi32>,
      %get3A_1223 = vector.shape_cast %get3A_1222 : vector<16xi32> to vector<16xi32>
      %mul3A_1224 = arith.constant 16 : i32
      %mul3A_1225 = vector.broadcast %mul3A_1224 : i32 to vector<16xi32>
      %mul3A_1226 = arith.muli %get3A_1223, %mul3A_1225 : vector<16xi32>
      %get3A_1227 = arith.index_cast %add3A_1216 : i32 to index
      %get3A_1228 = tpu.vector_load %arg7[%get3A_1227] {strides = array<i32>} : memref<3200xi32, #tpu.memory_space<vmem>>, vector<16xi32>,
      %get3A_1229 = vector.shape_cast %get3A_1228 : vector<16xi32> to vector<16xi32>
      %add3A_1230 = arith.addi %mul3A_1226, %get3A_1229 : vector<16xi32>
      %ge3A_1231 = vector.broadcast %mul3A_1208 : i32 to vector<16xi32>
      %ge3A_1232 = arith.cmpi sge, %add3A_1220, %ge3A_1231 : vector<16xi32>
      %jit3A_1233 = arith.constant 1024 : i32
      %broadcast_in_dim3A_1234 = vector.broadcast %jit3A_1233 : i32 to vector<16xi32>
      %select_n3A_1235 = arith.select %ge3A_1232, %add3A_1230, %broadcast_in_dim3A_1234 : vector<16xi1>, vector<16xi32>
      %swap3A_1236 = arith.constant 1 : i32
      %swap3A_1237 = arith.index_cast %swap3A_1236 : i32 to index
      %swap3A_1238 = arith.constant 0 : index
      %swap3A_1239 = tpu.vector_load %arg8[%swap3A_1237, %swap3A_1238] {strides = array<i32>} : memref<4x128xi32, #tpu.memory_space<vmem>>, vector<1x16xi32>,
      %swap3A_1240 = vector.shape_cast %swap3A_1239 : vector<1x16xi32> to vector<16xi32>
      %swap3A_1241 = vector.shape_cast %select_n3A_1235 : vector<16xi32> to vector<1x16xi32>
      tpu.vector_store %arg8[%swap3A_1237, %swap3A_1238], %swap3A_1241 {strides = array<i32>} : memref<4x128xi32, #tpu.memory_space<vmem>>, vector<1x16xi32>,
      %add3A_1242 = arith.constant 16 : i32
      %add3A_1243 = arith.addi %sub3A_1213, %add3A_1242 : i32
      %add3A_1244 = arith.constant 16 : i32
      %add3A_1245 = arith.addi %min3A_1212, %add3A_1244 : i32
      %add3A_1246 = vector.broadcast %add3A_1245 : i32 to vector<16xi32>
      %add3A_1247 = arith.addi %add3A_1246, %iota3A_1214 : vector<16xi32>
      %get3A_1248 = arith.index_cast %add3A_1243 : i32 to index
      %get3A_1249 = tpu.vector_load %arg6[%get3A_1248] {strides = array<i32>} : memref<3200xi32, #tpu.memory_space<vmem>>, vector<16xi32>,
      %get3A_1250 = vector.shape_cast %get3A_1249 : vector<16xi32> to vector<16xi32>
      %mul3A_1251 = arith.constant 16 : i32
      %mul3A_1252 = vector.broadcast %mul3A_1251 : i32 to vector<16xi32>
      %mul3A_1253 = arith.muli %get3A_1250, %mul3A_1252 : vector<16xi32>
      %get3A_1254 = arith.index_cast %add3A_1243 : i32 to index
      %get3A_1255 = tpu.vector_load %arg7[%get3A_1254] {strides = array<i32>} : memref<3200xi32, #tpu.memory_space<vmem>>, vector<16xi32>,
      %get3A_1256 = vector.shape_cast %get3A_1255 : vector<16xi32> to vector<16xi32>
      %add3A_1257 = arith.addi %mul3A_1253, %get3A_1256 : vector<16xi32>
      %ge3A_1258 = vector.broadcast %mul3A_1208 : i32 to vector<16xi32>
      %ge3A_1259 = arith.cmpi sge, %add3A_1247, %ge3A_1258 : vector<16xi32>
      %jit3A_1260 = arith.constant 1024 : i32
      %broadcast_in_dim3A_1261 = vector.broadcast %jit3A_1260 : i32 to vector<16xi32>
      %select_n3A_1262 = arith.select %ge3A_1259, %add3A_1257, %broadcast_in_dim3A_1261 : vector<16xi1>, vector<16xi32>
      %swap3A_1263 = arith.constant 1 : i32
      %swap3A_1264 = arith.index_cast %swap3A_1263 : i32 to index
      %swap3A_1265 = arith.constant 16 : index
      %swap3A_1266 = tpu.vector_load %arg8[%swap3A_1264, %swap3A_1265] {strides = array<i32>} : memref<4x128xi32, #tpu.memory_space<vmem>>, vector<1x16xi32>,
      %swap3A_1267 = vector.shape_cast %swap3A_1266 : vector<1x16xi32> to vector<16xi32>
      %swap3A_1268 = vector.shape_cast %select_n3A_1262 : vector<16xi32> to vector<1x16xi32>
      tpu.vector_store %arg8[%swap3A_1264, %swap3A_1265], %swap3A_1268 {strides = array<i32>} : memref<4x128xi32, #tpu.memory_space<vmem>>, vector<1x16xi32>,
      %add3A_1269 = arith.constant 32 : i32
      %add3A_1270 = arith.addi %sub3A_1213, %add3A_1269 : i32
      %add3A_1271 = arith.constant 32 : i32
      %add3A_1272 = arith.addi %min3A_1212, %add3A_1271 : i32
      %add3A_1273 = vector.broadcast %add3A_1272 : i32 to vector<16xi32>
      %add3A_1274 = arith.addi %add3A_1273, %iota3A_1214 : vector<16xi32>
      %get3A_1275 = arith.index_cast %add3A_1270 : i32 to index
      %get3A_1276 = tpu.vector_load %arg6[%get3A_1275] {strides = array<i32>} : memref<3200xi32, #tpu.memory_space<vmem>>, vector<16xi32>,
      %get3A_1277 = vector.shape_cast %get3A_1276 : vector<16xi32> to vector<16xi32>
      %mul3A_1278 = arith.constant 16 : i32
      %mul3A_1279 = vector.broadcast %mul3A_1278 : i32 to vector<16xi32>
      %mul3A_1280 = arith.muli %get3A_1277, %mul3A_1279 : vector<16xi32>
      %get3A_1281 = arith.index_cast %add3A_1270 : i32 to index
      %get3A_1282 = tpu.vector_load %arg7[%get3A_1281] {strides = array<i32>} : memref<3200xi32, #tpu.memory_space<vmem>>, vector<16xi32>,
      %get3A_1283 = vector.shape_cast %get3A_1282 : vector<16xi32> to vector<16xi32>
      %add3A_1284 = arith.addi %mul3A_1280, %get3A_1283 : vector<16xi32>
      %ge3A_1285 = vector.broadcast %mul3A_1208 : i32 to vector<16xi32>
      %ge3A_1286 = arith.cmpi sge, %add3A_1274, %ge3A_1285 : vector<16xi32>
      %jit3A_1287 = arith.constant 1024 : i32
      %broadcast_in_dim3A_1288 = vector.broadcast %jit3A_1287 : i32 to vector<16xi32>
      %select_n3A_1289 = arith.select %ge3A_1286, %add3A_1284, %broadcast_in_dim3A_1288 : vector<16xi1>, vector<16xi32>
      %swap3A_1290 = arith.constant 1 : i32
      %swap3A_1291 = arith.index_cast %swap3A_1290 : i32 to index
      %swap3A_1292 = arith.constant 32 : index
      %swap3A_1293 = tpu.vector_load %arg8[%swap3A_1291, %swap3A_1292] {strides = array<i32>} : memref<4x128xi32, #tpu.memory_space<vmem>>, vector<1x16xi32>,
      %swap3A_1294 = vector.shape_cast %swap3A_1293 : vector<1x16xi32> to vector<16xi32>
      %swap3A_1295 = vector.shape_cast %select_n3A_1289 : vector<16xi32> to vector<1x16xi32>
      tpu.vector_store %arg8[%swap3A_1291, %swap3A_1292], %swap3A_1295 {strides = array<i32>} : memref<4x128xi32, #tpu.memory_space<vmem>>, vector<1x16xi32>,
      %add3A_1296 = arith.constant 48 : i32
      %add3A_1297 = arith.addi %sub3A_1213, %add3A_1296 : i32
      %add3A_1298 = arith.constant 48 : i32
      %add3A_1299 = arith.addi %min3A_1212, %add3A_1298 : i32
      %add3A_1300 = vector.broadcast %add3A_1299 : i32 to vector<16xi32>
      %add3A_1301 = arith.addi %add3A_1300, %iota3A_1214 : vector<16xi32>
      %get3A_1302 = arith.index_cast %add3A_1297 : i32 to index
      %get3A_1303 = tpu.vector_load %arg6[%get3A_1302] {strides = array<i32>} : memref<3200xi32, #tpu.memory_space<vmem>>, vector<16xi32>,
      %get3A_1304 = vector.shape_cast %get3A_1303 : vector<16xi32> to vector<16xi32>
      %mul3A_1305 = arith.constant 16 : i32
      %mul3A_1306 = vector.broadcast %mul3A_1305 : i32 to vector<16xi32>
      %mul3A_1307 = arith.muli %get3A_1304, %mul3A_1306 : vector<16xi32>
      %get3A_1308 = arith.index_cast %add3A_1297 : i32 to index
      %get3A_1309 = tpu.vector_load %arg7[%get3A_1308] {strides = array<i32>} : memref<3200xi32, #tpu.memory_space<vmem>>, vector<16xi32>,
      %get3A_1310 = vector.shape_cast %get3A_1309 : vector<16xi32> to vector<16xi32>
      %add3A_1311 = arith.addi %mul3A_1307, %get3A_1310 : vector<16xi32>
      %ge3A_1312 = vector.broadcast %mul3A_1208 : i32 to vector<16xi32>
      %ge3A_1313 = arith.cmpi sge, %add3A_1301, %ge3A_1312 : vector<16xi32>
      %jit3A_1314 = arith.constant 1024 : i32
      %broadcast_in_dim3A_1315 = vector.broadcast %jit3A_1314 : i32 to vector<16xi32>
      %select_n3A_1316 = arith.select %ge3A_1313, %add3A_1311, %broadcast_in_dim3A_1315 : vector<16xi1>, vector<16xi32>
      %swap3A_1317 = arith.constant 1 : i32
      %swap3A_1318 = arith.index_cast %swap3A_1317 : i32 to index
      %swap3A_1319 = arith.constant 48 : index
      %swap3A_1320 = tpu.vector_load %arg8[%swap3A_1318, %swap3A_1319] {strides = array<i32>} : memref<4x128xi32, #tpu.memory_space<vmem>>, vector<1x16xi32>,
      %swap3A_1321 = vector.shape_cast %swap3A_1320 : vector<1x16xi32> to vector<16xi32>
      %swap3A_1322 = vector.shape_cast %select_n3A_1316 : vector<16xi32> to vector<1x16xi32>
      tpu.vector_store %arg8[%swap3A_1318, %swap3A_1319], %swap3A_1322 {strides = array<i32>} : memref<4x128xi32, #tpu.memory_space<vmem>>, vector<1x16xi32>,
      %add3A_1323 = arith.constant 64 : i32
      %add3A_1324 = arith.addi %sub3A_1213, %add3A_1323 : i32
      %add3A_1325 = arith.constant 64 : i32
      %add3A_1326 = arith.addi %min3A_1212, %add3A_1325 : i32
      %add3A_1327 = vector.broadcast %add3A_1326 : i32 to vector<16xi32>
      %add3A_1328 = arith.addi %add3A_1327, %iota3A_1214 : vector<16xi32>
      %get3A_1329 = arith.index_cast %add3A_1324 : i32 to index
      %get3A_1330 = tpu.vector_load %arg6[%get3A_1329] {strides = array<i32>} : memref<3200xi32, #tpu.memory_space<vmem>>, vector<16xi32>,
      %get3A_1331 = vector.shape_cast %get3A_1330 : vector<16xi32> to vector<16xi32>
      %mul3A_1332 = arith.constant 16 : i32
      %mul3A_1333 = vector.broadcast %mul3A_1332 : i32 to vector<16xi32>
      %mul3A_1334 = arith.muli %get3A_1331, %mul3A_1333 : vector<16xi32>
      %get3A_1335 = arith.index_cast %add3A_1324 : i32 to index
      %get3A_1336 = tpu.vector_load %arg7[%get3A_1335] {strides = array<i32>} : memref<3200xi32, #tpu.memory_space<vmem>>, vector<16xi32>,
      %get3A_1337 = vector.shape_cast %get3A_1336 : vector<16xi32> to vector<16xi32>
      %add3A_1338 = arith.addi %mul3A_1334, %get3A_1337 : vector<16xi32>
      %ge3A_1339 = vector.broadcast %mul3A_1208 : i32 to vector<16xi32>
      %ge3A_1340 = arith.cmpi sge, %add3A_1328, %ge3A_1339 : vector<16xi32>
      %jit3A_1341 = arith.constant 1024 : i32
      %broadcast_in_dim3A_1342 = vector.broadcast %jit3A_1341 : i32 to vector<16xi32>
      %select_n3A_1343 = arith.select %ge3A_1340, %add3A_1338, %broadcast_in_dim3A_1342 : vector<16xi1>, vector<16xi32>
      %swap3A_1344 = arith.constant 1 : i32
      %swap3A_1345 = arith.index_cast %swap3A_1344 : i32 to index
      %swap3A_1346 = arith.constant 64 : index
      %swap3A_1347 = tpu.vector_load %arg8[%swap3A_1345, %swap3A_1346] {strides = array<i32>} : memref<4x128xi32, #tpu.memory_space<vmem>>, vector<1x16xi32>,
      %swap3A_1348 = vector.shape_cast %swap3A_1347 : vector<1x16xi32> to vector<16xi32>
      %swap3A_1349 = vector.shape_cast %select_n3A_1343 : vector<16xi32> to vector<1x16xi32>
      tpu.vector_store %arg8[%swap3A_1345, %swap3A_1346], %swap3A_1349 {strides = array<i32>} : memref<4x128xi32, #tpu.memory_space<vmem>>, vector<1x16xi32>,
      %add3A_1350 = arith.constant 80 : i32
      %add3A_1351 = arith.addi %sub3A_1213, %add3A_1350 : i32
      %add3A_1352 = arith.constant 80 : i32
      %add3A_1353 = arith.addi %min3A_1212, %add3A_1352 : i32
      %add3A_1354 = vector.broadcast %add3A_1353 : i32 to vector<16xi32>
      %add3A_1355 = arith.addi %add3A_1354, %iota3A_1214 : vector<16xi32>
      %get3A_1356 = arith.index_cast %add3A_1351 : i32 to index
      %get3A_1357 = tpu.vector_load %arg6[%get3A_1356] {strides = array<i32>} : memref<3200xi32, #tpu.memory_space<vmem>>, vector<16xi32>,
      %get3A_1358 = vector.shape_cast %get3A_1357 : vector<16xi32> to vector<16xi32>
      %mul3A_1359 = arith.constant 16 : i32
      %mul3A_1360 = vector.broadcast %mul3A_1359 : i32 to vector<16xi32>
      %mul3A_1361 = arith.muli %get3A_1358, %mul3A_1360 : vector<16xi32>
      %get3A_1362 = arith.index_cast %add3A_1351 : i32 to index
      %get3A_1363 = tpu.vector_load %arg7[%get3A_1362] {strides = array<i32>} : memref<3200xi32, #tpu.memory_space<vmem>>, vector<16xi32>,
      %get3A_1364 = vector.shape_cast %get3A_1363 : vector<16xi32> to vector<16xi32>
      %add3A_1365 = arith.addi %mul3A_1361, %get3A_1364 : vector<16xi32>
      %ge3A_1366 = vector.broadcast %mul3A_1208 : i32 to vector<16xi32>
      %ge3A_1367 = arith.cmpi sge, %add3A_1355, %ge3A_1366 : vector<16xi32>
      %jit3A_1368 = arith.constant 1024 : i32
      %broadcast_in_dim3A_1369 = vector.broadcast %jit3A_1368 : i32 to vector<16xi32>
      %select_n3A_1370 = arith.select %ge3A_1367, %add3A_1365, %broadcast_in_dim3A_1369 : vector<16xi1>, vector<16xi32>
      %swap3A_1371 = arith.constant 1 : i32
      %swap3A_1372 = arith.index_cast %swap3A_1371 : i32 to index
      %swap3A_1373 = arith.constant 80 : index
      %swap3A_1374 = tpu.vector_load %arg8[%swap3A_1372, %swap3A_1373] {strides = array<i32>} : memref<4x128xi32, #tpu.memory_space<vmem>>, vector<1x16xi32>,
      %swap3A_1375 = vector.shape_cast %swap3A_1374 : vector<1x16xi32> to vector<16xi32>
      %swap3A_1376 = vector.shape_cast %select_n3A_1370 : vector<16xi32> to vector<1x16xi32>
      tpu.vector_store %arg8[%swap3A_1372, %swap3A_1373], %swap3A_1376 {strides = array<i32>} : memref<4x128xi32, #tpu.memory_space<vmem>>, vector<1x16xi32>,
      %add3A_1377 = arith.constant 96 : i32
      %add3A_1378 = arith.addi %sub3A_1213, %add3A_1377 : i32
      %add3A_1379 = arith.constant 96 : i32
      %add3A_1380 = arith.addi %min3A_1212, %add3A_1379 : i32
      %add3A_1381 = vector.broadcast %add3A_1380 : i32 to vector<16xi32>
      %add3A_1382 = arith.addi %add3A_1381, %iota3A_1214 : vector<16xi32>
      %get3A_1383 = arith.index_cast %add3A_1378 : i32 to index
      %get3A_1384 = tpu.vector_load %arg6[%get3A_1383] {strides = array<i32>} : memref<3200xi32, #tpu.memory_space<vmem>>, vector<16xi32>,
      %get3A_1385 = vector.shape_cast %get3A_1384 : vector<16xi32> to vector<16xi32>
      %mul3A_1386 = arith.constant 16 : i32
      %mul3A_1387 = vector.broadcast %mul3A_1386 : i32 to vector<16xi32>
      %mul3A_1388 = arith.muli %get3A_1385, %mul3A_1387 : vector<16xi32>
      %get3A_1389 = arith.index_cast %add3A_1378 : i32 to index
      %get3A_1390 = tpu.vector_load %arg7[%get3A_1389] {strides = array<i32>} : memref<3200xi32, #tpu.memory_space<vmem>>, vector<16xi32>,
      %get3A_1391 = vector.shape_cast %get3A_1390 : vector<16xi32> to vector<16xi32>
      %add3A_1392 = arith.addi %mul3A_1388, %get3A_1391 : vector<16xi32>
      %ge3A_1393 = vector.broadcast %mul3A_1208 : i32 to vector<16xi32>
      %ge3A_1394 = arith.cmpi sge, %add3A_1382, %ge3A_1393 : vector<16xi32>
      %jit3A_1395 = arith.constant 1024 : i32
      %broadcast_in_dim3A_1396 = vector.broadcast %jit3A_1395 : i32 to vector<16xi32>
      %select_n3A_1397 = arith.select %ge3A_1394, %add3A_1392, %broadcast_in_dim3A_1396 : vector<16xi1>, vector<16xi32>
      %swap3A_1398 = arith.constant 1 : i32
      %swap3A_1399 = arith.index_cast %swap3A_1398 : i32 to index
      %swap3A_1400 = arith.constant 96 : index
      %swap3A_1401 = tpu.vector_load %arg8[%swap3A_1399, %swap3A_1400] {strides = array<i32>} : memref<4x128xi32, #tpu.memory_space<vmem>>, vector<1x16xi32>,
      %swap3A_1402 = vector.shape_cast %swap3A_1401 : vector<1x16xi32> to vector<16xi32>
      %swap3A_1403 = vector.shape_cast %select_n3A_1397 : vector<16xi32> to vector<1x16xi32>
      tpu.vector_store %arg8[%swap3A_1399, %swap3A_1400], %swap3A_1403 {strides = array<i32>} : memref<4x128xi32, #tpu.memory_space<vmem>>, vector<1x16xi32>,
      %add3A_1404 = arith.constant 112 : i32
      %add3A_1405 = arith.addi %sub3A_1213, %add3A_1404 : i32
      %add3A_1406 = arith.constant 112 : i32
      %add3A_1407 = arith.addi %min3A_1212, %add3A_1406 : i32
      %add3A_1408 = vector.broadcast %add3A_1407 : i32 to vector<16xi32>
      %add3A_1409 = arith.addi %add3A_1408, %iota3A_1214 : vector<16xi32>
      %get3A_1410 = arith.index_cast %add3A_1405 : i32 to index
      %get3A_1411 = tpu.vector_load %arg6[%get3A_1410] {strides = array<i32>} : memref<3200xi32, #tpu.memory_space<vmem>>, vector<16xi32>,
      %get3A_1412 = vector.shape_cast %get3A_1411 : vector<16xi32> to vector<16xi32>
      %mul3A_1413 = arith.constant 16 : i32
      %mul3A_1414 = vector.broadcast %mul3A_1413 : i32 to vector<16xi32>
      %mul3A_1415 = arith.muli %get3A_1412, %mul3A_1414 : vector<16xi32>
      %get3A_1416 = arith.index_cast %add3A_1405 : i32 to index
      %get3A_1417 = tpu.vector_load %arg7[%get3A_1416] {strides = array<i32>} : memref<3200xi32, #tpu.memory_space<vmem>>, vector<16xi32>,
      %get3A_1418 = vector.shape_cast %get3A_1417 : vector<16xi32> to vector<16xi32>
      %add3A_1419 = arith.addi %mul3A_1415, %get3A_1418 : vector<16xi32>
      %ge3A_1420 = vector.broadcast %mul3A_1208 : i32 to vector<16xi32>
      %ge3A_1421 = arith.cmpi sge, %add3A_1409, %ge3A_1420 : vector<16xi32>
      %jit3A_1422 = arith.constant 1024 : i32
      %broadcast_in_dim3A_1423 = vector.broadcast %jit3A_1422 : i32 to vector<16xi32>
      %select_n3A_1424 = arith.select %ge3A_1421, %add3A_1419, %broadcast_in_dim3A_1423 : vector<16xi1>, vector<16xi32>
      %swap3A_1425 = arith.constant 1 : i32
      %swap3A_1426 = arith.index_cast %swap3A_1425 : i32 to index
      %swap3A_1427 = arith.constant 112 : index
      %swap3A_1428 = tpu.vector_load %arg8[%swap3A_1426, %swap3A_1427] {strides = array<i32>} : memref<4x128xi32, #tpu.memory_space<vmem>>, vector<1x16xi32>,
      %swap3A_1429 = vector.shape_cast %swap3A_1428 : vector<1x16xi32> to vector<16xi32>
      %swap3A_1430 = vector.shape_cast %select_n3A_1424 : vector<16xi32> to vector<1x16xi32>
      tpu.vector_store %arg8[%swap3A_1426, %swap3A_1427], %swap3A_1430 {strides = array<i32>} : memref<4x128xi32, #tpu.memory_space<vmem>>, vector<1x16xi32>,
      %dma_start3A_1431 = arith.constant 1 : i32
      %dma_start3A_1432 = arith.constant 1 : i32
      %dma_start3A_1433 = arith.constant 0 : i32
      %dma_start3A_1434 = arith.constant 0 : i32
      %dma_start3A_1435 = tpu.memref_slice %arg9[%dma_start3A_1431, %dma_start3A_1433, %dma_start3A_1434] : memref<4x128x128xf32, #tpu.memory_space<vmem>> -> memref<1x128x128xf32, #tpu.memory_space<vmem>>
      %dma_start3A_1436 = tpu.memref_squeeze %dma_start3A_1435 : memref<1x128x128xf32, #tpu.memory_space<vmem>> -> memref<128x128xf32, #tpu.memory_space<vmem>>
      %dma_start3A_1437 = arith.constant 0 : i32
      %dma_start3A_1438 = tpu.memref_slice %arg8[%dma_start3A_1432, %dma_start3A_1437] : memref<4x128xi32, #tpu.memory_space<vmem>> -> memref<1x128xi32, #tpu.memory_space<vmem>>
      %dma_start3A_1439 = tpu.memref_squeeze %dma_start3A_1438 : memref<1x128xi32, #tpu.memory_space<vmem>> -> memref<128xi32, #tpu.memory_space<vmem>>
      %dma_start3A_1440 = arith.constant 0 : i32
      %dma_start3A_1441 = arith.constant 0 : i32
      %dma_start3A_1442 = tpu.memref_slice %arg11[%dma_start3A_1440, %dma_start3A_1441] : memref<1040x128xf32, #tpu.memory_space<vmem_shared>> -> memref<1040x128xf32, #tpu.memory_space<vmem_shared>>
      tpu.enqueue_indirect_dma source(%dma_start3A_1436 : memref<128x128xf32, #tpu.memory_space<vmem>>) target(%dma_start3A_1442 : memref<1040x128xf32, #tpu.memory_space<vmem_shared>>) offsets(%dma_start3A_1439 : memref<128xi32, #tpu.memory_space<vmem>>) semaphore(%arg17 : memref<!tpu.dma_semaphore, #tpu.memory_space<semaphore_mem>>) {add = true}
      %dma_wait3A_1443 = arith.constant 0 : i32
      %dma_wait3A_1444 = arith.constant 0 : i32
      %dma_wait3A_1445 = arith.constant 0 : i32
      %dma_wait3A_1446 = arith.constant 0 : i32
      %dma_wait3A_1447 = tpu.memref_slice %arg9[%dma_wait3A_1443, %dma_wait3A_1445, %dma_wait3A_1446] : memref<4x128x128xf32, #tpu.memory_space<vmem>> -> memref<1x128x128xf32, #tpu.memory_space<vmem>>
      %dma_wait3A_1448 = tpu.memref_squeeze %dma_wait3A_1447 : memref<1x128x128xf32, #tpu.memory_space<vmem>> -> memref<128x128xf32, #tpu.memory_space<vmem>>
      %dma_wait3A_1449 = arith.constant 0 : i32
      %dma_wait3A_1450 = tpu.memref_slice %arg8[%dma_wait3A_1444, %dma_wait3A_1449] : memref<4x128xi32, #tpu.memory_space<vmem>> -> memref<1x128xi32, #tpu.memory_space<vmem>>
      %dma_wait3A_1451 = tpu.memref_squeeze %dma_wait3A_1450 : memref<1x128xi32, #tpu.memory_space<vmem>> -> memref<128xi32, #tpu.memory_space<vmem>>
      %dma_wait3A_1452 = arith.constant 0 : i32
      %dma_wait3A_1453 = arith.constant 0 : i32
      %dma_wait3A_1454 = tpu.memref_slice %arg11[%dma_wait3A_1452, %dma_wait3A_1453] : memref<1040x128xf32, #tpu.memory_space<vmem_shared>> -> memref<1040x128xf32, #tpu.memory_space<vmem_shared>>
      tpu.wait_indirect_dma semaphore(%arg16 : memref<!tpu.dma_semaphore, #tpu.memory_space<semaphore_mem>>) src(%dma_wait3A_1448 : memref<128x128xf32, #tpu.memory_space<vmem>>) dst(%dma_wait3A_1454 : memref<1040x128xf32, #tpu.memory_space<vmem_shared>>)
      %add3A_1455 = arith.addi %mul3A_8, %add3A_1190 : i32
      %add3A_1456 = arith.constant 3 : i32
      %add3A_1457 = arith.addi %add3A_1455, %add3A_1456 : i32
      %mul3A_1458 = arith.constant 128 : i32
      %mul3A_1459 = arith.muli %add3A_1457, %mul3A_1458 : i32
      %min3A_1460 = arith.constant 99872 : i32
      %min3A_1461 = arith.minsi %mul3A_1459, %min3A_1460 : i32
      %dma_start3A_1462 = arith.constant 0 : i32
      %dma_start3A_1463 = arith.constant 0 : i32
      %dma_start3A_1464 = arith.constant 0 : i32
      %dma_start3A_1465 = tpu.memref_slice %arg9[%dma_start3A_1462, %dma_start3A_1463, %dma_start3A_1464] : memref<4x128x128xf32, #tpu.memory_space<vmem>> -> memref<1x128x128xf32, #tpu.memory_space<vmem>>
      %dma_start3A_1466 = tpu.memref_squeeze %dma_start3A_1465 : memref<1x128x128xf32, #tpu.memory_space<vmem>> -> memref<128x128xf32, #tpu.memory_space<vmem>>
      %dma_start3A_1467 = arith.constant 0 : i32
      %dma_start3A_1468 = tpu.memref_slice %arg4[%min3A_1461, %dma_start3A_1467] : memref<100000x128xf32, #tpu.memory_space<hbm>> -> memref<128x128xf32, #tpu.memory_space<hbm>>
      %dma_start3A_1469 = arith.constant 0 : i32
      %dma_start3A_1470 = arith.constant 0 : i32
      %dma_start3A_1471 = tpu.memref_slice %arg9[%dma_start3A_1462, %dma_start3A_1469, %dma_start3A_1470] : memref<4x128x128xf32, #tpu.memory_space<vmem>> -> memref<1x128x128xf32, #tpu.memory_space<vmem>>
      %dma_start3A_1472 = tpu.memref_squeeze %dma_start3A_1471 : memref<1x128x128xf32, #tpu.memory_space<vmem>> -> memref<128x128xf32, #tpu.memory_space<vmem>>
      %dma_start3A_1473 = arith.constant 0 : i32
      %dma_start3A_1474 = tpu.memref_slice %arg4[%min3A_1461, %dma_start3A_1473] : memref<100000x128xf32, #tpu.memory_space<hbm>> -> memref<128x128xf32, #tpu.memory_space<hbm>>
      tpu.enqueue_dma source(%dma_start3A_1474 : memref<128x128xf32, #tpu.memory_space<hbm>>) target(%dma_start3A_1472 : memref<128x128xf32, #tpu.memory_space<vmem>>) target_semaphore(%arg12 : memref<!tpu.dma_semaphore, #tpu.memory_space<semaphore_mem>>)
      %mul3A_1475 = arith.constant 4 : i32
      %mul3A_1476 = arith.muli %mul3A_1475, %scan3A_1184 : i32
      %add3A_1477 = arith.constant 1 : i32
      %add3A_1478 = arith.addi %add3A_1477, %mul3A_1476 : i32
      %add3A_1479 = arith.constant 1 : i32
      %add3A_1480 = arith.addi %add3A_1478, %add3A_1479 : i32
      %dma_wait3A_1481 = arith.constant 2 : i32
      %dma_wait3A_1482 = arith.constant 0 : i32
      %dma_wait3A_1483 = arith.constant 0 : i32
      %dma_wait3A_1484 = tpu.memref_slice %arg9[%dma_wait3A_1481, %dma_wait3A_1482, %dma_wait3A_1483] : memref<4x128x128xf32, #tpu.memory_space<vmem>> -> memref<1x128x128xf32, #tpu.memory_space<vmem>>
      %dma_wait3A_1485 = tpu.memref_squeeze %dma_wait3A_1484 : memref<1x128x128xf32, #tpu.memory_space<vmem>> -> memref<128x128xf32, #tpu.memory_space<vmem>>
      %dma_wait3A_1486 = arith.constant 0 : i32
      %dma_wait3A_1487 = arith.constant 0 : i32
      %dma_wait3A_1488 = tpu.memref_slice %arg4[%dma_wait3A_1486, %dma_wait3A_1487] : memref<100000x128xf32, #tpu.memory_space<hbm>> -> memref<128x128xf32, #tpu.memory_space<hbm>>
      %dma_wait3A_1489 = arith.constant 0 : i32
      %dma_wait3A_1490 = arith.constant 0 : i32
      %dma_wait3A_1491 = tpu.memref_slice %arg9[%dma_wait3A_1481, %dma_wait3A_1489, %dma_wait3A_1490] : memref<4x128x128xf32, #tpu.memory_space<vmem>> -> memref<1x128x128xf32, #tpu.memory_space<vmem>>
      %dma_wait3A_1492 = tpu.memref_squeeze %dma_wait3A_1491 : memref<1x128x128xf32, #tpu.memory_space<vmem>> -> memref<128x128xf32, #tpu.memory_space<vmem>>
      %dma_wait3A_1493 = arith.constant 0 : i32
      %dma_wait3A_1494 = arith.constant 0 : i32
      %dma_wait3A_1495 = tpu.memref_slice %arg4[%dma_wait3A_1493, %dma_wait3A_1494] : memref<100000x128xf32, #tpu.memory_space<hbm>> -> memref<128x128xf32, #tpu.memory_space<hbm>>
      tpu.wait_dma2 semaphore(%arg14 : memref<!tpu.dma_semaphore, #tpu.memory_space<semaphore_mem>>) src(%dma_wait3A_1495 : memref<128x128xf32, #tpu.memory_space<hbm>>) dst(%dma_wait3A_1492 : memref<128x128xf32, #tpu.memory_space<vmem>>)
      %add3A_1496 = arith.addi %mul3A_8, %add3A_1480 : i32
      %mul3A_1497 = arith.constant 128 : i32
      %mul3A_1498 = arith.muli %add3A_1496, %mul3A_1497 : i32
      %mul3A_1499 = arith.constant 128 : i32
      %mul3A_1500 = arith.muli %add3A_1496, %mul3A_1499 : i32
      %min3A_1501 = arith.constant 99872 : i32
      %min3A_1502 = arith.minsi %mul3A_1500, %min3A_1501 : i32
      %sub3A_1503 = arith.subi %min3A_1502, %min3A_3 : i32
      %iota3A_1504 = tpu.iota {dimensions = array<i32: 0>} : vector<16xi32>
      %add3A_1505 = arith.constant 0 : i32
      %add3A_1506 = arith.addi %sub3A_1503, %add3A_1505 : i32
      %add3A_1507 = arith.constant 0 : i32
      %add3A_1508 = arith.addi %min3A_1502, %add3A_1507 : i32
      %add3A_1509 = vector.broadcast %add3A_1508 : i32 to vector<16xi32>
      %add3A_1510 = arith.addi %add3A_1509, %iota3A_1504 : vector<16xi32>
      %get3A_1511 = arith.index_cast %add3A_1506 : i32 to index
      %get3A_1512 = tpu.vector_load %arg6[%get3A_1511] {strides = array<i32>} : memref<3200xi32, #tpu.memory_space<vmem>>, vector<16xi32>,
      %get3A_1513 = vector.shape_cast %get3A_1512 : vector<16xi32> to vector<16xi32>
      %mul3A_1514 = arith.constant 16 : i32
      %mul3A_1515 = vector.broadcast %mul3A_1514 : i32 to vector<16xi32>
      %mul3A_1516 = arith.muli %get3A_1513, %mul3A_1515 : vector<16xi32>
      %get3A_1517 = arith.index_cast %add3A_1506 : i32 to index
      %get3A_1518 = tpu.vector_load %arg7[%get3A_1517] {strides = array<i32>} : memref<3200xi32, #tpu.memory_space<vmem>>, vector<16xi32>,
      %get3A_1519 = vector.shape_cast %get3A_1518 : vector<16xi32> to vector<16xi32>
      %add3A_1520 = arith.addi %mul3A_1516, %get3A_1519 : vector<16xi32>
      %ge3A_1521 = vector.broadcast %mul3A_1498 : i32 to vector<16xi32>
      %ge3A_1522 = arith.cmpi sge, %add3A_1510, %ge3A_1521 : vector<16xi32>
      %jit3A_1523 = arith.constant 1024 : i32
      %broadcast_in_dim3A_1524 = vector.broadcast %jit3A_1523 : i32 to vector<16xi32>
      %select_n3A_1525 = arith.select %ge3A_1522, %add3A_1520, %broadcast_in_dim3A_1524 : vector<16xi1>, vector<16xi32>
      %swap3A_1526 = arith.constant 2 : i32
      %swap3A_1527 = arith.index_cast %swap3A_1526 : i32 to index
      %swap3A_1528 = arith.constant 0 : index
      %swap3A_1529 = tpu.vector_load %arg8[%swap3A_1527, %swap3A_1528] {strides = array<i32>} : memref<4x128xi32, #tpu.memory_space<vmem>>, vector<1x16xi32>,
      %swap3A_1530 = vector.shape_cast %swap3A_1529 : vector<1x16xi32> to vector<16xi32>
      %swap3A_1531 = vector.shape_cast %select_n3A_1525 : vector<16xi32> to vector<1x16xi32>
      tpu.vector_store %arg8[%swap3A_1527, %swap3A_1528], %swap3A_1531 {strides = array<i32>} : memref<4x128xi32, #tpu.memory_space<vmem>>, vector<1x16xi32>,
      %add3A_1532 = arith.constant 16 : i32
      %add3A_1533 = arith.addi %sub3A_1503, %add3A_1532 : i32
      %add3A_1534 = arith.constant 16 : i32
      %add3A_1535 = arith.addi %min3A_1502, %add3A_1534 : i32
      %add3A_1536 = vector.broadcast %add3A_1535 : i32 to vector<16xi32>
      %add3A_1537 = arith.addi %add3A_1536, %iota3A_1504 : vector<16xi32>
      %get3A_1538 = arith.index_cast %add3A_1533 : i32 to index
      %get3A_1539 = tpu.vector_load %arg6[%get3A_1538] {strides = array<i32>} : memref<3200xi32, #tpu.memory_space<vmem>>, vector<16xi32>,
      %get3A_1540 = vector.shape_cast %get3A_1539 : vector<16xi32> to vector<16xi32>
      %mul3A_1541 = arith.constant 16 : i32
      %mul3A_1542 = vector.broadcast %mul3A_1541 : i32 to vector<16xi32>
      %mul3A_1543 = arith.muli %get3A_1540, %mul3A_1542 : vector<16xi32>
      %get3A_1544 = arith.index_cast %add3A_1533 : i32 to index
      %get3A_1545 = tpu.vector_load %arg7[%get3A_1544] {strides = array<i32>} : memref<3200xi32, #tpu.memory_space<vmem>>, vector<16xi32>,
      %get3A_1546 = vector.shape_cast %get3A_1545 : vector<16xi32> to vector<16xi32>
      %add3A_1547 = arith.addi %mul3A_1543, %get3A_1546 : vector<16xi32>
      %ge3A_1548 = vector.broadcast %mul3A_1498 : i32 to vector<16xi32>
      %ge3A_1549 = arith.cmpi sge, %add3A_1537, %ge3A_1548 : vector<16xi32>
      %jit3A_1550 = arith.constant 1024 : i32
      %broadcast_in_dim3A_1551 = vector.broadcast %jit3A_1550 : i32 to vector<16xi32>
      %select_n3A_1552 = arith.select %ge3A_1549, %add3A_1547, %broadcast_in_dim3A_1551 : vector<16xi1>, vector<16xi32>
      %swap3A_1553 = arith.constant 2 : i32
      %swap3A_1554 = arith.index_cast %swap3A_1553 : i32 to index
      %swap3A_1555 = arith.constant 16 : index
      %swap3A_1556 = tpu.vector_load %arg8[%swap3A_1554, %swap3A_1555] {strides = array<i32>} : memref<4x128xi32, #tpu.memory_space<vmem>>, vector<1x16xi32>,
      %swap3A_1557 = vector.shape_cast %swap3A_1556 : vector<1x16xi32> to vector<16xi32>
      %swap3A_1558 = vector.shape_cast %select_n3A_1552 : vector<16xi32> to vector<1x16xi32>
      tpu.vector_store %arg8[%swap3A_1554, %swap3A_1555], %swap3A_1558 {strides = array<i32>} : memref<4x128xi32, #tpu.memory_space<vmem>>, vector<1x16xi32>,
      %add3A_1559 = arith.constant 32 : i32
      %add3A_1560 = arith.addi %sub3A_1503, %add3A_1559 : i32
      %add3A_1561 = arith.constant 32 : i32
      %add3A_1562 = arith.addi %min3A_1502, %add3A_1561 : i32
      %add3A_1563 = vector.broadcast %add3A_1562 : i32 to vector<16xi32>
      %add3A_1564 = arith.addi %add3A_1563, %iota3A_1504 : vector<16xi32>
      %get3A_1565 = arith.index_cast %add3A_1560 : i32 to index
      %get3A_1566 = tpu.vector_load %arg6[%get3A_1565] {strides = array<i32>} : memref<3200xi32, #tpu.memory_space<vmem>>, vector<16xi32>,
      %get3A_1567 = vector.shape_cast %get3A_1566 : vector<16xi32> to vector<16xi32>
      %mul3A_1568 = arith.constant 16 : i32
      %mul3A_1569 = vector.broadcast %mul3A_1568 : i32 to vector<16xi32>
      %mul3A_1570 = arith.muli %get3A_1567, %mul3A_1569 : vector<16xi32>
      %get3A_1571 = arith.index_cast %add3A_1560 : i32 to index
      %get3A_1572 = tpu.vector_load %arg7[%get3A_1571] {strides = array<i32>} : memref<3200xi32, #tpu.memory_space<vmem>>, vector<16xi32>,
      %get3A_1573 = vector.shape_cast %get3A_1572 : vector<16xi32> to vector<16xi32>
      %add3A_1574 = arith.addi %mul3A_1570, %get3A_1573 : vector<16xi32>
      %ge3A_1575 = vector.broadcast %mul3A_1498 : i32 to vector<16xi32>
      %ge3A_1576 = arith.cmpi sge, %add3A_1564, %ge3A_1575 : vector<16xi32>
      %jit3A_1577 = arith.constant 1024 : i32
      %broadcast_in_dim3A_1578 = vector.broadcast %jit3A_1577 : i32 to vector<16xi32>
      %select_n3A_1579 = arith.select %ge3A_1576, %add3A_1574, %broadcast_in_dim3A_1578 : vector<16xi1>, vector<16xi32>
      %swap3A_1580 = arith.constant 2 : i32
      %swap3A_1581 = arith.index_cast %swap3A_1580 : i32 to index
      %swap3A_1582 = arith.constant 32 : index
      %swap3A_1583 = tpu.vector_load %arg8[%swap3A_1581, %swap3A_1582] {strides = array<i32>} : memref<4x128xi32, #tpu.memory_space<vmem>>, vector<1x16xi32>,
      %swap3A_1584 = vector.shape_cast %swap3A_1583 : vector<1x16xi32> to vector<16xi32>
      %swap3A_1585 = vector.shape_cast %select_n3A_1579 : vector<16xi32> to vector<1x16xi32>
      tpu.vector_store %arg8[%swap3A_1581, %swap3A_1582], %swap3A_1585 {strides = array<i32>} : memref<4x128xi32, #tpu.memory_space<vmem>>, vector<1x16xi32>,
      %add3A_1586 = arith.constant 48 : i32
      %add3A_1587 = arith.addi %sub3A_1503, %add3A_1586 : i32
      %add3A_1588 = arith.constant 48 : i32
      %add3A_1589 = arith.addi %min3A_1502, %add3A_1588 : i32
      %add3A_1590 = vector.broadcast %add3A_1589 : i32 to vector<16xi32>
      %add3A_1591 = arith.addi %add3A_1590, %iota3A_1504 : vector<16xi32>
      %get3A_1592 = arith.index_cast %add3A_1587 : i32 to index
      %get3A_1593 = tpu.vector_load %arg6[%get3A_1592] {strides = array<i32>} : memref<3200xi32, #tpu.memory_space<vmem>>, vector<16xi32>,
      %get3A_1594 = vector.shape_cast %get3A_1593 : vector<16xi32> to vector<16xi32>
      %mul3A_1595 = arith.constant 16 : i32
      %mul3A_1596 = vector.broadcast %mul3A_1595 : i32 to vector<16xi32>
      %mul3A_1597 = arith.muli %get3A_1594, %mul3A_1596 : vector<16xi32>
      %get3A_1598 = arith.index_cast %add3A_1587 : i32 to index
      %get3A_1599 = tpu.vector_load %arg7[%get3A_1598] {strides = array<i32>} : memref<3200xi32, #tpu.memory_space<vmem>>, vector<16xi32>,
      %get3A_1600 = vector.shape_cast %get3A_1599 : vector<16xi32> to vector<16xi32>
      %add3A_1601 = arith.addi %mul3A_1597, %get3A_1600 : vector<16xi32>
      %ge3A_1602 = vector.broadcast %mul3A_1498 : i32 to vector<16xi32>
      %ge3A_1603 = arith.cmpi sge, %add3A_1591, %ge3A_1602 : vector<16xi32>
      %jit3A_1604 = arith.constant 1024 : i32
      %broadcast_in_dim3A_1605 = vector.broadcast %jit3A_1604 : i32 to vector<16xi32>
      %select_n3A_1606 = arith.select %ge3A_1603, %add3A_1601, %broadcast_in_dim3A_1605 : vector<16xi1>, vector<16xi32>
      %swap3A_1607 = arith.constant 2 : i32
      %swap3A_1608 = arith.index_cast %swap3A_1607 : i32 to index
      %swap3A_1609 = arith.constant 48 : index
      %swap3A_1610 = tpu.vector_load %arg8[%swap3A_1608, %swap3A_1609] {strides = array<i32>} : memref<4x128xi32, #tpu.memory_space<vmem>>, vector<1x16xi32>,
      %swap3A_1611 = vector.shape_cast %swap3A_1610 : vector<1x16xi32> to vector<16xi32>
      %swap3A_1612 = vector.shape_cast %select_n3A_1606 : vector<16xi32> to vector<1x16xi32>
      tpu.vector_store %arg8[%swap3A_1608, %swap3A_1609], %swap3A_1612 {strides = array<i32>} : memref<4x128xi32, #tpu.memory_space<vmem>>, vector<1x16xi32>,
      %add3A_1613 = arith.constant 64 : i32
      %add3A_1614 = arith.addi %sub3A_1503, %add3A_1613 : i32
      %add3A_1615 = arith.constant 64 : i32
      %add3A_1616 = arith.addi %min3A_1502, %add3A_1615 : i32
      %add3A_1617 = vector.broadcast %add3A_1616 : i32 to vector<16xi32>
      %add3A_1618 = arith.addi %add3A_1617, %iota3A_1504 : vector<16xi32>
      %get3A_1619 = arith.index_cast %add3A_1614 : i32 to index
      %get3A_1620 = tpu.vector_load %arg6[%get3A_1619] {strides = array<i32>} : memref<3200xi32, #tpu.memory_space<vmem>>, vector<16xi32>,
      %get3A_1621 = vector.shape_cast %get3A_1620 : vector<16xi32> to vector<16xi32>
      %mul3A_1622 = arith.constant 16 : i32
      %mul3A_1623 = vector.broadcast %mul3A_1622 : i32 to vector<16xi32>
      %mul3A_1624 = arith.muli %get3A_1621, %mul3A_1623 : vector<16xi32>
      %get3A_1625 = arith.index_cast %add3A_1614 : i32 to index
      %get3A_1626 = tpu.vector_load %arg7[%get3A_1625] {strides = array<i32>} : memref<3200xi32, #tpu.memory_space<vmem>>, vector<16xi32>,
      %get3A_1627 = vector.shape_cast %get3A_1626 : vector<16xi32> to vector<16xi32>
      %add3A_1628 = arith.addi %mul3A_1624, %get3A_1627 : vector<16xi32>
      %ge3A_1629 = vector.broadcast %mul3A_1498 : i32 to vector<16xi32>
      %ge3A_1630 = arith.cmpi sge, %add3A_1618, %ge3A_1629 : vector<16xi32>
      %jit3A_1631 = arith.constant 1024 : i32
      %broadcast_in_dim3A_1632 = vector.broadcast %jit3A_1631 : i32 to vector<16xi32>
      %select_n3A_1633 = arith.select %ge3A_1630, %add3A_1628, %broadcast_in_dim3A_1632 : vector<16xi1>, vector<16xi32>
      %swap3A_1634 = arith.constant 2 : i32
      %swap3A_1635 = arith.index_cast %swap3A_1634 : i32 to index
      %swap3A_1636 = arith.constant 64 : index
      %swap3A_1637 = tpu.vector_load %arg8[%swap3A_1635, %swap3A_1636] {strides = array<i32>} : memref<4x128xi32, #tpu.memory_space<vmem>>, vector<1x16xi32>,
      %swap3A_1638 = vector.shape_cast %swap3A_1637 : vector<1x16xi32> to vector<16xi32>
      %swap3A_1639 = vector.shape_cast %select_n3A_1633 : vector<16xi32> to vector<1x16xi32>
      tpu.vector_store %arg8[%swap3A_1635, %swap3A_1636], %swap3A_1639 {strides = array<i32>} : memref<4x128xi32, #tpu.memory_space<vmem>>, vector<1x16xi32>,
      %add3A_1640 = arith.constant 80 : i32
      %add3A_1641 = arith.addi %sub3A_1503, %add3A_1640 : i32
      %add3A_1642 = arith.constant 80 : i32
      %add3A_1643 = arith.addi %min3A_1502, %add3A_1642 : i32
      %add3A_1644 = vector.broadcast %add3A_1643 : i32 to vector<16xi32>
      %add3A_1645 = arith.addi %add3A_1644, %iota3A_1504 : vector<16xi32>
      %get3A_1646 = arith.index_cast %add3A_1641 : i32 to index
      %get3A_1647 = tpu.vector_load %arg6[%get3A_1646] {strides = array<i32>} : memref<3200xi32, #tpu.memory_space<vmem>>, vector<16xi32>,
      %get3A_1648 = vector.shape_cast %get3A_1647 : vector<16xi32> to vector<16xi32>
      %mul3A_1649 = arith.constant 16 : i32
      %mul3A_1650 = vector.broadcast %mul3A_1649 : i32 to vector<16xi32>
      %mul3A_1651 = arith.muli %get3A_1648, %mul3A_1650 : vector<16xi32>
      %get3A_1652 = arith.index_cast %add3A_1641 : i32 to index
      %get3A_1653 = tpu.vector_load %arg7[%get3A_1652] {strides = array<i32>} : memref<3200xi32, #tpu.memory_space<vmem>>, vector<16xi32>,
      %get3A_1654 = vector.shape_cast %get3A_1653 : vector<16xi32> to vector<16xi32>
      %add3A_1655 = arith.addi %mul3A_1651, %get3A_1654 : vector<16xi32>
      %ge3A_1656 = vector.broadcast %mul3A_1498 : i32 to vector<16xi32>
      %ge3A_1657 = arith.cmpi sge, %add3A_1645, %ge3A_1656 : vector<16xi32>
      %jit3A_1658 = arith.constant 1024 : i32
      %broadcast_in_dim3A_1659 = vector.broadcast %jit3A_1658 : i32 to vector<16xi32>
      %select_n3A_1660 = arith.select %ge3A_1657, %add3A_1655, %broadcast_in_dim3A_1659 : vector<16xi1>, vector<16xi32>
      %swap3A_1661 = arith.constant 2 : i32
      %swap3A_1662 = arith.index_cast %swap3A_1661 : i32 to index
      %swap3A_1663 = arith.constant 80 : index
      %swap3A_1664 = tpu.vector_load %arg8[%swap3A_1662, %swap3A_1663] {strides = array<i32>} : memref<4x128xi32, #tpu.memory_space<vmem>>, vector<1x16xi32>,
      %swap3A_1665 = vector.shape_cast %swap3A_1664 : vector<1x16xi32> to vector<16xi32>
      %swap3A_1666 = vector.shape_cast %select_n3A_1660 : vector<16xi32> to vector<1x16xi32>
      tpu.vector_store %arg8[%swap3A_1662, %swap3A_1663], %swap3A_1666 {strides = array<i32>} : memref<4x128xi32, #tpu.memory_space<vmem>>, vector<1x16xi32>,
      %add3A_1667 = arith.constant 96 : i32
      %add3A_1668 = arith.addi %sub3A_1503, %add3A_1667 : i32
      %add3A_1669 = arith.constant 96 : i32
      %add3A_1670 = arith.addi %min3A_1502, %add3A_1669 : i32
      %add3A_1671 = vector.broadcast %add3A_1670 : i32 to vector<16xi32>
      %add3A_1672 = arith.addi %add3A_1671, %iota3A_1504 : vector<16xi32>
      %get3A_1673 = arith.index_cast %add3A_1668 : i32 to index
      %get3A_1674 = tpu.vector_load %arg6[%get3A_1673] {strides = array<i32>} : memref<3200xi32, #tpu.memory_space<vmem>>, vector<16xi32>,
      %get3A_1675 = vector.shape_cast %get3A_1674 : vector<16xi32> to vector<16xi32>
      %mul3A_1676 = arith.constant 16 : i32
      %mul3A_1677 = vector.broadcast %mul3A_1676 : i32 to vector<16xi32>
      %mul3A_1678 = arith.muli %get3A_1675, %mul3A_1677 : vector<16xi32>
      %get3A_1679 = arith.index_cast %add3A_1668 : i32 to index
      %get3A_1680 = tpu.vector_load %arg7[%get3A_1679] {strides = array<i32>} : memref<3200xi32, #tpu.memory_space<vmem>>, vector<16xi32>,
      %get3A_1681 = vector.shape_cast %get3A_1680 : vector<16xi32> to vector<16xi32>
      %add3A_1682 = arith.addi %mul3A_1678, %get3A_1681 : vector<16xi32>
      %ge3A_1683 = vector.broadcast %mul3A_1498 : i32 to vector<16xi32>
      %ge3A_1684 = arith.cmpi sge, %add3A_1672, %ge3A_1683 : vector<16xi32>
      %jit3A_1685 = arith.constant 1024 : i32
      %broadcast_in_dim3A_1686 = vector.broadcast %jit3A_1685 : i32 to vector<16xi32>
      %select_n3A_1687 = arith.select %ge3A_1684, %add3A_1682, %broadcast_in_dim3A_1686 : vector<16xi1>, vector<16xi32>
      %swap3A_1688 = arith.constant 2 : i32
      %swap3A_1689 = arith.index_cast %swap3A_1688 : i32 to index
      %swap3A_1690 = arith.constant 96 : index
      %swap3A_1691 = tpu.vector_load %arg8[%swap3A_1689, %swap3A_1690] {strides = array<i32>} : memref<4x128xi32, #tpu.memory_space<vmem>>, vector<1x16xi32>,
      %swap3A_1692 = vector.shape_cast %swap3A_1691 : vector<1x16xi32> to vector<16xi32>
      %swap3A_1693 = vector.shape_cast %select_n3A_1687 : vector<16xi32> to vector<1x16xi32>
      tpu.vector_store %arg8[%swap3A_1689, %swap3A_1690], %swap3A_1693 {strides = array<i32>} : memref<4x128xi32, #tpu.memory_space<vmem>>, vector<1x16xi32>,
      %add3A_1694 = arith.constant 112 : i32
      %add3A_1695 = arith.addi %sub3A_1503, %add3A_1694 : i32
      %add3A_1696 = arith.constant 112 : i32
      %add3A_1697 = arith.addi %min3A_1502, %add3A_1696 : i32
      %add3A_1698 = vector.broadcast %add3A_1697 : i32 to vector<16xi32>
      %add3A_1699 = arith.addi %add3A_1698, %iota3A_1504 : vector<16xi32>
      %get3A_1700 = arith.index_cast %add3A_1695 : i32 to index
      %get3A_1701 = tpu.vector_load %arg6[%get3A_1700] {strides = array<i32>} : memref<3200xi32, #tpu.memory_space<vmem>>, vector<16xi32>,
      %get3A_1702 = vector.shape_cast %get3A_1701 : vector<16xi32> to vector<16xi32>
      %mul3A_1703 = arith.constant 16 : i32
      %mul3A_1704 = vector.broadcast %mul3A_1703 : i32 to vector<16xi32>
      %mul3A_1705 = arith.muli %get3A_1702, %mul3A_1704 : vector<16xi32>
      %get3A_1706 = arith.index_cast %add3A_1695 : i32 to index
      %get3A_1707 = tpu.vector_load %arg7[%get3A_1706] {strides = array<i32>} : memref<3200xi32, #tpu.memory_space<vmem>>, vector<16xi32>,
      %get3A_1708 = vector.shape_cast %get3A_1707 : vector<16xi32> to vector<16xi32>
      %add3A_1709 = arith.addi %mul3A_1705, %get3A_1708 : vector<16xi32>
      %ge3A_1710 = vector.broadcast %mul3A_1498 : i32 to vector<16xi32>
      %ge3A_1711 = arith.cmpi sge, %add3A_1699, %ge3A_1710 : vector<16xi32>
      %jit3A_1712 = arith.constant 1024 : i32
      %broadcast_in_dim3A_1713 = vector.broadcast %jit3A_1712 : i32 to vector<16xi32>
      %select_n3A_1714 = arith.select %ge3A_1711, %add3A_1709, %broadcast_in_dim3A_1713 : vector<16xi1>, vector<16xi32>
      %swap3A_1715 = arith.constant 2 : i32
      %swap3A_1716 = arith.index_cast %swap3A_1715 : i32 to index
      %swap3A_1717 = arith.constant 112 : index
      %swap3A_1718 = tpu.vector_load %arg8[%swap3A_1716, %swap3A_1717] {strides = array<i32>} : memref<4x128xi32, #tpu.memory_space<vmem>>, vector<1x16xi32>,
      %swap3A_1719 = vector.shape_cast %swap3A_1718 : vector<1x16xi32> to vector<16xi32>
      %swap3A_1720 = vector.shape_cast %select_n3A_1714 : vector<16xi32> to vector<1x16xi32>
      tpu.vector_store %arg8[%swap3A_1716, %swap3A_1717], %swap3A_1720 {strides = array<i32>} : memref<4x128xi32, #tpu.memory_space<vmem>>, vector<1x16xi32>,
      %dma_start3A_1721 = arith.constant 2 : i32
      %dma_start3A_1722 = arith.constant 2 : i32
      %dma_start3A_1723 = arith.constant 0 : i32
      %dma_start3A_1724 = arith.constant 0 : i32
      %dma_start3A_1725 = tpu.memref_slice %arg9[%dma_start3A_1721, %dma_start3A_1723, %dma_start3A_1724] : memref<4x128x128xf32, #tpu.memory_space<vmem>> -> memref<1x128x128xf32, #tpu.memory_space<vmem>>
      %dma_start3A_1726 = tpu.memref_squeeze %dma_start3A_1725 : memref<1x128x128xf32, #tpu.memory_space<vmem>> -> memref<128x128xf32, #tpu.memory_space<vmem>>
      %dma_start3A_1727 = arith.constant 0 : i32
      %dma_start3A_1728 = tpu.memref_slice %arg8[%dma_start3A_1722, %dma_start3A_1727] : memref<4x128xi32, #tpu.memory_space<vmem>> -> memref<1x128xi32, #tpu.memory_space<vmem>>
      %dma_start3A_1729 = tpu.memref_squeeze %dma_start3A_1728 : memref<1x128xi32, #tpu.memory_space<vmem>> -> memref<128xi32, #tpu.memory_space<vmem>>
      %dma_start3A_1730 = arith.constant 0 : i32
      %dma_start3A_1731 = arith.constant 0 : i32
      %dma_start3A_1732 = tpu.memref_slice %arg11[%dma_start3A_1730, %dma_start3A_1731] : memref<1040x128xf32, #tpu.memory_space<vmem_shared>> -> memref<1040x128xf32, #tpu.memory_space<vmem_shared>>
      tpu.enqueue_indirect_dma source(%dma_start3A_1726 : memref<128x128xf32, #tpu.memory_space<vmem>>) target(%dma_start3A_1732 : memref<1040x128xf32, #tpu.memory_space<vmem_shared>>) offsets(%dma_start3A_1729 : memref<128xi32, #tpu.memory_space<vmem>>) semaphore(%arg18 : memref<!tpu.dma_semaphore, #tpu.memory_space<semaphore_mem>>) {add = true}
      %dma_wait3A_1733 = arith.constant 1 : i32
      %dma_wait3A_1734 = arith.constant 1 : i32
      %dma_wait3A_1735 = arith.constant 0 : i32
      %dma_wait3A_1736 = arith.constant 0 : i32
      %dma_wait3A_1737 = tpu.memref_slice %arg9[%dma_wait3A_1733, %dma_wait3A_1735, %dma_wait3A_1736] : memref<4x128x128xf32, #tpu.memory_space<vmem>> -> memref<1x128x128xf32, #tpu.memory_space<vmem>>
      %dma_wait3A_1738 = tpu.memref_squeeze %dma_wait3A_1737 : memref<1x128x128xf32, #tpu.memory_space<vmem>> -> memref<128x128xf32, #tpu.memory_space<vmem>>
      %dma_wait3A_1739 = arith.constant 0 : i32
      %dma_wait3A_1740 = tpu.memref_slice %arg8[%dma_wait3A_1734, %dma_wait3A_1739] : memref<4x128xi32, #tpu.memory_space<vmem>> -> memref<1x128xi32, #tpu.memory_space<vmem>>
      %dma_wait3A_1741 = tpu.memref_squeeze %dma_wait3A_1740 : memref<1x128xi32, #tpu.memory_space<vmem>> -> memref<128xi32, #tpu.memory_space<vmem>>
      %dma_wait3A_1742 = arith.constant 0 : i32
      %dma_wait3A_1743 = arith.constant 0 : i32
      %dma_wait3A_1744 = tpu.memref_slice %arg11[%dma_wait3A_1742, %dma_wait3A_1743] : memref<1040x128xf32, #tpu.memory_space<vmem_shared>> -> memref<1040x128xf32, #tpu.memory_space<vmem_shared>>
      tpu.wait_indirect_dma semaphore(%arg17 : memref<!tpu.dma_semaphore, #tpu.memory_space<semaphore_mem>>) src(%dma_wait3A_1738 : memref<128x128xf32, #tpu.memory_space<vmem>>) dst(%dma_wait3A_1744 : memref<1040x128xf32, #tpu.memory_space<vmem_shared>>)
      %add3A_1745 = arith.addi %mul3A_8, %add3A_1480 : i32
      %add3A_1746 = arith.constant 3 : i32
      %add3A_1747 = arith.addi %add3A_1745, %add3A_1746 : i32
      %mul3A_1748 = arith.constant 128 : i32
      %mul3A_1749 = arith.muli %add3A_1747, %mul3A_1748 : i32
      %min3A_1750 = arith.constant 99872 : i32
      %min3A_1751 = arith.minsi %mul3A_1749, %min3A_1750 : i32
      %dma_start3A_1752 = arith.constant 1 : i32
      %dma_start3A_1753 = arith.constant 0 : i32
      %dma_start3A_1754 = arith.constant 0 : i32
      %dma_start3A_1755 = tpu.memref_slice %arg9[%dma_start3A_1752, %dma_start3A_1753, %dma_start3A_1754] : memref<4x128x128xf32, #tpu.memory_space<vmem>> -> memref<1x128x128xf32, #tpu.memory_space<vmem>>
      %dma_start3A_1756 = tpu.memref_squeeze %dma_start3A_1755 : memref<1x128x128xf32, #tpu.memory_space<vmem>> -> memref<128x128xf32, #tpu.memory_space<vmem>>
      %dma_start3A_1757 = arith.constant 0 : i32
      %dma_start3A_1758 = tpu.memref_slice %arg4[%min3A_1751, %dma_start3A_1757] : memref<100000x128xf32, #tpu.memory_space<hbm>> -> memref<128x128xf32, #tpu.memory_space<hbm>>
      %dma_start3A_1759 = arith.constant 0 : i32
      %dma_start3A_1760 = arith.constant 0 : i32
      %dma_start3A_1761 = tpu.memref_slice %arg9[%dma_start3A_1752, %dma_start3A_1759, %dma_start3A_1760] : memref<4x128x128xf32, #tpu.memory_space<vmem>> -> memref<1x128x128xf32, #tpu.memory_space<vmem>>
      %dma_start3A_1762 = tpu.memref_squeeze %dma_start3A_1761 : memref<1x128x128xf32, #tpu.memory_space<vmem>> -> memref<128x128xf32, #tpu.memory_space<vmem>>
      %dma_start3A_1763 = arith.constant 0 : i32
      %dma_start3A_1764 = tpu.memref_slice %arg4[%min3A_1751, %dma_start3A_1763] : memref<100000x128xf32, #tpu.memory_space<hbm>> -> memref<128x128xf32, #tpu.memory_space<hbm>>
      tpu.enqueue_dma source(%dma_start3A_1764 : memref<128x128xf32, #tpu.memory_space<hbm>>) target(%dma_start3A_1762 : memref<128x128xf32, #tpu.memory_space<vmem>>) target_semaphore(%arg13 : memref<!tpu.dma_semaphore, #tpu.memory_space<semaphore_mem>>)
      %mul3A_1765 = arith.constant 4 : i32
      %mul3A_1766 = arith.muli %mul3A_1765, %scan3A_1184 : i32
      %add3A_1767 = arith.constant 1 : i32
      %add3A_1768 = arith.addi %add3A_1767, %mul3A_1766 : i32
      %add3A_1769 = arith.constant 2 : i32
      %add3A_1770 = arith.addi %add3A_1768, %add3A_1769 : i32
      %dma_wait3A_1771 = arith.constant 3 : i32
      %dma_wait3A_1772 = arith.constant 0 : i32
      %dma_wait3A_1773 = arith.constant 0 : i32
      %dma_wait3A_1774 = tpu.memref_slice %arg9[%dma_wait3A_1771, %dma_wait3A_1772, %dma_wait3A_1773] : memref<4x128x128xf32, #tpu.memory_space<vmem>> -> memref<1x128x128xf32, #tpu.memory_space<vmem>>
      %dma_wait3A_1775 = tpu.memref_squeeze %dma_wait3A_1774 : memref<1x128x128xf32, #tpu.memory_space<vmem>> -> memref<128x128xf32, #tpu.memory_space<vmem>>
      %dma_wait3A_1776 = arith.constant 0 : i32
      %dma_wait3A_1777 = arith.constant 0 : i32
      %dma_wait3A_1778 = tpu.memref_slice %arg4[%dma_wait3A_1776, %dma_wait3A_1777] : memref<100000x128xf32, #tpu.memory_space<hbm>> -> memref<128x128xf32, #tpu.memory_space<hbm>>
      %dma_wait3A_1779 = arith.constant 0 : i32
      %dma_wait3A_1780 = arith.constant 0 : i32
      %dma_wait3A_1781 = tpu.memref_slice %arg9[%dma_wait3A_1771, %dma_wait3A_1779, %dma_wait3A_1780] : memref<4x128x128xf32, #tpu.memory_space<vmem>> -> memref<1x128x128xf32, #tpu.memory_space<vmem>>
      %dma_wait3A_1782 = tpu.memref_squeeze %dma_wait3A_1781 : memref<1x128x128xf32, #tpu.memory_space<vmem>> -> memref<128x128xf32, #tpu.memory_space<vmem>>
      %dma_wait3A_1783 = arith.constant 0 : i32
      %dma_wait3A_1784 = arith.constant 0 : i32
      %dma_wait3A_1785 = tpu.memref_slice %arg4[%dma_wait3A_1783, %dma_wait3A_1784] : memref<100000x128xf32, #tpu.memory_space<hbm>> -> memref<128x128xf32, #tpu.memory_space<hbm>>
      tpu.wait_dma2 semaphore(%arg15 : memref<!tpu.dma_semaphore, #tpu.memory_space<semaphore_mem>>) src(%dma_wait3A_1785 : memref<128x128xf32, #tpu.memory_space<hbm>>) dst(%dma_wait3A_1782 : memref<128x128xf32, #tpu.memory_space<vmem>>)
      %add3A_1786 = arith.addi %mul3A_8, %add3A_1770 : i32
      %mul3A_1787 = arith.constant 128 : i32
      %mul3A_1788 = arith.muli %add3A_1786, %mul3A_1787 : i32
      %mul3A_1789 = arith.constant 128 : i32
      %mul3A_1790 = arith.muli %add3A_1786, %mul3A_1789 : i32
      %min3A_1791 = arith.constant 99872 : i32
      %min3A_1792 = arith.minsi %mul3A_1790, %min3A_1791 : i32
      %sub3A_1793 = arith.subi %min3A_1792, %min3A_3 : i32
      %iota3A_1794 = tpu.iota {dimensions = array<i32: 0>} : vector<16xi32>
      %add3A_1795 = arith.constant 0 : i32
      %add3A_1796 = arith.addi %sub3A_1793, %add3A_1795 : i32
      %add3A_1797 = arith.constant 0 : i32
      %add3A_1798 = arith.addi %min3A_1792, %add3A_1797 : i32
      %add3A_1799 = vector.broadcast %add3A_1798 : i32 to vector<16xi32>
      %add3A_1800 = arith.addi %add3A_1799, %iota3A_1794 : vector<16xi32>
      %get3A_1801 = arith.index_cast %add3A_1796 : i32 to index
      %get3A_1802 = tpu.vector_load %arg6[%get3A_1801] {strides = array<i32>} : memref<3200xi32, #tpu.memory_space<vmem>>, vector<16xi32>,
      %get3A_1803 = vector.shape_cast %get3A_1802 : vector<16xi32> to vector<16xi32>
      %mul3A_1804 = arith.constant 16 : i32
      %mul3A_1805 = vector.broadcast %mul3A_1804 : i32 to vector<16xi32>
      %mul3A_1806 = arith.muli %get3A_1803, %mul3A_1805 : vector<16xi32>
      %get3A_1807 = arith.index_cast %add3A_1796 : i32 to index
      %get3A_1808 = tpu.vector_load %arg7[%get3A_1807] {strides = array<i32>} : memref<3200xi32, #tpu.memory_space<vmem>>, vector<16xi32>,
      %get3A_1809 = vector.shape_cast %get3A_1808 : vector<16xi32> to vector<16xi32>
      %add3A_1810 = arith.addi %mul3A_1806, %get3A_1809 : vector<16xi32>
      %ge3A_1811 = vector.broadcast %mul3A_1788 : i32 to vector<16xi32>
      %ge3A_1812 = arith.cmpi sge, %add3A_1800, %ge3A_1811 : vector<16xi32>
      %jit3A_1813 = arith.constant 1024 : i32
      %broadcast_in_dim3A_1814 = vector.broadcast %jit3A_1813 : i32 to vector<16xi32>
      %select_n3A_1815 = arith.select %ge3A_1812, %add3A_1810, %broadcast_in_dim3A_1814 : vector<16xi1>, vector<16xi32>
      %swap3A_1816 = arith.constant 3 : i32
      %swap3A_1817 = arith.index_cast %swap3A_1816 : i32 to index
      %swap3A_1818 = arith.constant 0 : index
      %swap3A_1819 = tpu.vector_load %arg8[%swap3A_1817, %swap3A_1818] {strides = array<i32>} : memref<4x128xi32, #tpu.memory_space<vmem>>, vector<1x16xi32>,
      %swap3A_1820 = vector.shape_cast %swap3A_1819 : vector<1x16xi32> to vector<16xi32>
      %swap3A_1821 = vector.shape_cast %select_n3A_1815 : vector<16xi32> to vector<1x16xi32>
      tpu.vector_store %arg8[%swap3A_1817, %swap3A_1818], %swap3A_1821 {strides = array<i32>} : memref<4x128xi32, #tpu.memory_space<vmem>>, vector<1x16xi32>,
      %add3A_1822 = arith.constant 16 : i32
      %add3A_1823 = arith.addi %sub3A_1793, %add3A_1822 : i32
      %add3A_1824 = arith.constant 16 : i32
      %add3A_1825 = arith.addi %min3A_1792, %add3A_1824 : i32
      %add3A_1826 = vector.broadcast %add3A_1825 : i32 to vector<16xi32>
      %add3A_1827 = arith.addi %add3A_1826, %iota3A_1794 : vector<16xi32>
      %get3A_1828 = arith.index_cast %add3A_1823 : i32 to index
      %get3A_1829 = tpu.vector_load %arg6[%get3A_1828] {strides = array<i32>} : memref<3200xi32, #tpu.memory_space<vmem>>, vector<16xi32>,
      %get3A_1830 = vector.shape_cast %get3A_1829 : vector<16xi32> to vector<16xi32>
      %mul3A_1831 = arith.constant 16 : i32
      %mul3A_1832 = vector.broadcast %mul3A_1831 : i32 to vector<16xi32>
      %mul3A_1833 = arith.muli %get3A_1830, %mul3A_1832 : vector<16xi32>
      %get3A_1834 = arith.index_cast %add3A_1823 : i32 to index
      %get3A_1835 = tpu.vector_load %arg7[%get3A_1834] {strides = array<i32>} : memref<3200xi32, #tpu.memory_space<vmem>>, vector<16xi32>,
      %get3A_1836 = vector.shape_cast %get3A_1835 : vector<16xi32> to vector<16xi32>
      %add3A_1837 = arith.addi %mul3A_1833, %get3A_1836 : vector<16xi32>
      %ge3A_1838 = vector.broadcast %mul3A_1788 : i32 to vector<16xi32>
      %ge3A_1839 = arith.cmpi sge, %add3A_1827, %ge3A_1838 : vector<16xi32>
      %jit3A_1840 = arith.constant 1024 : i32
      %broadcast_in_dim3A_1841 = vector.broadcast %jit3A_1840 : i32 to vector<16xi32>
      %select_n3A_1842 = arith.select %ge3A_1839, %add3A_1837, %broadcast_in_dim3A_1841 : vector<16xi1>, vector<16xi32>
      %swap3A_1843 = arith.constant 3 : i32
      %swap3A_1844 = arith.index_cast %swap3A_1843 : i32 to index
      %swap3A_1845 = arith.constant 16 : index
      %swap3A_1846 = tpu.vector_load %arg8[%swap3A_1844, %swap3A_1845] {strides = array<i32>} : memref<4x128xi32, #tpu.memory_space<vmem>>, vector<1x16xi32>,
      %swap3A_1847 = vector.shape_cast %swap3A_1846 : vector<1x16xi32> to vector<16xi32>
      %swap3A_1848 = vector.shape_cast %select_n3A_1842 : vector<16xi32> to vector<1x16xi32>
      tpu.vector_store %arg8[%swap3A_1844, %swap3A_1845], %swap3A_1848 {strides = array<i32>} : memref<4x128xi32, #tpu.memory_space<vmem>>, vector<1x16xi32>,
      %add3A_1849 = arith.constant 32 : i32
      %add3A_1850 = arith.addi %sub3A_1793, %add3A_1849 : i32
      %add3A_1851 = arith.constant 32 : i32
      %add3A_1852 = arith.addi %min3A_1792, %add3A_1851 : i32
      %add3A_1853 = vector.broadcast %add3A_1852 : i32 to vector<16xi32>
      %add3A_1854 = arith.addi %add3A_1853, %iota3A_1794 : vector<16xi32>
      %get3A_1855 = arith.index_cast %add3A_1850 : i32 to index
      %get3A_1856 = tpu.vector_load %arg6[%get3A_1855] {strides = array<i32>} : memref<3200xi32, #tpu.memory_space<vmem>>, vector<16xi32>,
      %get3A_1857 = vector.shape_cast %get3A_1856 : vector<16xi32> to vector<16xi32>
      %mul3A_1858 = arith.constant 16 : i32
      %mul3A_1859 = vector.broadcast %mul3A_1858 : i32 to vector<16xi32>
      %mul3A_1860 = arith.muli %get3A_1857, %mul3A_1859 : vector<16xi32>
      %get3A_1861 = arith.index_cast %add3A_1850 : i32 to index
      %get3A_1862 = tpu.vector_load %arg7[%get3A_1861] {strides = array<i32>} : memref<3200xi32, #tpu.memory_space<vmem>>, vector<16xi32>,
      %get3A_1863 = vector.shape_cast %get3A_1862 : vector<16xi32> to vector<16xi32>
      %add3A_1864 = arith.addi %mul3A_1860, %get3A_1863 : vector<16xi32>
      %ge3A_1865 = vector.broadcast %mul3A_1788 : i32 to vector<16xi32>
      %ge3A_1866 = arith.cmpi sge, %add3A_1854, %ge3A_1865 : vector<16xi32>
      %jit3A_1867 = arith.constant 1024 : i32
      %broadcast_in_dim3A_1868 = vector.broadcast %jit3A_1867 : i32 to vector<16xi32>
      %select_n3A_1869 = arith.select %ge3A_1866, %add3A_1864, %broadcast_in_dim3A_1868 : vector<16xi1>, vector<16xi32>
      %swap3A_1870 = arith.constant 3 : i32
      %swap3A_1871 = arith.index_cast %swap3A_1870 : i32 to index
      %swap3A_1872 = arith.constant 32 : index
      %swap3A_1873 = tpu.vector_load %arg8[%swap3A_1871, %swap3A_1872] {strides = array<i32>} : memref<4x128xi32, #tpu.memory_space<vmem>>, vector<1x16xi32>,
      %swap3A_1874 = vector.shape_cast %swap3A_1873 : vector<1x16xi32> to vector<16xi32>
      %swap3A_1875 = vector.shape_cast %select_n3A_1869 : vector<16xi32> to vector<1x16xi32>
      tpu.vector_store %arg8[%swap3A_1871, %swap3A_1872], %swap3A_1875 {strides = array<i32>} : memref<4x128xi32, #tpu.memory_space<vmem>>, vector<1x16xi32>,
      %add3A_1876 = arith.constant 48 : i32
      %add3A_1877 = arith.addi %sub3A_1793, %add3A_1876 : i32
      %add3A_1878 = arith.constant 48 : i32
      %add3A_1879 = arith.addi %min3A_1792, %add3A_1878 : i32
      %add3A_1880 = vector.broadcast %add3A_1879 : i32 to vector<16xi32>
      %add3A_1881 = arith.addi %add3A_1880, %iota3A_1794 : vector<16xi32>
      %get3A_1882 = arith.index_cast %add3A_1877 : i32 to index
      %get3A_1883 = tpu.vector_load %arg6[%get3A_1882] {strides = array<i32>} : memref<3200xi32, #tpu.memory_space<vmem>>, vector<16xi32>,
      %get3A_1884 = vector.shape_cast %get3A_1883 : vector<16xi32> to vector<16xi32>
      %mul3A_1885 = arith.constant 16 : i32
      %mul3A_1886 = vector.broadcast %mul3A_1885 : i32 to vector<16xi32>
      %mul3A_1887 = arith.muli %get3A_1884, %mul3A_1886 : vector<16xi32>
      %get3A_1888 = arith.index_cast %add3A_1877 : i32 to index
      %get3A_1889 = tpu.vector_load %arg7[%get3A_1888] {strides = array<i32>} : memref<3200xi32, #tpu.memory_space<vmem>>, vector<16xi32>,
      %get3A_1890 = vector.shape_cast %get3A_1889 : vector<16xi32> to vector<16xi32>
      %add3A_1891 = arith.addi %mul3A_1887, %get3A_1890 : vector<16xi32>
      %ge3A_1892 = vector.broadcast %mul3A_1788 : i32 to vector<16xi32>
      %ge3A_1893 = arith.cmpi sge, %add3A_1881, %ge3A_1892 : vector<16xi32>
      %jit3A_1894 = arith.constant 1024 : i32
      %broadcast_in_dim3A_1895 = vector.broadcast %jit3A_1894 : i32 to vector<16xi32>
      %select_n3A_1896 = arith.select %ge3A_1893, %add3A_1891, %broadcast_in_dim3A_1895 : vector<16xi1>, vector<16xi32>
      %swap3A_1897 = arith.constant 3 : i32
      %swap3A_1898 = arith.index_cast %swap3A_1897 : i32 to index
      %swap3A_1899 = arith.constant 48 : index
      %swap3A_1900 = tpu.vector_load %arg8[%swap3A_1898, %swap3A_1899] {strides = array<i32>} : memref<4x128xi32, #tpu.memory_space<vmem>>, vector<1x16xi32>,
      %swap3A_1901 = vector.shape_cast %swap3A_1900 : vector<1x16xi32> to vector<16xi32>
      %swap3A_1902 = vector.shape_cast %select_n3A_1896 : vector<16xi32> to vector<1x16xi32>
      tpu.vector_store %arg8[%swap3A_1898, %swap3A_1899], %swap3A_1902 {strides = array<i32>} : memref<4x128xi32, #tpu.memory_space<vmem>>, vector<1x16xi32>,
      %add3A_1903 = arith.constant 64 : i32
      %add3A_1904 = arith.addi %sub3A_1793, %add3A_1903 : i32
      %add3A_1905 = arith.constant 64 : i32
      %add3A_1906 = arith.addi %min3A_1792, %add3A_1905 : i32
      %add3A_1907 = vector.broadcast %add3A_1906 : i32 to vector<16xi32>
      %add3A_1908 = arith.addi %add3A_1907, %iota3A_1794 : vector<16xi32>
      %get3A_1909 = arith.index_cast %add3A_1904 : i32 to index
      %get3A_1910 = tpu.vector_load %arg6[%get3A_1909] {strides = array<i32>} : memref<3200xi32, #tpu.memory_space<vmem>>, vector<16xi32>,
      %get3A_1911 = vector.shape_cast %get3A_1910 : vector<16xi32> to vector<16xi32>
      %mul3A_1912 = arith.constant 16 : i32
      %mul3A_1913 = vector.broadcast %mul3A_1912 : i32 to vector<16xi32>
      %mul3A_1914 = arith.muli %get3A_1911, %mul3A_1913 : vector<16xi32>
      %get3A_1915 = arith.index_cast %add3A_1904 : i32 to index
      %get3A_1916 = tpu.vector_load %arg7[%get3A_1915] {strides = array<i32>} : memref<3200xi32, #tpu.memory_space<vmem>>, vector<16xi32>,
      %get3A_1917 = vector.shape_cast %get3A_1916 : vector<16xi32> to vector<16xi32>
      %add3A_1918 = arith.addi %mul3A_1914, %get3A_1917 : vector<16xi32>
      %ge3A_1919 = vector.broadcast %mul3A_1788 : i32 to vector<16xi32>
      %ge3A_1920 = arith.cmpi sge, %add3A_1908, %ge3A_1919 : vector<16xi32>
      %jit3A_1921 = arith.constant 1024 : i32
      %broadcast_in_dim3A_1922 = vector.broadcast %jit3A_1921 : i32 to vector<16xi32>
      %select_n3A_1923 = arith.select %ge3A_1920, %add3A_1918, %broadcast_in_dim3A_1922 : vector<16xi1>, vector<16xi32>
      %swap3A_1924 = arith.constant 3 : i32
      %swap3A_1925 = arith.index_cast %swap3A_1924 : i32 to index
      %swap3A_1926 = arith.constant 64 : index
      %swap3A_1927 = tpu.vector_load %arg8[%swap3A_1925, %swap3A_1926] {strides = array<i32>} : memref<4x128xi32, #tpu.memory_space<vmem>>, vector<1x16xi32>,
      %swap3A_1928 = vector.shape_cast %swap3A_1927 : vector<1x16xi32> to vector<16xi32>
      %swap3A_1929 = vector.shape_cast %select_n3A_1923 : vector<16xi32> to vector<1x16xi32>
      tpu.vector_store %arg8[%swap3A_1925, %swap3A_1926], %swap3A_1929 {strides = array<i32>} : memref<4x128xi32, #tpu.memory_space<vmem>>, vector<1x16xi32>,
      %add3A_1930 = arith.constant 80 : i32
      %add3A_1931 = arith.addi %sub3A_1793, %add3A_1930 : i32
      %add3A_1932 = arith.constant 80 : i32
      %add3A_1933 = arith.addi %min3A_1792, %add3A_1932 : i32
      %add3A_1934 = vector.broadcast %add3A_1933 : i32 to vector<16xi32>
      %add3A_1935 = arith.addi %add3A_1934, %iota3A_1794 : vector<16xi32>
      %get3A_1936 = arith.index_cast %add3A_1931 : i32 to index
      %get3A_1937 = tpu.vector_load %arg6[%get3A_1936] {strides = array<i32>} : memref<3200xi32, #tpu.memory_space<vmem>>, vector<16xi32>,
      %get3A_1938 = vector.shape_cast %get3A_1937 : vector<16xi32> to vector<16xi32>
      %mul3A_1939 = arith.constant 16 : i32
      %mul3A_1940 = vector.broadcast %mul3A_1939 : i32 to vector<16xi32>
      %mul3A_1941 = arith.muli %get3A_1938, %mul3A_1940 : vector<16xi32>
      %get3A_1942 = arith.index_cast %add3A_1931 : i32 to index
      %get3A_1943 = tpu.vector_load %arg7[%get3A_1942] {strides = array<i32>} : memref<3200xi32, #tpu.memory_space<vmem>>, vector<16xi32>,
      %get3A_1944 = vector.shape_cast %get3A_1943 : vector<16xi32> to vector<16xi32>
      %add3A_1945 = arith.addi %mul3A_1941, %get3A_1944 : vector<16xi32>
      %ge3A_1946 = vector.broadcast %mul3A_1788 : i32 to vector<16xi32>
      %ge3A_1947 = arith.cmpi sge, %add3A_1935, %ge3A_1946 : vector<16xi32>
      %jit3A_1948 = arith.constant 1024 : i32
      %broadcast_in_dim3A_1949 = vector.broadcast %jit3A_1948 : i32 to vector<16xi32>
      %select_n3A_1950 = arith.select %ge3A_1947, %add3A_1945, %broadcast_in_dim3A_1949 : vector<16xi1>, vector<16xi32>
      %swap3A_1951 = arith.constant 3 : i32
      %swap3A_1952 = arith.index_cast %swap3A_1951 : i32 to index
      %swap3A_1953 = arith.constant 80 : index
      %swap3A_1954 = tpu.vector_load %arg8[%swap3A_1952, %swap3A_1953] {strides = array<i32>} : memref<4x128xi32, #tpu.memory_space<vmem>>, vector<1x16xi32>,
      %swap3A_1955 = vector.shape_cast %swap3A_1954 : vector<1x16xi32> to vector<16xi32>
      %swap3A_1956 = vector.shape_cast %select_n3A_1950 : vector<16xi32> to vector<1x16xi32>
      tpu.vector_store %arg8[%swap3A_1952, %swap3A_1953], %swap3A_1956 {strides = array<i32>} : memref<4x128xi32, #tpu.memory_space<vmem>>, vector<1x16xi32>,
      %add3A_1957 = arith.constant 96 : i32
      %add3A_1958 = arith.addi %sub3A_1793, %add3A_1957 : i32
      %add3A_1959 = arith.constant 96 : i32
      %add3A_1960 = arith.addi %min3A_1792, %add3A_1959 : i32
      %add3A_1961 = vector.broadcast %add3A_1960 : i32 to vector<16xi32>
      %add3A_1962 = arith.addi %add3A_1961, %iota3A_1794 : vector<16xi32>
      %get3A_1963 = arith.index_cast %add3A_1958 : i32 to index
      %get3A_1964 = tpu.vector_load %arg6[%get3A_1963] {strides = array<i32>} : memref<3200xi32, #tpu.memory_space<vmem>>, vector<16xi32>,
      %get3A_1965 = vector.shape_cast %get3A_1964 : vector<16xi32> to vector<16xi32>
      %mul3A_1966 = arith.constant 16 : i32
      %mul3A_1967 = vector.broadcast %mul3A_1966 : i32 to vector<16xi32>
      %mul3A_1968 = arith.muli %get3A_1965, %mul3A_1967 : vector<16xi32>
      %get3A_1969 = arith.index_cast %add3A_1958 : i32 to index
      %get3A_1970 = tpu.vector_load %arg7[%get3A_1969] {strides = array<i32>} : memref<3200xi32, #tpu.memory_space<vmem>>, vector<16xi32>,
      %get3A_1971 = vector.shape_cast %get3A_1970 : vector<16xi32> to vector<16xi32>
      %add3A_1972 = arith.addi %mul3A_1968, %get3A_1971 : vector<16xi32>
      %ge3A_1973 = vector.broadcast %mul3A_1788 : i32 to vector<16xi32>
      %ge3A_1974 = arith.cmpi sge, %add3A_1962, %ge3A_1973 : vector<16xi32>
      %jit3A_1975 = arith.constant 1024 : i32
      %broadcast_in_dim3A_1976 = vector.broadcast %jit3A_1975 : i32 to vector<16xi32>
      %select_n3A_1977 = arith.select %ge3A_1974, %add3A_1972, %broadcast_in_dim3A_1976 : vector<16xi1>, vector<16xi32>
      %swap3A_1978 = arith.constant 3 : i32
      %swap3A_1979 = arith.index_cast %swap3A_1978 : i32 to index
      %swap3A_1980 = arith.constant 96 : index
      %swap3A_1981 = tpu.vector_load %arg8[%swap3A_1979, %swap3A_1980] {strides = array<i32>} : memref<4x128xi32, #tpu.memory_space<vmem>>, vector<1x16xi32>,
      %swap3A_1982 = vector.shape_cast %swap3A_1981 : vector<1x16xi32> to vector<16xi32>
      %swap3A_1983 = vector.shape_cast %select_n3A_1977 : vector<16xi32> to vector<1x16xi32>
      tpu.vector_store %arg8[%swap3A_1979, %swap3A_1980], %swap3A_1983 {strides = array<i32>} : memref<4x128xi32, #tpu.memory_space<vmem>>, vector<1x16xi32>,
      %add3A_1984 = arith.constant 112 : i32
      %add3A_1985 = arith.addi %sub3A_1793, %add3A_1984 : i32
      %add3A_1986 = arith.constant 112 : i32
      %add3A_1987 = arith.addi %min3A_1792, %add3A_1986 : i32
      %add3A_1988 = vector.broadcast %add3A_1987 : i32 to vector<16xi32>
      %add3A_1989 = arith.addi %add3A_1988, %iota3A_1794 : vector<16xi32>
      %get3A_1990 = arith.index_cast %add3A_1985 : i32 to index
      %get3A_1991 = tpu.vector_load %arg6[%get3A_1990] {strides = array<i32>} : memref<3200xi32, #tpu.memory_space<vmem>>, vector<16xi32>,
      %get3A_1992 = vector.shape_cast %get3A_1991 : vector<16xi32> to vector<16xi32>
      %mul3A_1993 = arith.constant 16 : i32
      %mul3A_1994 = vector.broadcast %mul3A_1993 : i32 to vector<16xi32>
      %mul3A_1995 = arith.muli %get3A_1992, %mul3A_1994 : vector<16xi32>
      %get3A_1996 = arith.index_cast %add3A_1985 : i32 to index
      %get3A_1997 = tpu.vector_load %arg7[%get3A_1996] {strides = array<i32>} : memref<3200xi32, #tpu.memory_space<vmem>>, vector<16xi32>,
      %get3A_1998 = vector.shape_cast %get3A_1997 : vector<16xi32> to vector<16xi32>
      %add3A_1999 = arith.addi %mul3A_1995, %get3A_1998 : vector<16xi32>
      %ge3A_2000 = vector.broadcast %mul3A_1788 : i32 to vector<16xi32>
      %ge3A_2001 = arith.cmpi sge, %add3A_1989, %ge3A_2000 : vector<16xi32>
      %jit3A_2002 = arith.constant 1024 : i32
      %broadcast_in_dim3A_2003 = vector.broadcast %jit3A_2002 : i32 to vector<16xi32>
      %select_n3A_2004 = arith.select %ge3A_2001, %add3A_1999, %broadcast_in_dim3A_2003 : vector<16xi1>, vector<16xi32>
      %swap3A_2005 = arith.constant 3 : i32
      %swap3A_2006 = arith.index_cast %swap3A_2005 : i32 to index
      %swap3A_2007 = arith.constant 112 : index
      %swap3A_2008 = tpu.vector_load %arg8[%swap3A_2006, %swap3A_2007] {strides = array<i32>} : memref<4x128xi32, #tpu.memory_space<vmem>>, vector<1x16xi32>,
      %swap3A_2009 = vector.shape_cast %swap3A_2008 : vector<1x16xi32> to vector<16xi32>
      %swap3A_2010 = vector.shape_cast %select_n3A_2004 : vector<16xi32> to vector<1x16xi32>
      tpu.vector_store %arg8[%swap3A_2006, %swap3A_2007], %swap3A_2010 {strides = array<i32>} : memref<4x128xi32, #tpu.memory_space<vmem>>, vector<1x16xi32>,
      %dma_start3A_2011 = arith.constant 3 : i32
      %dma_start3A_2012 = arith.constant 3 : i32
      %dma_start3A_2013 = arith.constant 0 : i32
      %dma_start3A_2014 = arith.constant 0 : i32
      %dma_start3A_2015 = tpu.memref_slice %arg9[%dma_start3A_2011, %dma_start3A_2013, %dma_start3A_2014] : memref<4x128x128xf32, #tpu.memory_space<vmem>> -> memref<1x128x128xf32, #tpu.memory_space<vmem>>
      %dma_start3A_2016 = tpu.memref_squeeze %dma_start3A_2015 : memref<1x128x128xf32, #tpu.memory_space<vmem>> -> memref<128x128xf32, #tpu.memory_space<vmem>>
      %dma_start3A_2017 = arith.constant 0 : i32
      %dma_start3A_2018 = tpu.memref_slice %arg8[%dma_start3A_2012, %dma_start3A_2017] : memref<4x128xi32, #tpu.memory_space<vmem>> -> memref<1x128xi32, #tpu.memory_space<vmem>>
      %dma_start3A_2019 = tpu.memref_squeeze %dma_start3A_2018 : memref<1x128xi32, #tpu.memory_space<vmem>> -> memref<128xi32, #tpu.memory_space<vmem>>
      %dma_start3A_2020 = arith.constant 0 : i32
      %dma_start3A_2021 = arith.constant 0 : i32
      %dma_start3A_2022 = tpu.memref_slice %arg11[%dma_start3A_2020, %dma_start3A_2021] : memref<1040x128xf32, #tpu.memory_space<vmem_shared>> -> memref<1040x128xf32, #tpu.memory_space<vmem_shared>>
      tpu.enqueue_indirect_dma source(%dma_start3A_2016 : memref<128x128xf32, #tpu.memory_space<vmem>>) target(%dma_start3A_2022 : memref<1040x128xf32, #tpu.memory_space<vmem_shared>>) offsets(%dma_start3A_2019 : memref<128xi32, #tpu.memory_space<vmem>>) semaphore(%arg19 : memref<!tpu.dma_semaphore, #tpu.memory_space<semaphore_mem>>) {add = true}
      %dma_wait3A_2023 = arith.constant 2 : i32
      %dma_wait3A_2024 = arith.constant 2 : i32
      %dma_wait3A_2025 = arith.constant 0 : i32
      %dma_wait3A_2026 = arith.constant 0 : i32
      %dma_wait3A_2027 = tpu.memref_slice %arg9[%dma_wait3A_2023, %dma_wait3A_2025, %dma_wait3A_2026] : memref<4x128x128xf32, #tpu.memory_space<vmem>> -> memref<1x128x128xf32, #tpu.memory_space<vmem>>
      %dma_wait3A_2028 = tpu.memref_squeeze %dma_wait3A_2027 : memref<1x128x128xf32, #tpu.memory_space<vmem>> -> memref<128x128xf32, #tpu.memory_space<vmem>>
      %dma_wait3A_2029 = arith.constant 0 : i32
      %dma_wait3A_2030 = tpu.memref_slice %arg8[%dma_wait3A_2024, %dma_wait3A_2029] : memref<4x128xi32, #tpu.memory_space<vmem>> -> memref<1x128xi32, #tpu.memory_space<vmem>>
      %dma_wait3A_2031 = tpu.memref_squeeze %dma_wait3A_2030 : memref<1x128xi32, #tpu.memory_space<vmem>> -> memref<128xi32, #tpu.memory_space<vmem>>
      %dma_wait3A_2032 = arith.constant 0 : i32
      %dma_wait3A_2033 = arith.constant 0 : i32
      %dma_wait3A_2034 = tpu.memref_slice %arg11[%dma_wait3A_2032, %dma_wait3A_2033] : memref<1040x128xf32, #tpu.memory_space<vmem_shared>> -> memref<1040x128xf32, #tpu.memory_space<vmem_shared>>
      tpu.wait_indirect_dma semaphore(%arg18 : memref<!tpu.dma_semaphore, #tpu.memory_space<semaphore_mem>>) src(%dma_wait3A_2028 : memref<128x128xf32, #tpu.memory_space<vmem>>) dst(%dma_wait3A_2034 : memref<1040x128xf32, #tpu.memory_space<vmem_shared>>)
      %add3A_2035 = arith.addi %mul3A_8, %add3A_1770 : i32
      %add3A_2036 = arith.constant 3 : i32
      %add3A_2037 = arith.addi %add3A_2035, %add3A_2036 : i32
      %mul3A_2038 = arith.constant 128 : i32
      %mul3A_2039 = arith.muli %add3A_2037, %mul3A_2038 : i32
      %min3A_2040 = arith.constant 99872 : i32
      %min3A_2041 = arith.minsi %mul3A_2039, %min3A_2040 : i32
      %dma_start3A_2042 = arith.constant 2 : i32
      %dma_start3A_2043 = arith.constant 0 : i32
      %dma_start3A_2044 = arith.constant 0 : i32
      %dma_start3A_2045 = tpu.memref_slice %arg9[%dma_start3A_2042, %dma_start3A_2043, %dma_start3A_2044] : memref<4x128x128xf32, #tpu.memory_space<vmem>> -> memref<1x128x128xf32, #tpu.memory_space<vmem>>
      %dma_start3A_2046 = tpu.memref_squeeze %dma_start3A_2045 : memref<1x128x128xf32, #tpu.memory_space<vmem>> -> memref<128x128xf32, #tpu.memory_space<vmem>>
      %dma_start3A_2047 = arith.constant 0 : i32
      %dma_start3A_2048 = tpu.memref_slice %arg4[%min3A_2041, %dma_start3A_2047] : memref<100000x128xf32, #tpu.memory_space<hbm>> -> memref<128x128xf32, #tpu.memory_space<hbm>>
      %dma_start3A_2049 = arith.constant 0 : i32
      %dma_start3A_2050 = arith.constant 0 : i32
      %dma_start3A_2051 = tpu.memref_slice %arg9[%dma_start3A_2042, %dma_start3A_2049, %dma_start3A_2050] : memref<4x128x128xf32, #tpu.memory_space<vmem>> -> memref<1x128x128xf32, #tpu.memory_space<vmem>>
      %dma_start3A_2052 = tpu.memref_squeeze %dma_start3A_2051 : memref<1x128x128xf32, #tpu.memory_space<vmem>> -> memref<128x128xf32, #tpu.memory_space<vmem>>
      %dma_start3A_2053 = arith.constant 0 : i32
      %dma_start3A_2054 = tpu.memref_slice %arg4[%min3A_2041, %dma_start3A_2053] : memref<100000x128xf32, #tpu.memory_space<hbm>> -> memref<128x128xf32, #tpu.memory_space<hbm>>
      tpu.enqueue_dma source(%dma_start3A_2054 : memref<128x128xf32, #tpu.memory_space<hbm>>) target(%dma_start3A_2052 : memref<128x128xf32, #tpu.memory_space<vmem>>) target_semaphore(%arg14 : memref<!tpu.dma_semaphore, #tpu.memory_space<semaphore_mem>>)
      %mul3A_2055 = arith.constant 4 : i32
      %mul3A_2056 = arith.muli %mul3A_2055, %scan3A_1184 : i32
      %add3A_2057 = arith.constant 1 : i32
      %add3A_2058 = arith.addi %add3A_2057, %mul3A_2056 : i32
      %add3A_2059 = arith.constant 3 : i32
      %add3A_2060 = arith.addi %add3A_2058, %add3A_2059 : i32
      %dma_wait3A_2061 = arith.constant 0 : i32
      %dma_wait3A_2062 = arith.constant 0 : i32
      %dma_wait3A_2063 = arith.constant 0 : i32
      %dma_wait3A_2064 = tpu.memref_slice %arg9[%dma_wait3A_2061, %dma_wait3A_2062, %dma_wait3A_2063] : memref<4x128x128xf32, #tpu.memory_space<vmem>> -> memref<1x128x128xf32, #tpu.memory_space<vmem>>
      %dma_wait3A_2065 = tpu.memref_squeeze %dma_wait3A_2064 : memref<1x128x128xf32, #tpu.memory_space<vmem>> -> memref<128x128xf32, #tpu.memory_space<vmem>>
      %dma_wait3A_2066 = arith.constant 0 : i32
      %dma_wait3A_2067 = arith.constant 0 : i32
      %dma_wait3A_2068 = tpu.memref_slice %arg4[%dma_wait3A_2066, %dma_wait3A_2067] : memref<100000x128xf32, #tpu.memory_space<hbm>> -> memref<128x128xf32, #tpu.memory_space<hbm>>
      %dma_wait3A_2069 = arith.constant 0 : i32
      %dma_wait3A_2070 = arith.constant 0 : i32
      %dma_wait3A_2071 = tpu.memref_slice %arg9[%dma_wait3A_2061, %dma_wait3A_2069, %dma_wait3A_2070] : memref<4x128x128xf32, #tpu.memory_space<vmem>> -> memref<1x128x128xf32, #tpu.memory_space<vmem>>
      %dma_wait3A_2072 = tpu.memref_squeeze %dma_wait3A_2071 : memref<1x128x128xf32, #tpu.memory_space<vmem>> -> memref<128x128xf32, #tpu.memory_space<vmem>>
      %dma_wait3A_2073 = arith.constant 0 : i32
      %dma_wait3A_2074 = arith.constant 0 : i32
      %dma_wait3A_2075 = tpu.memref_slice %arg4[%dma_wait3A_2073, %dma_wait3A_2074] : memref<100000x128xf32, #tpu.memory_space<hbm>> -> memref<128x128xf32, #tpu.memory_space<hbm>>
      tpu.wait_dma2 semaphore(%arg12 : memref<!tpu.dma_semaphore, #tpu.memory_space<semaphore_mem>>) src(%dma_wait3A_2075 : memref<128x128xf32, #tpu.memory_space<hbm>>) dst(%dma_wait3A_2072 : memref<128x128xf32, #tpu.memory_space<vmem>>)
      %add3A_2076 = arith.addi %mul3A_8, %add3A_2060 : i32
      %mul3A_2077 = arith.constant 128 : i32
      %mul3A_2078 = arith.muli %add3A_2076, %mul3A_2077 : i32
      %mul3A_2079 = arith.constant 128 : i32
      %mul3A_2080 = arith.muli %add3A_2076, %mul3A_2079 : i32
      %min3A_2081 = arith.constant 99872 : i32
      %min3A_2082 = arith.minsi %mul3A_2080, %min3A_2081 : i32
      %sub3A_2083 = arith.subi %min3A_2082, %min3A_3 : i32
      %iota3A_2084 = tpu.iota {dimensions = array<i32: 0>} : vector<16xi32>
      %add3A_2085 = arith.constant 0 : i32
      %add3A_2086 = arith.addi %sub3A_2083, %add3A_2085 : i32
      %add3A_2087 = arith.constant 0 : i32
      %add3A_2088 = arith.addi %min3A_2082, %add3A_2087 : i32
      %add3A_2089 = vector.broadcast %add3A_2088 : i32 to vector<16xi32>
      %add3A_2090 = arith.addi %add3A_2089, %iota3A_2084 : vector<16xi32>
      %get3A_2091 = arith.index_cast %add3A_2086 : i32 to index
      %get3A_2092 = tpu.vector_load %arg6[%get3A_2091] {strides = array<i32>} : memref<3200xi32, #tpu.memory_space<vmem>>, vector<16xi32>,
      %get3A_2093 = vector.shape_cast %get3A_2092 : vector<16xi32> to vector<16xi32>
      %mul3A_2094 = arith.constant 16 : i32
      %mul3A_2095 = vector.broadcast %mul3A_2094 : i32 to vector<16xi32>
      %mul3A_2096 = arith.muli %get3A_2093, %mul3A_2095 : vector<16xi32>
      %get3A_2097 = arith.index_cast %add3A_2086 : i32 to index
      %get3A_2098 = tpu.vector_load %arg7[%get3A_2097] {strides = array<i32>} : memref<3200xi32, #tpu.memory_space<vmem>>, vector<16xi32>,
      %get3A_2099 = vector.shape_cast %get3A_2098 : vector<16xi32> to vector<16xi32>
      %add3A_2100 = arith.addi %mul3A_2096, %get3A_2099 : vector<16xi32>
      %ge3A_2101 = vector.broadcast %mul3A_2078 : i32 to vector<16xi32>
      %ge3A_2102 = arith.cmpi sge, %add3A_2090, %ge3A_2101 : vector<16xi32>
      %jit3A_2103 = arith.constant 1024 : i32
      %broadcast_in_dim3A_2104 = vector.broadcast %jit3A_2103 : i32 to vector<16xi32>
      %select_n3A_2105 = arith.select %ge3A_2102, %add3A_2100, %broadcast_in_dim3A_2104 : vector<16xi1>, vector<16xi32>
      %swap3A_2106 = arith.constant 0 : i32
      %swap3A_2107 = arith.index_cast %swap3A_2106 : i32 to index
      %swap3A_2108 = arith.constant 0 : index
      %swap3A_2109 = tpu.vector_load %arg8[%swap3A_2107, %swap3A_2108] {strides = array<i32>} : memref<4x128xi32, #tpu.memory_space<vmem>>, vector<1x16xi32>,
      %swap3A_2110 = vector.shape_cast %swap3A_2109 : vector<1x16xi32> to vector<16xi32>
      %swap3A_2111 = vector.shape_cast %select_n3A_2105 : vector<16xi32> to vector<1x16xi32>
      tpu.vector_store %arg8[%swap3A_2107, %swap3A_2108], %swap3A_2111 {strides = array<i32>} : memref<4x128xi32, #tpu.memory_space<vmem>>, vector<1x16xi32>,
      %add3A_2112 = arith.constant 16 : i32
      %add3A_2113 = arith.addi %sub3A_2083, %add3A_2112 : i32
      %add3A_2114 = arith.constant 16 : i32
      %add3A_2115 = arith.addi %min3A_2082, %add3A_2114 : i32
      %add3A_2116 = vector.broadcast %add3A_2115 : i32 to vector<16xi32>
      %add3A_2117 = arith.addi %add3A_2116, %iota3A_2084 : vector<16xi32>
      %get3A_2118 = arith.index_cast %add3A_2113 : i32 to index
      %get3A_2119 = tpu.vector_load %arg6[%get3A_2118] {strides = array<i32>} : memref<3200xi32, #tpu.memory_space<vmem>>, vector<16xi32>,
      %get3A_2120 = vector.shape_cast %get3A_2119 : vector<16xi32> to vector<16xi32>
      %mul3A_2121 = arith.constant 16 : i32
      %mul3A_2122 = vector.broadcast %mul3A_2121 : i32 to vector<16xi32>
      %mul3A_2123 = arith.muli %get3A_2120, %mul3A_2122 : vector<16xi32>
      %get3A_2124 = arith.index_cast %add3A_2113 : i32 to index
      %get3A_2125 = tpu.vector_load %arg7[%get3A_2124] {strides = array<i32>} : memref<3200xi32, #tpu.memory_space<vmem>>, vector<16xi32>,
      %get3A_2126 = vector.shape_cast %get3A_2125 : vector<16xi32> to vector<16xi32>
      %add3A_2127 = arith.addi %mul3A_2123, %get3A_2126 : vector<16xi32>
      %ge3A_2128 = vector.broadcast %mul3A_2078 : i32 to vector<16xi32>
      %ge3A_2129 = arith.cmpi sge, %add3A_2117, %ge3A_2128 : vector<16xi32>
      %jit3A_2130 = arith.constant 1024 : i32
      %broadcast_in_dim3A_2131 = vector.broadcast %jit3A_2130 : i32 to vector<16xi32>
      %select_n3A_2132 = arith.select %ge3A_2129, %add3A_2127, %broadcast_in_dim3A_2131 : vector<16xi1>, vector<16xi32>
      %swap3A_2133 = arith.constant 0 : i32
      %swap3A_2134 = arith.index_cast %swap3A_2133 : i32 to index
      %swap3A_2135 = arith.constant 16 : index
      %swap3A_2136 = tpu.vector_load %arg8[%swap3A_2134, %swap3A_2135] {strides = array<i32>} : memref<4x128xi32, #tpu.memory_space<vmem>>, vector<1x16xi32>,
      %swap3A_2137 = vector.shape_cast %swap3A_2136 : vector<1x16xi32> to vector<16xi32>
      %swap3A_2138 = vector.shape_cast %select_n3A_2132 : vector<16xi32> to vector<1x16xi32>
      tpu.vector_store %arg8[%swap3A_2134, %swap3A_2135], %swap3A_2138 {strides = array<i32>} : memref<4x128xi32, #tpu.memory_space<vmem>>, vector<1x16xi32>,
      %add3A_2139 = arith.constant 32 : i32
      %add3A_2140 = arith.addi %sub3A_2083, %add3A_2139 : i32
      %add3A_2141 = arith.constant 32 : i32
      %add3A_2142 = arith.addi %min3A_2082, %add3A_2141 : i32
      %add3A_2143 = vector.broadcast %add3A_2142 : i32 to vector<16xi32>
      %add3A_2144 = arith.addi %add3A_2143, %iota3A_2084 : vector<16xi32>
      %get3A_2145 = arith.index_cast %add3A_2140 : i32 to index
      %get3A_2146 = tpu.vector_load %arg6[%get3A_2145] {strides = array<i32>} : memref<3200xi32, #tpu.memory_space<vmem>>, vector<16xi32>,
      %get3A_2147 = vector.shape_cast %get3A_2146 : vector<16xi32> to vector<16xi32>
      %mul3A_2148 = arith.constant 16 : i32
      %mul3A_2149 = vector.broadcast %mul3A_2148 : i32 to vector<16xi32>
      %mul3A_2150 = arith.muli %get3A_2147, %mul3A_2149 : vector<16xi32>
      %get3A_2151 = arith.index_cast %add3A_2140 : i32 to index
      %get3A_2152 = tpu.vector_load %arg7[%get3A_2151] {strides = array<i32>} : memref<3200xi32, #tpu.memory_space<vmem>>, vector<16xi32>,
      %get3A_2153 = vector.shape_cast %get3A_2152 : vector<16xi32> to vector<16xi32>
      %add3A_2154 = arith.addi %mul3A_2150, %get3A_2153 : vector<16xi32>
      %ge3A_2155 = vector.broadcast %mul3A_2078 : i32 to vector<16xi32>
      %ge3A_2156 = arith.cmpi sge, %add3A_2144, %ge3A_2155 : vector<16xi32>
      %jit3A_2157 = arith.constant 1024 : i32
      %broadcast_in_dim3A_2158 = vector.broadcast %jit3A_2157 : i32 to vector<16xi32>
      %select_n3A_2159 = arith.select %ge3A_2156, %add3A_2154, %broadcast_in_dim3A_2158 : vector<16xi1>, vector<16xi32>
      %swap3A_2160 = arith.constant 0 : i32
      %swap3A_2161 = arith.index_cast %swap3A_2160 : i32 to index
      %swap3A_2162 = arith.constant 32 : index
      %swap3A_2163 = tpu.vector_load %arg8[%swap3A_2161, %swap3A_2162] {strides = array<i32>} : memref<4x128xi32, #tpu.memory_space<vmem>>, vector<1x16xi32>,
      %swap3A_2164 = vector.shape_cast %swap3A_2163 : vector<1x16xi32> to vector<16xi32>
      %swap3A_2165 = vector.shape_cast %select_n3A_2159 : vector<16xi32> to vector<1x16xi32>
      tpu.vector_store %arg8[%swap3A_2161, %swap3A_2162], %swap3A_2165 {strides = array<i32>} : memref<4x128xi32, #tpu.memory_space<vmem>>, vector<1x16xi32>,
      %add3A_2166 = arith.constant 48 : i32
      %add3A_2167 = arith.addi %sub3A_2083, %add3A_2166 : i32
      %add3A_2168 = arith.constant 48 : i32
      %add3A_2169 = arith.addi %min3A_2082, %add3A_2168 : i32
      %add3A_2170 = vector.broadcast %add3A_2169 : i32 to vector<16xi32>
      %add3A_2171 = arith.addi %add3A_2170, %iota3A_2084 : vector<16xi32>
      %get3A_2172 = arith.index_cast %add3A_2167 : i32 to index
      %get3A_2173 = tpu.vector_load %arg6[%get3A_2172] {strides = array<i32>} : memref<3200xi32, #tpu.memory_space<vmem>>, vector<16xi32>,
      %get3A_2174 = vector.shape_cast %get3A_2173 : vector<16xi32> to vector<16xi32>
      %mul3A_2175 = arith.constant 16 : i32
      %mul3A_2176 = vector.broadcast %mul3A_2175 : i32 to vector<16xi32>
      %mul3A_2177 = arith.muli %get3A_2174, %mul3A_2176 : vector<16xi32>
      %get3A_2178 = arith.index_cast %add3A_2167 : i32 to index
      %get3A_2179 = tpu.vector_load %arg7[%get3A_2178] {strides = array<i32>} : memref<3200xi32, #tpu.memory_space<vmem>>, vector<16xi32>,
      %get3A_2180 = vector.shape_cast %get3A_2179 : vector<16xi32> to vector<16xi32>
      %add3A_2181 = arith.addi %mul3A_2177, %get3A_2180 : vector<16xi32>
      %ge3A_2182 = vector.broadcast %mul3A_2078 : i32 to vector<16xi32>
      %ge3A_2183 = arith.cmpi sge, %add3A_2171, %ge3A_2182 : vector<16xi32>
      %jit3A_2184 = arith.constant 1024 : i32
      %broadcast_in_dim3A_2185 = vector.broadcast %jit3A_2184 : i32 to vector<16xi32>
      %select_n3A_2186 = arith.select %ge3A_2183, %add3A_2181, %broadcast_in_dim3A_2185 : vector<16xi1>, vector<16xi32>
      %swap3A_2187 = arith.constant 0 : i32
      %swap3A_2188 = arith.index_cast %swap3A_2187 : i32 to index
      %swap3A_2189 = arith.constant 48 : index
      %swap3A_2190 = tpu.vector_load %arg8[%swap3A_2188, %swap3A_2189] {strides = array<i32>} : memref<4x128xi32, #tpu.memory_space<vmem>>, vector<1x16xi32>,
      %swap3A_2191 = vector.shape_cast %swap3A_2190 : vector<1x16xi32> to vector<16xi32>
      %swap3A_2192 = vector.shape_cast %select_n3A_2186 : vector<16xi32> to vector<1x16xi32>
      tpu.vector_store %arg8[%swap3A_2188, %swap3A_2189], %swap3A_2192 {strides = array<i32>} : memref<4x128xi32, #tpu.memory_space<vmem>>, vector<1x16xi32>,
      %add3A_2193 = arith.constant 64 : i32
      %add3A_2194 = arith.addi %sub3A_2083, %add3A_2193 : i32
      %add3A_2195 = arith.constant 64 : i32
      %add3A_2196 = arith.addi %min3A_2082, %add3A_2195 : i32
      %add3A_2197 = vector.broadcast %add3A_2196 : i32 to vector<16xi32>
      %add3A_2198 = arith.addi %add3A_2197, %iota3A_2084 : vector<16xi32>
      %get3A_2199 = arith.index_cast %add3A_2194 : i32 to index
      %get3A_2200 = tpu.vector_load %arg6[%get3A_2199] {strides = array<i32>} : memref<3200xi32, #tpu.memory_space<vmem>>, vector<16xi32>,
      %get3A_2201 = vector.shape_cast %get3A_2200 : vector<16xi32> to vector<16xi32>
      %mul3A_2202 = arith.constant 16 : i32
      %mul3A_2203 = vector.broadcast %mul3A_2202 : i32 to vector<16xi32>
      %mul3A_2204 = arith.muli %get3A_2201, %mul3A_2203 : vector<16xi32>
      %get3A_2205 = arith.index_cast %add3A_2194 : i32 to index
      %get3A_2206 = tpu.vector_load %arg7[%get3A_2205] {strides = array<i32>} : memref<3200xi32, #tpu.memory_space<vmem>>, vector<16xi32>,
      %get3A_2207 = vector.shape_cast %get3A_2206 : vector<16xi32> to vector<16xi32>
      %add3A_2208 = arith.addi %mul3A_2204, %get3A_2207 : vector<16xi32>
      %ge3A_2209 = vector.broadcast %mul3A_2078 : i32 to vector<16xi32>
      %ge3A_2210 = arith.cmpi sge, %add3A_2198, %ge3A_2209 : vector<16xi32>
      %jit3A_2211 = arith.constant 1024 : i32
      %broadcast_in_dim3A_2212 = vector.broadcast %jit3A_2211 : i32 to vector<16xi32>
      %select_n3A_2213 = arith.select %ge3A_2210, %add3A_2208, %broadcast_in_dim3A_2212 : vector<16xi1>, vector<16xi32>
      %swap3A_2214 = arith.constant 0 : i32
      %swap3A_2215 = arith.index_cast %swap3A_2214 : i32 to index
      %swap3A_2216 = arith.constant 64 : index
      %swap3A_2217 = tpu.vector_load %arg8[%swap3A_2215, %swap3A_2216] {strides = array<i32>} : memref<4x128xi32, #tpu.memory_space<vmem>>, vector<1x16xi32>,
      %swap3A_2218 = vector.shape_cast %swap3A_2217 : vector<1x16xi32> to vector<16xi32>
      %swap3A_2219 = vector.shape_cast %select_n3A_2213 : vector<16xi32> to vector<1x16xi32>
      tpu.vector_store %arg8[%swap3A_2215, %swap3A_2216], %swap3A_2219 {strides = array<i32>} : memref<4x128xi32, #tpu.memory_space<vmem>>, vector<1x16xi32>,
      %add3A_2220 = arith.constant 80 : i32
      %add3A_2221 = arith.addi %sub3A_2083, %add3A_2220 : i32
      %add3A_2222 = arith.constant 80 : i32
      %add3A_2223 = arith.addi %min3A_2082, %add3A_2222 : i32
      %add3A_2224 = vector.broadcast %add3A_2223 : i32 to vector<16xi32>
      %add3A_2225 = arith.addi %add3A_2224, %iota3A_2084 : vector<16xi32>
      %get3A_2226 = arith.index_cast %add3A_2221 : i32 to index
      %get3A_2227 = tpu.vector_load %arg6[%get3A_2226] {strides = array<i32>} : memref<3200xi32, #tpu.memory_space<vmem>>, vector<16xi32>,
      %get3A_2228 = vector.shape_cast %get3A_2227 : vector<16xi32> to vector<16xi32>
      %mul3A_2229 = arith.constant 16 : i32
      %mul3A_2230 = vector.broadcast %mul3A_2229 : i32 to vector<16xi32>
      %mul3A_2231 = arith.muli %get3A_2228, %mul3A_2230 : vector<16xi32>
      %get3A_2232 = arith.index_cast %add3A_2221 : i32 to index
      %get3A_2233 = tpu.vector_load %arg7[%get3A_2232] {strides = array<i32>} : memref<3200xi32, #tpu.memory_space<vmem>>, vector<16xi32>,
      %get3A_2234 = vector.shape_cast %get3A_2233 : vector<16xi32> to vector<16xi32>
      %add3A_2235 = arith.addi %mul3A_2231, %get3A_2234 : vector<16xi32>
      %ge3A_2236 = vector.broadcast %mul3A_2078 : i32 to vector<16xi32>
      %ge3A_2237 = arith.cmpi sge, %add3A_2225, %ge3A_2236 : vector<16xi32>
      %jit3A_2238 = arith.constant 1024 : i32
      %broadcast_in_dim3A_2239 = vector.broadcast %jit3A_2238 : i32 to vector<16xi32>
      %select_n3A_2240 = arith.select %ge3A_2237, %add3A_2235, %broadcast_in_dim3A_2239 : vector<16xi1>, vector<16xi32>
      %swap3A_2241 = arith.constant 0 : i32
      %swap3A_2242 = arith.index_cast %swap3A_2241 : i32 to index
      %swap3A_2243 = arith.constant 80 : index
      %swap3A_2244 = tpu.vector_load %arg8[%swap3A_2242, %swap3A_2243] {strides = array<i32>} : memref<4x128xi32, #tpu.memory_space<vmem>>, vector<1x16xi32>,
      %swap3A_2245 = vector.shape_cast %swap3A_2244 : vector<1x16xi32> to vector<16xi32>
      %swap3A_2246 = vector.shape_cast %select_n3A_2240 : vector<16xi32> to vector<1x16xi32>
      tpu.vector_store %arg8[%swap3A_2242, %swap3A_2243], %swap3A_2246 {strides = array<i32>} : memref<4x128xi32, #tpu.memory_space<vmem>>, vector<1x16xi32>,
      %add3A_2247 = arith.constant 96 : i32
      %add3A_2248 = arith.addi %sub3A_2083, %add3A_2247 : i32
      %add3A_2249 = arith.constant 96 : i32
      %add3A_2250 = arith.addi %min3A_2082, %add3A_2249 : i32
      %add3A_2251 = vector.broadcast %add3A_2250 : i32 to vector<16xi32>
      %add3A_2252 = arith.addi %add3A_2251, %iota3A_2084 : vector<16xi32>
      %get3A_2253 = arith.index_cast %add3A_2248 : i32 to index
      %get3A_2254 = tpu.vector_load %arg6[%get3A_2253] {strides = array<i32>} : memref<3200xi32, #tpu.memory_space<vmem>>, vector<16xi32>,
      %get3A_2255 = vector.shape_cast %get3A_2254 : vector<16xi32> to vector<16xi32>
      %mul3A_2256 = arith.constant 16 : i32
      %mul3A_2257 = vector.broadcast %mul3A_2256 : i32 to vector<16xi32>
      %mul3A_2258 = arith.muli %get3A_2255, %mul3A_2257 : vector<16xi32>
      %get3A_2259 = arith.index_cast %add3A_2248 : i32 to index
      %get3A_2260 = tpu.vector_load %arg7[%get3A_2259] {strides = array<i32>} : memref<3200xi32, #tpu.memory_space<vmem>>, vector<16xi32>,
      %get3A_2261 = vector.shape_cast %get3A_2260 : vector<16xi32> to vector<16xi32>
      %add3A_2262 = arith.addi %mul3A_2258, %get3A_2261 : vector<16xi32>
      %ge3A_2263 = vector.broadcast %mul3A_2078 : i32 to vector<16xi32>
      %ge3A_2264 = arith.cmpi sge, %add3A_2252, %ge3A_2263 : vector<16xi32>
      %jit3A_2265 = arith.constant 1024 : i32
      %broadcast_in_dim3A_2266 = vector.broadcast %jit3A_2265 : i32 to vector<16xi32>
      %select_n3A_2267 = arith.select %ge3A_2264, %add3A_2262, %broadcast_in_dim3A_2266 : vector<16xi1>, vector<16xi32>
      %swap3A_2268 = arith.constant 0 : i32
      %swap3A_2269 = arith.index_cast %swap3A_2268 : i32 to index
      %swap3A_2270 = arith.constant 96 : index
      %swap3A_2271 = tpu.vector_load %arg8[%swap3A_2269, %swap3A_2270] {strides = array<i32>} : memref<4x128xi32, #tpu.memory_space<vmem>>, vector<1x16xi32>,
      %swap3A_2272 = vector.shape_cast %swap3A_2271 : vector<1x16xi32> to vector<16xi32>
      %swap3A_2273 = vector.shape_cast %select_n3A_2267 : vector<16xi32> to vector<1x16xi32>
      tpu.vector_store %arg8[%swap3A_2269, %swap3A_2270], %swap3A_2273 {strides = array<i32>} : memref<4x128xi32, #tpu.memory_space<vmem>>, vector<1x16xi32>,
      %add3A_2274 = arith.constant 112 : i32
      %add3A_2275 = arith.addi %sub3A_2083, %add3A_2274 : i32
      %add3A_2276 = arith.constant 112 : i32
      %add3A_2277 = arith.addi %min3A_2082, %add3A_2276 : i32
      %add3A_2278 = vector.broadcast %add3A_2277 : i32 to vector<16xi32>
      %add3A_2279 = arith.addi %add3A_2278, %iota3A_2084 : vector<16xi32>
      %get3A_2280 = arith.index_cast %add3A_2275 : i32 to index
      %get3A_2281 = tpu.vector_load %arg6[%get3A_2280] {strides = array<i32>} : memref<3200xi32, #tpu.memory_space<vmem>>, vector<16xi32>,
      %get3A_2282 = vector.shape_cast %get3A_2281 : vector<16xi32> to vector<16xi32>
      %mul3A_2283 = arith.constant 16 : i32
      %mul3A_2284 = vector.broadcast %mul3A_2283 : i32 to vector<16xi32>
      %mul3A_2285 = arith.muli %get3A_2282, %mul3A_2284 : vector<16xi32>
      %get3A_2286 = arith.index_cast %add3A_2275 : i32 to index
      %get3A_2287 = tpu.vector_load %arg7[%get3A_2286] {strides = array<i32>} : memref<3200xi32, #tpu.memory_space<vmem>>, vector<16xi32>,
      %get3A_2288 = vector.shape_cast %get3A_2287 : vector<16xi32> to vector<16xi32>
      %add3A_2289 = arith.addi %mul3A_2285, %get3A_2288 : vector<16xi32>
      %ge3A_2290 = vector.broadcast %mul3A_2078 : i32 to vector<16xi32>
      %ge3A_2291 = arith.cmpi sge, %add3A_2279, %ge3A_2290 : vector<16xi32>
      %jit3A_2292 = arith.constant 1024 : i32
      %broadcast_in_dim3A_2293 = vector.broadcast %jit3A_2292 : i32 to vector<16xi32>
      %select_n3A_2294 = arith.select %ge3A_2291, %add3A_2289, %broadcast_in_dim3A_2293 : vector<16xi1>, vector<16xi32>
      %swap3A_2295 = arith.constant 0 : i32
      %swap3A_2296 = arith.index_cast %swap3A_2295 : i32 to index
      %swap3A_2297 = arith.constant 112 : index
      %swap3A_2298 = tpu.vector_load %arg8[%swap3A_2296, %swap3A_2297] {strides = array<i32>} : memref<4x128xi32, #tpu.memory_space<vmem>>, vector<1x16xi32>,
      %swap3A_2299 = vector.shape_cast %swap3A_2298 : vector<1x16xi32> to vector<16xi32>
      %swap3A_2300 = vector.shape_cast %select_n3A_2294 : vector<16xi32> to vector<1x16xi32>
      tpu.vector_store %arg8[%swap3A_2296, %swap3A_2297], %swap3A_2300 {strides = array<i32>} : memref<4x128xi32, #tpu.memory_space<vmem>>, vector<1x16xi32>,
      %dma_start3A_2301 = arith.constant 0 : i32
      %dma_start3A_2302 = arith.constant 0 : i32
      %dma_start3A_2303 = arith.constant 0 : i32
      %dma_start3A_2304 = arith.constant 0 : i32
      %dma_start3A_2305 = tpu.memref_slice %arg9[%dma_start3A_2301, %dma_start3A_2303, %dma_start3A_2304] : memref<4x128x128xf32, #tpu.memory_space<vmem>> -> memref<1x128x128xf32, #tpu.memory_space<vmem>>
      %dma_start3A_2306 = tpu.memref_squeeze %dma_start3A_2305 : memref<1x128x128xf32, #tpu.memory_space<vmem>> -> memref<128x128xf32, #tpu.memory_space<vmem>>
      %dma_start3A_2307 = arith.constant 0 : i32
      %dma_start3A_2308 = tpu.memref_slice %arg8[%dma_start3A_2302, %dma_start3A_2307] : memref<4x128xi32, #tpu.memory_space<vmem>> -> memref<1x128xi32, #tpu.memory_space<vmem>>
      %dma_start3A_2309 = tpu.memref_squeeze %dma_start3A_2308 : memref<1x128xi32, #tpu.memory_space<vmem>> -> memref<128xi32, #tpu.memory_space<vmem>>
      %dma_start3A_2310 = arith.constant 0 : i32
      %dma_start3A_2311 = arith.constant 0 : i32
      %dma_start3A_2312 = tpu.memref_slice %arg11[%dma_start3A_2310, %dma_start3A_2311] : memref<1040x128xf32, #tpu.memory_space<vmem_shared>> -> memref<1040x128xf32, #tpu.memory_space<vmem_shared>>
      tpu.enqueue_indirect_dma source(%dma_start3A_2306 : memref<128x128xf32, #tpu.memory_space<vmem>>) target(%dma_start3A_2312 : memref<1040x128xf32, #tpu.memory_space<vmem_shared>>) offsets(%dma_start3A_2309 : memref<128xi32, #tpu.memory_space<vmem>>) semaphore(%arg16 : memref<!tpu.dma_semaphore, #tpu.memory_space<semaphore_mem>>) {add = true}
      %dma_wait3A_2313 = arith.constant 3 : i32
      %dma_wait3A_2314 = arith.constant 3 : i32
      %dma_wait3A_2315 = arith.constant 0 : i32
      %dma_wait3A_2316 = arith.constant 0 : i32
      %dma_wait3A_2317 = tpu.memref_slice %arg9[%dma_wait3A_2313, %dma_wait3A_2315, %dma_wait3A_2316] : memref<4x128x128xf32, #tpu.memory_space<vmem>> -> memref<1x128x128xf32, #tpu.memory_space<vmem>>
      %dma_wait3A_2318 = tpu.memref_squeeze %dma_wait3A_2317 : memref<1x128x128xf32, #tpu.memory_space<vmem>> -> memref<128x128xf32, #tpu.memory_space<vmem>>
      %dma_wait3A_2319 = arith.constant 0 : i32
      %dma_wait3A_2320 = tpu.memref_slice %arg8[%dma_wait3A_2314, %dma_wait3A_2319] : memref<4x128xi32, #tpu.memory_space<vmem>> -> memref<1x128xi32, #tpu.memory_space<vmem>>
      %dma_wait3A_2321 = tpu.memref_squeeze %dma_wait3A_2320 : memref<1x128xi32, #tpu.memory_space<vmem>> -> memref<128xi32, #tpu.memory_space<vmem>>
      %dma_wait3A_2322 = arith.constant 0 : i32
      %dma_wait3A_2323 = arith.constant 0 : i32
      %dma_wait3A_2324 = tpu.memref_slice %arg11[%dma_wait3A_2322, %dma_wait3A_2323] : memref<1040x128xf32, #tpu.memory_space<vmem_shared>> -> memref<1040x128xf32, #tpu.memory_space<vmem_shared>>
      tpu.wait_indirect_dma semaphore(%arg19 : memref<!tpu.dma_semaphore, #tpu.memory_space<semaphore_mem>>) src(%dma_wait3A_2318 : memref<128x128xf32, #tpu.memory_space<vmem>>) dst(%dma_wait3A_2324 : memref<1040x128xf32, #tpu.memory_space<vmem_shared>>)
      %add3A_2325 = arith.addi %mul3A_8, %add3A_2060 : i32
      %add3A_2326 = arith.constant 3 : i32
      %add3A_2327 = arith.addi %add3A_2325, %add3A_2326 : i32
      %mul3A_2328 = arith.constant 128 : i32
      %mul3A_2329 = arith.muli %add3A_2327, %mul3A_2328 : i32
      %min3A_2330 = arith.constant 99872 : i32
      %min3A_2331 = arith.minsi %mul3A_2329, %min3A_2330 : i32
      %dma_start3A_2332 = arith.constant 3 : i32
      %dma_start3A_2333 = arith.constant 0 : i32
      %dma_start3A_2334 = arith.constant 0 : i32
      %dma_start3A_2335 = tpu.memref_slice %arg9[%dma_start3A_2332, %dma_start3A_2333, %dma_start3A_2334] : memref<4x128x128xf32, #tpu.memory_space<vmem>> -> memref<1x128x128xf32, #tpu.memory_space<vmem>>
      %dma_start3A_2336 = tpu.memref_squeeze %dma_start3A_2335 : memref<1x128x128xf32, #tpu.memory_space<vmem>> -> memref<128x128xf32, #tpu.memory_space<vmem>>
      %dma_start3A_2337 = arith.constant 0 : i32
      %dma_start3A_2338 = tpu.memref_slice %arg4[%min3A_2331, %dma_start3A_2337] : memref<100000x128xf32, #tpu.memory_space<hbm>> -> memref<128x128xf32, #tpu.memory_space<hbm>>
      %dma_start3A_2339 = arith.constant 0 : i32
      %dma_start3A_2340 = arith.constant 0 : i32
      %dma_start3A_2341 = tpu.memref_slice %arg9[%dma_start3A_2332, %dma_start3A_2339, %dma_start3A_2340] : memref<4x128x128xf32, #tpu.memory_space<vmem>> -> memref<1x128x128xf32, #tpu.memory_space<vmem>>
      %dma_start3A_2342 = tpu.memref_squeeze %dma_start3A_2341 : memref<1x128x128xf32, #tpu.memory_space<vmem>> -> memref<128x128xf32, #tpu.memory_space<vmem>>
      %dma_start3A_2343 = arith.constant 0 : i32
      %dma_start3A_2344 = tpu.memref_slice %arg4[%min3A_2331, %dma_start3A_2343] : memref<100000x128xf32, #tpu.memory_space<hbm>> -> memref<128x128xf32, #tpu.memory_space<hbm>>
      tpu.enqueue_dma source(%dma_start3A_2344 : memref<128x128xf32, #tpu.memory_space<hbm>>) target(%dma_start3A_2342 : memref<128x128xf32, #tpu.memory_space<vmem>>) target_semaphore(%arg15 : memref<!tpu.dma_semaphore, #tpu.memory_space<semaphore_mem>>)
    }
    %scan3A_1123 = arith.constant 6 : i32
    %dma_wait3A_1124 = arith.constant 0 : i32
    %dma_wait3A_1125 = arith.constant 0 : i32
    %dma_wait3A_1126 = arith.constant 0 : i32
    %dma_wait3A_1127 = arith.constant 0 : i32
    %dma_wait3A_1128 = tpu.memref_slice %arg9[%dma_wait3A_1124, %dma_wait3A_1126, %dma_wait3A_1127] : memref<4x128x128xf32, #tpu.memory_space<vmem>> -> memref<1x128x128xf32, #tpu.memory_space<vmem>>
    %dma_wait3A_1129 = tpu.memref_squeeze %dma_wait3A_1128 : memref<1x128x128xf32, #tpu.memory_space<vmem>> -> memref<128x128xf32, #tpu.memory_space<vmem>>
    %dma_wait3A_1130 = arith.constant 0 : i32
    %dma_wait3A_1131 = tpu.memref_slice %arg8[%dma_wait3A_1125, %dma_wait3A_1130] : memref<4x128xi32, #tpu.memory_space<vmem>> -> memref<1x128xi32, #tpu.memory_space<vmem>>
    %dma_wait3A_1132 = tpu.memref_squeeze %dma_wait3A_1131 : memref<1x128xi32, #tpu.memory_space<vmem>> -> memref<128xi32, #tpu.memory_space<vmem>>
    %dma_wait3A_1133 = arith.constant 0 : i32
    %dma_wait3A_1134 = arith.constant 0 : i32
    %dma_wait3A_1135 = tpu.memref_slice %arg11[%dma_wait3A_1133, %dma_wait3A_1134] : memref<1040x128xf32, #tpu.memory_space<vmem_shared>> -> memref<1040x128xf32, #tpu.memory_space<vmem_shared>>
    tpu.wait_indirect_dma semaphore(%arg16 : memref<!tpu.dma_semaphore, #tpu.memory_space<semaphore_mem>>) src(%dma_wait3A_1129 : memref<128x128xf32, #tpu.memory_space<vmem>>) dst(%dma_wait3A_1135 : memref<1040x128xf32, #tpu.memory_space<vmem_shared>>)
    %dma_wait3A_1136 = arith.constant 1 : i32
    %dma_wait3A_1137 = arith.constant 0 : i32
    %dma_wait3A_1138 = arith.constant 0 : i32
    %dma_wait3A_1139 = tpu.memref_slice %arg9[%dma_wait3A_1136, %dma_wait3A_1137, %dma_wait3A_1138] : memref<4x128x128xf32, #tpu.memory_space<vmem>> -> memref<1x128x128xf32, #tpu.memory_space<vmem>>
    %dma_wait3A_1140 = tpu.memref_squeeze %dma_wait3A_1139 : memref<1x128x128xf32, #tpu.memory_space<vmem>> -> memref<128x128xf32, #tpu.memory_space<vmem>>
    %dma_wait3A_1141 = arith.constant 0 : i32
    %dma_wait3A_1142 = arith.constant 0 : i32
    %dma_wait3A_1143 = tpu.memref_slice %arg4[%dma_wait3A_1141, %dma_wait3A_1142] : memref<100000x128xf32, #tpu.memory_space<hbm>> -> memref<128x128xf32, #tpu.memory_space<hbm>>
    %dma_wait3A_1144 = arith.constant 0 : i32
    %dma_wait3A_1145 = arith.constant 0 : i32
    %dma_wait3A_1146 = tpu.memref_slice %arg9[%dma_wait3A_1136, %dma_wait3A_1144, %dma_wait3A_1145] : memref<4x128x128xf32, #tpu.memory_space<vmem>> -> memref<1x128x128xf32, #tpu.memory_space<vmem>>
    %dma_wait3A_1147 = tpu.memref_squeeze %dma_wait3A_1146 : memref<1x128x128xf32, #tpu.memory_space<vmem>> -> memref<128x128xf32, #tpu.memory_space<vmem>>
    %dma_wait3A_1148 = arith.constant 0 : i32
    %dma_wait3A_1149 = arith.constant 0 : i32
    %dma_wait3A_1150 = tpu.memref_slice %arg4[%dma_wait3A_1148, %dma_wait3A_1149] : memref<100000x128xf32, #tpu.memory_space<hbm>> -> memref<128x128xf32, #tpu.memory_space<hbm>>
    tpu.wait_dma2 semaphore(%arg13 : memref<!tpu.dma_semaphore, #tpu.memory_space<semaphore_mem>>) src(%dma_wait3A_1150 : memref<128x128xf32, #tpu.memory_space<hbm>>) dst(%dma_wait3A_1147 : memref<128x128xf32, #tpu.memory_space<vmem>>)
    %dma_wait3A_1151 = arith.constant 2 : i32
    %dma_wait3A_1152 = arith.constant 0 : i32
    %dma_wait3A_1153 = arith.constant 0 : i32
    %dma_wait3A_1154 = tpu.memref_slice %arg9[%dma_wait3A_1151, %dma_wait3A_1152, %dma_wait3A_1153] : memref<4x128x128xf32, #tpu.memory_space<vmem>> -> memref<1x128x128xf32, #tpu.memory_space<vmem>>
    %dma_wait3A_1155 = tpu.memref_squeeze %dma_wait3A_1154 : memref<1x128x128xf32, #tpu.memory_space<vmem>> -> memref<128x128xf32, #tpu.memory_space<vmem>>
    %dma_wait3A_1156 = arith.constant 0 : i32
    %dma_wait3A_1157 = arith.constant 0 : i32
    %dma_wait3A_1158 = tpu.memref_slice %arg4[%dma_wait3A_1156, %dma_wait3A_1157] : memref<100000x128xf32, #tpu.memory_space<hbm>> -> memref<128x128xf32, #tpu.memory_space<hbm>>
    %dma_wait3A_1159 = arith.constant 0 : i32
    %dma_wait3A_1160 = arith.constant 0 : i32
    %dma_wait3A_1161 = tpu.memref_slice %arg9[%dma_wait3A_1151, %dma_wait3A_1159, %dma_wait3A_1160] : memref<4x128x128xf32, #tpu.memory_space<vmem>> -> memref<1x128x128xf32, #tpu.memory_space<vmem>>
    %dma_wait3A_1162 = tpu.memref_squeeze %dma_wait3A_1161 : memref<1x128x128xf32, #tpu.memory_space<vmem>> -> memref<128x128xf32, #tpu.memory_space<vmem>>
    %dma_wait3A_1163 = arith.constant 0 : i32
    %dma_wait3A_1164 = arith.constant 0 : i32
    %dma_wait3A_1165 = tpu.memref_slice %arg4[%dma_wait3A_1163, %dma_wait3A_1164] : memref<100000x128xf32, #tpu.memory_space<hbm>> -> memref<128x128xf32, #tpu.memory_space<hbm>>
    tpu.wait_dma2 semaphore(%arg14 : memref<!tpu.dma_semaphore, #tpu.memory_space<semaphore_mem>>) src(%dma_wait3A_1165 : memref<128x128xf32, #tpu.memory_space<hbm>>) dst(%dma_wait3A_1162 : memref<128x128xf32, #tpu.memory_space<vmem>>)
    %dma_wait3A_1166 = arith.constant 3 : i32
    %dma_wait3A_1167 = arith.constant 0 : i32
    %dma_wait3A_1168 = arith.constant 0 : i32
    %dma_wait3A_1169 = tpu.memref_slice %arg9[%dma_wait3A_1166, %dma_wait3A_1167, %dma_wait3A_1168] : memref<4x128x128xf32, #tpu.memory_space<vmem>> -> memref<1x128x128xf32, #tpu.memory_space<vmem>>
    %dma_wait3A_1170 = tpu.memref_squeeze %dma_wait3A_1169 : memref<1x128x128xf32, #tpu.memory_space<vmem>> -> memref<128x128xf32, #tpu.memory_space<vmem>>
    %dma_wait3A_1171 = arith.constant 0 : i32
    %dma_wait3A_1172 = arith.constant 0 : i32
    %dma_wait3A_1173 = tpu.memref_slice %arg4[%dma_wait3A_1171, %dma_wait3A_1172] : memref<100000x128xf32, #tpu.memory_space<hbm>> -> memref<128x128xf32, #tpu.memory_space<hbm>>
    %dma_wait3A_1174 = arith.constant 0 : i32
    %dma_wait3A_1175 = arith.constant 0 : i32
    %dma_wait3A_1176 = tpu.memref_slice %arg9[%dma_wait3A_1166, %dma_wait3A_1174, %dma_wait3A_1175] : memref<4x128x128xf32, #tpu.memory_space<vmem>> -> memref<1x128x128xf32, #tpu.memory_space<vmem>>
    %dma_wait3A_1177 = tpu.memref_squeeze %dma_wait3A_1176 : memref<1x128x128xf32, #tpu.memory_space<vmem>> -> memref<128x128xf32, #tpu.memory_space<vmem>>
    %dma_wait3A_1178 = arith.constant 0 : i32
    %dma_wait3A_1179 = arith.constant 0 : i32
    %dma_wait3A_1180 = tpu.memref_slice %arg4[%dma_wait3A_1178, %dma_wait3A_1179] : memref<100000x128xf32, #tpu.memory_space<hbm>> -> memref<128x128xf32, #tpu.memory_space<hbm>>
    tpu.wait_dma2 semaphore(%arg15 : memref<!tpu.dma_semaphore, #tpu.memory_space<semaphore_mem>>) src(%dma_wait3A_1180 : memref<128x128xf32, #tpu.memory_space<hbm>>) dst(%dma_wait3A_1177 : memref<128x128xf32, #tpu.memory_space<vmem>>)
    %barrier3A_1181 = arith.constant 0 : index
    tpu.barrier barrier_id(%barrier3A_1181)
    %mul3A_1182 = arith.constant 64 : i32
    %mul3A_1183 = arith.muli %arg1, %mul3A_1182 : i32
    "tpu.region"() ({
      %run_scoped3A = tpu.sem_alloc : memref<!tpu.dma_semaphore, #tpu.memory_space<semaphore_mem>>
      %dma_start3A_1184 = arith.constant 0 : i32
      %dma_start3A_1185 = tpu.memref_slice %arg5[%arg0, %mul3A_1183, %dma_start3A_1184] : memref<2x1024x128xf32, #tpu.memory_space<hbm>> -> memref<1x64x128xf32, #tpu.memory_space<hbm>>
      %dma_start3A_1186 = tpu.memref_squeeze %dma_start3A_1185 : memref<1x64x128xf32, #tpu.memory_space<hbm>> -> memref<64x128xf32, #tpu.memory_space<hbm>>
      %dma_start3A_1187 = arith.constant 0 : i32
      %dma_start3A_1188 = tpu.memref_slice %arg11[%mul3A_1183, %dma_start3A_1187] : memref<1040x128xf32, #tpu.memory_space<vmem_shared>> -> memref<64x128xf32, #tpu.memory_space<vmem_shared>>
      tpu.enqueue_dma source(%dma_start3A_1188 : memref<64x128xf32, #tpu.memory_space<vmem_shared>>) target(%dma_start3A_1186 : memref<64x128xf32, #tpu.memory_space<hbm>>) target_semaphore(%run_scoped3A : memref<!tpu.dma_semaphore, #tpu.memory_space<semaphore_mem>>)
      %dma_wait3A_1189 = arith.constant 0 : i32
      %dma_wait3A_1190 = tpu.memref_slice %arg5[%arg0, %mul3A_1183, %dma_wait3A_1189] : memref<2x1024x128xf32, #tpu.memory_space<hbm>> -> memref<1x64x128xf32, #tpu.memory_space<hbm>>
      %dma_wait3A_1191 = tpu.memref_squeeze %dma_wait3A_1190 : memref<1x64x128xf32, #tpu.memory_space<hbm>> -> memref<64x128xf32, #tpu.memory_space<hbm>>
      %dma_wait3A_1192 = arith.constant 0 : i32
      %dma_wait3A_1193 = tpu.memref_slice %arg11[%mul3A_1183, %dma_wait3A_1192] : memref<1040x128xf32, #tpu.memory_space<vmem_shared>> -> memref<64x128xf32, #tpu.memory_space<vmem_shared>>
      tpu.wait_dma2 semaphore(%run_scoped3A : memref<!tpu.dma_semaphore, #tpu.memory_space<semaphore_mem>>) src(%dma_wait3A_1193 : memref<64x128xf32, #tpu.memory_space<vmem_shared>>) dst(%dma_wait3A_1191 : memref<64x128xf32, #tpu.memory_space<hbm>>)
      tpu.yield
    }) : () -> ()
    return
  }
}

module attributes {stable_mosaic.version = 14 : i64} {
  func.func @_mlp_body(%arg0: memref<2x1024x128xf32, #tpu.memory_space<vmem>>, %arg1: memref<128x128xf32, #tpu.memory_space<vmem>>, %arg2: memref<1x128xf32, #tpu.memory_space<vmem>>, %arg3: memref<1x128xf32, #tpu.memory_space<vmem>>, %arg4: memref<64x1xf32, #tpu.memory_space<vmem>>) attributes {dimension_semantics = [], scalar_prefetch = 0 : i64, scratch_operands = 0 : i64, tpu.core_type = #tpu.core_type<tc>} {
    %get3A = arith.constant 0 : index
    %get3A_0 = arith.constant 0 : index
    %get3A_1 = arith.constant 0 : index
    %get3A_2 = vector.load %arg0[%get3A, %get3A_0, %get3A_1] : memref<2x1024x128xf32, #tpu.memory_space<vmem>>, vector<1x1024x128xf32>
    %get3A_3 = vector.shape_cast %get3A_2 : vector<1x1024x128xf32> to vector<1024x128xf32>
    %get3A_4 = arith.constant 1 : index
    %get3A_5 = arith.constant 0 : index
    %get3A_6 = arith.constant 0 : index
    %get3A_7 = vector.load %arg0[%get3A_4, %get3A_5, %get3A_6] : memref<2x1024x128xf32, #tpu.memory_space<vmem>>, vector<1x1024x128xf32>
    %get3A_8 = vector.shape_cast %get3A_7 : vector<1x1024x128xf32> to vector<1024x128xf32>
    %add3A = arith.addf %get3A_3, %get3A_8 : vector<1024x128xf32>
    %get3A_9 = arith.constant 0 : index
    %get3A_10 = arith.constant 0 : index
    %get3A_11 = vector.load %arg1[%get3A_9, %get3A_10] : memref<128x128xf32, #tpu.memory_space<vmem>>, vector<128x128xf32>
    %transpose3A = tpu.transpose %get3A_11, [1, 0] : vector<128x128xf32> -> vector<128x128xf32>
    %dot_general3A = arith.constant dense<0.000000e+00> : vector<1024x128xf32>
    %dot_general3A_12 = tpu.matmul %add3A, %transpose3A, %dot_general3A {dimension_numbers = #tpu.dot_dimension_numbers<[1], [0], [0], [1], [0, 0, 1, 1], [], []>, transpose_lhs_hint = false} : vector<1024x128xf32>, vector<128x128xf32>, vector<1024x128xf32> -> vector<1024x128xf32>
    %get3A_13 = arith.constant 0 : index
    %get3A_14 = arith.constant 0 : index
    %get3A_15 = vector.load %arg2[%get3A_13, %get3A_14] : memref<1x128xf32, #tpu.memory_space<vmem>>, vector<1x128xf32>
    %add3A_16 = vector.broadcast %get3A_15 : vector<1x128xf32> to vector<1024x128xf32>
    %add3A_17 = arith.addf %dot_general3A_12, %add3A_16 : vector<1024x128xf32>
    %ge3A = arith.constant 0.000000e+00 : f32
    %ge3A_18 = vector.broadcast %ge3A : f32 to vector<1024x128xf32>
    %ge3A_19 = arith.cmpf oge, %add3A_17, %ge3A_18 : vector<1024x128xf32>
    %mul3A = arith.constant 0.00999999977 : f32
    %mul3A_20 = vector.broadcast %mul3A : f32 to vector<1024x128xf32>
    %mul3A_21 = arith.mulf %mul3A_20, %add3A_17 : vector<1024x128xf32>
    %select_n3A = arith.select %ge3A_19, %add3A_17, %mul3A_21 : vector<1024x128xi1>, vector<1024x128xf32>
    %iota3A = tpu.iota {dimensions = array<i32: 1>} : vector<64x1024xi32>
    %iota3A_22 = tpu.iota {dimensions = array<i32: 0>} : vector<64x1024xi32>
    %jit3A = arith.constant 16 : i32
    %div3A = vector.broadcast %jit3A : i32 to vector<64x1024xi32>
    %div3A_23 = arith.divsi %iota3A, %div3A : vector<64x1024xi32>
    %sign3A = arith.constant 0 : i32
    %sign3A_24 = vector.broadcast %sign3A : i32 to vector<64x1024xi32>
    %sign3A_25 = arith.cmpi sgt, %iota3A, %sign3A_24 : vector<64x1024xi32>
    %sign3A_26 = arith.extui %sign3A_25 : vector<64x1024xi1> to vector<64x1024xi32>
    %sign3A_27 = arith.constant 0 : i32
    %sign3A_28 = vector.broadcast %sign3A_27 : i32 to vector<64x1024xi32>
    %sign3A_29 = arith.cmpi slt, %iota3A, %sign3A_28 : vector<64x1024xi32>
    %sign3A_30 = arith.extui %sign3A_29 : vector<64x1024xi1> to vector<64x1024xi32>
    %sign3A_31 = arith.subi %sign3A_26, %sign3A_30 : vector<64x1024xi32>
    %sign3A_32 = arith.constant 0 : i32
    %sign3A_33 = arith.cmpi sgt, %jit3A, %sign3A_32 : i32
    %sign3A_34 = arith.extui %sign3A_33 : i1 to i32
    %sign3A_35 = arith.constant 0 : i32
    %sign3A_36 = arith.cmpi slt, %jit3A, %sign3A_35 : i32
    %sign3A_37 = arith.extui %sign3A_36 : i1 to i32
    %sign3A_38 = arith.subi %sign3A_34, %sign3A_37 : i32
    %ne3A = vector.broadcast %sign3A_38 : i32 to vector<64x1024xi32>
    %ne3A_39 = arith.cmpi ne, %sign3A_31, %ne3A : vector<64x1024xi32>
    %rem3A = vector.broadcast %jit3A : i32 to vector<64x1024xi32>
    %rem3A_40 = arith.remsi %iota3A, %rem3A : vector<64x1024xi32>
    %ne3A_41 = arith.constant 0 : i32
    %ne3A_42 = vector.broadcast %ne3A_41 : i32 to vector<64x1024xi32>
    %ne3A_43 = arith.cmpi ne, %rem3A_40, %ne3A_42 : vector<64x1024xi32>
    %and3A = arith.andi %ne3A_39, %ne3A_43 : vector<64x1024xi1>
    %sub3A = arith.constant 1 : i32
    %sub3A_44 = vector.broadcast %sub3A : i32 to vector<64x1024xi32>
    %sub3A_45 = arith.subi %div3A_23, %sub3A_44 : vector<64x1024xi32>
    %select_n3A_46 = arith.select %and3A, %sub3A_45, %div3A_23 : vector<64x1024xi1>, vector<64x1024xi32>
    %eq3A = arith.cmpi eq, %select_n3A_46, %iota3A_22 : vector<64x1024xi32>
    %jit3A_47 = arith.constant 1.000000e+00 : f32
    %jit3A_48 = arith.constant 0.000000e+00 : f32
    %broadcast_in_dim3A = vector.broadcast %jit3A_47 : f32 to vector<64x1024xf32>
    %broadcast_in_dim3A_49 = vector.broadcast %jit3A_48 : f32 to vector<64x1024xf32>
    %select_n3A_50 = arith.select %eq3A, %broadcast_in_dim3A, %broadcast_in_dim3A_49 : vector<64x1024xi1>, vector<64x1024xf32>
    %dot_general3A_51 = arith.constant dense<0.000000e+00> : vector<64x128xf32>
    %dot_general3A_52 = tpu.matmul %select_n3A_50, %select_n3A, %dot_general3A_51 {dimension_numbers = #tpu.dot_dimension_numbers<[1], [0], [0], [1], [0, 0, 1, 1], [], []>, transpose_lhs_hint = false} : vector<64x1024xf32>, vector<1024x128xf32>, vector<64x128xf32> -> vector<64x128xf32>
    %get3A_53 = arith.constant 0 : index
    %get3A_54 = arith.constant 0 : index
    %get3A_55 = vector.load %arg3[%get3A_53, %get3A_54] : memref<1x128xf32, #tpu.memory_space<vmem>>, vector<1x128xf32>
    %transpose3A_56 = tpu.transpose %get3A_55, [1, 0] : vector<1x128xf32> -> vector<128x1xf32>
    %dot_general3A_57 = arith.constant dense<0.000000e+00> : vector<64x1xf32>
    %dot_general3A_58 = tpu.matmul %dot_general3A_52, %transpose3A_56, %dot_general3A_57 {dimension_numbers = #tpu.dot_dimension_numbers<[1], [0], [0], [1], [0, 0, 1, 1], [], []>, transpose_lhs_hint = false} : vector<64x128xf32>, vector<128x1xf32>, vector<64x1xf32> -> vector<64x1xf32>
    %swap3A = arith.constant 0 : index
    %swap3A_59 = arith.constant 0 : index
    %swap3A_60 = vector.load %arg4[%swap3A, %swap3A_59] : memref<64x1xf32, #tpu.memory_space<vmem>>, vector<64x1xf32>
    tpu.vector_store %arg4[%swap3A, %swap3A_59], %dot_general3A_58 {strides = array<i32>} : memref<64x1xf32, #tpu.memory_space<vmem>>, vector<64x1xf32>,
    return
  }
}

</mosaic_0001>

<sc_bundles>
// kernel: kernel.4.cloned.1.call-start
scs
__scs_entry_jumppad:
0x0: {  	(pc) =	sbr.rel $0x88, $3  }
0x1: {  	(tag) =	ssettag $0x0;
	lr =	simm.s32 $0x1  }
0x2: {  	[smem:$0x3F9B] =	sst lr;
	_ =	strace $0xD0000000  }
0x3: {  	_ = 	snop  }
0x4: {  	_ = 	snop  }
0x5: {  	_ = 	snop  }
0x6: {  	_ = 	snop  }
0x7: {  	_ = 	snop  }
__scs_overlays_trampoline_lowered:
0x8: {  	[smem:$0x3FAA] =	sst s0  }
0x9: {  	[smem:$0x3FAB] =	sst s1  }
0xa: {  	[smem:$0x3FAC] =	sst s2  }
0xb: {  	[smem:$0x3FAD] =	sst s3  }
0xc: {  	[smem:$0x3FAE] =	sst s4  }
0xd: {  	[smem:$0x3FAF] =	sst s5  }
0xe: {  	[smem:$0x3FB0] =	sst s6  }
0xf: {  	[smem:$0x3FB1] =	sst s7  }
0x10: {  	[smem:$0x3FB2] =	sst s8  }
0x11: {  	[smem:$0x3FB3] =	sst s9;
	s0 =	simm.s32 @!p0 $0x0  }
0x12: {  	s1 =	sld [smem:$0x3F99];
	s0 =	simm.s32 @p0 $0x1  }
0x13: {  	[smem:$0x3FB4] =	sst s0;
	s0 =	simm.s32 @!p1 $0x0  }
0x14: {  	s2 =	sld [smem:$0x3F98];
	s0 =	simm.s32 @p1 $0x1  }
0x15: {  	[smem:$0x3FB5] =	sst s0;
	s0 =	simm.s32 @!p2 $0x0  }
0x16: {  	s3 =	sld [smem:$0x3FDB];
	s0 =	simm.s32 @p2 $0x1  }
0x17: {  	s4 =	simm.s32 $0x1BF5;
	[smem:$0x3FB7] =	sst s0  }
0x18: {  	s0 =	sld [smem:$0x3F9A];
	_ =	swait.ge [sflag:s4], $0x0  }
0x19: {  	s7 =	sld [smem:$0x3F9B]  }
0x1a: {  	s8 =	sadd.s32 $0xFFFFE003, lr  }
0x1b: {  	s9 =	sadd.s32 $0xFFFFFEF7, lr;
	s5 =	simm.s32 $0xFFFFFFFF;
	p2 =	slt.u32 s8, $0xFFFFF086  }
0x1c: {  	p1 =	slt.u32 s9, $0xF7A;
	s5 =	simm.s32 @!p2 $0x0  }
0x1d: {  	s5 =	simm.s32 @p1 $0x1;
	p0 =	seq.s32 s7, s2  }
0x1e: {  	s7 =	smul.u32 @!p0 $0xF7A, s2;
	p2 =	seq.s32 @!p0 s5, $0x0  }
0x1f: {  	s9 =	smul.u32 $0xF7A, s1;
	s8 =	simm.s32 @!p0 $0x1BF5;
	p2 =	por !p2, p0  }
0x20: {  	[sflag:s8] =	ssyncset.s32 @!p0 $0xFFFFF086;
	s6 =	sadd.s32 @!p0 s3, s7;
	s7 =	simm.s32 @!p0 $0x108  }
0x21: {  	s3 =	sadd.s32 s3, s9;
	s6 =	sadd.s32 @!p0 $0x88, s6;
	s7 =	simm.s32 @p2 $0x1082  }
0x22: {  	[simem:s7], [sflag:s8] =	dma.local @!p0 [hbm:s6], $0xF7A  }
0x23: {  	s9 =	sor.u32 $0xD0000000, s2;
	s6 =	simm.s32 $0x108;
	_ =	swait.ge @!p0 [sflag:s8], $0x0  }
0x24: {  	s3 =	sadd.s32 $0x88, s3;
	s6 =	simm.s32 @!p1 $0x1082;
	[sflag:s4] =	ssyncset.s32 $0xFFFFF086  }
0x25: {  	[simem:s6], [sflag:s4] =	dma.local [hbm:s3], $0xF7A  }
0x26: {  	[smem:$0x3F9B] =	sst s1;
	(tag) =	ssettag s2;
	_ =	strace s9  }
0x27: {  	s1 =	sld [smem:$0x3FAB]  }
0x28: {  	s2 =	sld [smem:$0x3FAC]  }
0x29: {  	s4 =	sld [smem:$0x3FAE]  }
0x2a: {  	p0 =	seq.s32 s5, $0x0;
	s5 =	sld [smem:$0x3FAF]  }
0x2b: {  	s6 =	sld [smem:$0x3FB0]  }
0x2c: {  	s7 =	sld [smem:$0x3FB1]  }
0x2d: {  	s3 =	simm.s32 $0x108;
	s8 =	sld [smem:$0x3FB2]  }
0x2e: {  	s3 =	simm.s32 @!p0 $0x1082;
	s9 =	sld [smem:$0x3FB3]  }
0x2f: {  	lr =	sadd.s32 s0, s3;
	s0 =	sld [smem:$0x3FAA]  }
0x30: {  	s3 =	sld [smem:$0x3FAD]  }
0x31: {  	[smem:$0x3FB6] =	sst s10  }
0x32: {  	s10 =	sld [smem:$0x3FB4];
	_ =	sdelay $0x3  }
0x33: {  	p0 =	seq.s32 s10, $0x1;
	s10 =	sld [smem:$0x3FB6];
	_ =	sdelay $0x3  }
0x34: {  	[smem:$0x3FB6] =	sst s10  }
0x35: {  	s10 =	sld [smem:$0x3FB5];
	_ =	sdelay $0x3  }
0x36: {  	p1 =	seq.s32 s10, $0x1;
	s10 =	sld [smem:$0x3FB6];
	_ =	sdelay $0x3  }
0x37: {  	[smem:$0x3FB6] =	sst s10  }
0x38: {  	s10 =	sld [smem:$0x3FB7]  }
0x39: {  	_ = 	snop;
	(pc) =	sbr.ind lr, $3  }
0x3a: {  	_ = 	snop  }
0x3b: {  	_ = 	snop  }
0x3c: {  	p2 =	seq.s32 s10, $0x1;
	s10 =	sld [smem:$0x3FB6]  }
0x3d: {  	_ =	shalt  }
0x3e: {  	_ =	shalt  }
0x3f: {  	_ =	shalt  }
0x40: {  	_ =	shalt  }
0x41: {  	_ =	shalt  }
0x42: {  	_ =	shalt  }
0x43: {  	_ =	shalt  }
0x44: {  	_ =	shalt  }
0x45: {  	_ =	shalt  }
0x46: {  	_ =	shalt  }
0x47: {  	_ =	shalt  }
0x48: {  	_ =	shalt  }
0x49: {  	_ =	shalt  }
0x4a: {  	_ =	shalt  }
0x4b: {  	_ =	shalt  }
0x4c: {  	_ =	shalt  }
0x4d: {  	_ =	shalt  }
0x4e: {  	_ =	shalt  }
0x4f: {  	_ =	shalt  }
0x50: {  	_ =	shalt  }
0x51: {  	_ =	shalt  }
0x52: {  	_ =	shalt  }
0x53: {  	_ =	shalt  }
0x54: {  	_ =	shalt  }
0x55: {  	_ =	shalt  }
0x56: {  	_ =	shalt  }
0x57: {  	_ =	shalt  }
0x58: {  	_ =	shalt  }
0x59: {  	_ =	shalt  }
0x5a: {  	_ =	shalt  }
0x5b: {  	_ =	shalt  }
0x5c: {  	_ =	shalt  }
0x5d: {  	_ =	shalt  }
0x5e: {  	_ =	shalt  }
0x5f: {  	_ =	shalt  }
0x60: {  	_ =	shalt  }
0x61: {  	_ =	shalt  }
0x62: {  	_ =	shalt  }
0x63: {  	_ =	shalt  }
0x64: {  	_ =	shalt  }
0x65: {  	_ =	shalt  }
0x66: {  	_ =	shalt  }
0x67: {  	_ =	shalt  }
0x68: {  	_ =	shalt  }
0x69: {  	_ =	shalt  }
0x6a: {  	_ =	shalt  }
0x6b: {  	_ =	shalt  }
0x6c: {  	_ =	shalt  }
0x6d: {  	_ =	shalt  }
0x6e: {  	_ =	shalt  }
0x6f: {  	_ =	shalt  }
0x70: {  	_ =	shalt  }
0x71: {  	_ =	shalt  }
0x72: {  	_ =	shalt  }
0x73: {  	_ =	shalt  }
0x74: {  	_ =	shalt  }
0x75: {  	_ =	shalt  }
0x76: {  	_ =	shalt  }
0x77: {  	_ =	shalt  }
0x78: {  	_ =	shalt  }
0x79: {  	_ =	shalt  }
0x7a: {  	_ =	shalt  }
0x7b: {  	_ =	shalt  }
0x7c: {  	_ =	shalt  }
0x7d: {  	_ =	shalt  }
0x7e: {  	_ =	shalt  }
0x7f: {  	_ =	shalt  }
0x80: {  	_ =	shalt  }
0x81: {  	_ =	shalt  }
0x82: {  	_ =	shalt  }
0x83: {  	_ =	shalt  }
0x84: {  	_ =	shalt  }
0x85: {  	_ =	shalt  }
0x86: {  	_ =	shalt  }
0x87: {  	_ =	shalt  }
.Lfunc_end0:
.L_simem_size_0:
called_computation_lowered:
.L_overlay_start_0:
0x88: {  	s2 =	sld [smem:$0x3FD9]  }
0x89: {  	s3 =	sld [smem:$0x3FFE];
	_ =	sdelay $0x1  }
0x8a: {  	s1 =	srdreg.scid  }
0x8b: {  	s0 =	sand.u32 $0x1, s1  }
0x8c: {  	s17 =	sshll.u32 s0, $0xA;
	s2 =	sadd.s32 s3, s2  }
0x8d: {  	s2 =	sadd.s32 s2, s17  }
0x8e: {  	[smem:$0x3FC2] =	sst s2  }
0x8f: {  	_ = 	snop  }
0x90: {  	s2 =	sld [smem:$0x3FC9]  }
0x91: {  	s18 =	sld [smem:$0x3FC8]  }
0x92: {  	s4 =	sld [smem:$0x3FC7];
	(tm) =	ssettm $0x1  }
0x93: {  	s5 =	sld [smem:$0x3FFB];
	_ =	sdelay $0x3  }
0x94: {  	_ =	strace s5  }
0x95: {  	s5 =	sld [smem:$0x3FFC];
	_ =	sdelay $0x3  }
0x96: {  	_ =	strace s5  }
0x97: {  	s5 =	sld [smem:$0x3FFD];
	_ =	sdelay $0x3  }
0x98: {  	_ =	strace s5  }
0x99: {  	_ =	strace $0x8FFFFFFF  }
0x9a: {  	s19 =	sld [smem:$0x3FDB];
	_ =	sdelay $0x1  }
0x9b: {  	s6 =	simm.s32 $_scs_section_size  }
0x9c: {  	s7 =	simm.s32 $_size__tile_overlayer_lowered;
	s8 =	simm.s32 $_tile_overlayer_lowered  }
0x9d: {  	s22 =	simm.s32 $0x1BFF;
	s21 =	sshll.u32 s8, $0x1;
	s5 =	sadd.s32 s6, s19  }
0x9e: {  	s9 =	simm.s32 $0x0;
	s20 =	sshll.u32 s7, $0x1;
	s7 =	sadd.s32 s21, s5  }
0x9f: {  	[timem:s9], [sflag:s22] =	dma.local [hbm:s7], s20  }
0xa0: {  	_ =	swait.ge [sflag:s22], s20  }
0xa1: {  	s6 =	ssub.s32 $0x0, s20;
	[sflag:s22] =	ssyncset.done $0x0  }
0xa2: {  	[sflag:s22] =	ssyncadd.s32 s6;
	_ =	sdelay $0x1  }
0xa3: {  	s23 =	simm.s32 $0x1B8B  }
0xa4: {  	_ =	swait.ge [sflag:s23], $0x1  }
0xa5: {  	[sflag:s23] =	ssyncset.done $0x0  }
0xa6: {  	s25 =	simm.s32 $0x1B8E;
	s24 =	sld [smem:$0x3FFE];
	[sflag:s23] =	ssyncadd.s32 $0xFFFFFFFF  }
0xa7: {  	s26 =	simm.s32 $execute0_lowered;
	[smem:$0x3FD2] =	sst s25  }
0xa8: {  	s7 =	sshll.u32 s26, $0x1;
	_ =	strace $0x80000046;
	[dreg:$0x1] =	wrdreg $0xFFFFFFFF  }
0xa9: {  	s28 =	simm.s32 $_size_execute0_lowered;
	s5 =	sadd.s32 s5, s7;
	[dreg:$0x0] =	wrdreg $0x0  }
0xaa: {  	s7 =	sshll.u32 s28, $0x1;
	[dreg:$0x2] =	wrdreg s5  }
0xab: {  	[dreg:$0x3] =	wrdreg s7  }
0xac: {  	[dreg:$0x4] =	wrdreg $0xC0  }
0xad: {  	_ =	task [dreg:s9], $0x5FFFF  }
0xae: {  	[dreg:$0x1] =	wrdreg $0xFFFFFFFF  }
0xaf: {  	[dreg:$0x0] =	wrdreg $0x60  }
0xb0: {  	[dreg:$0x2] =	wrdreg s18  }
0xb1: {  	[dreg:$0x3] =	wrdreg s4  }
0xb2: {  	[dreg:$0x4] =	wrdreg s2  }
0xb3: {  	[dreg:$0x5] =	wrdreg s24  }
0xb4: {  	[dreg:$0x6] =	wrdreg $0x123000  }
0xb5: {  	[dreg:$0x7] =	wrdreg $0x9  }
0xb6: {  	_ =	task.clear_ibuf [dreg:s9], $0x8FFFF;
	_ =	strace $0x90000046  }
0xb7: {  	s29 =	simm.s32 $0x9;
	_ =	strace $0x80000048  }
0xb8: {  	_ =	swait.ge [sflag:s29], $0x1  }
0xb9: {  	[sflag:s29] =	ssyncadd.s32 $0xFFFFFFFF  }
0xba: {  	_ =	strace $0x90000048  }
0xbb: {  	_ =	sfence  }
0xbc: {  	s30 =	sld [smem:$0x0];
	_ =	sdelay $0x2  }
0xbd: {  	s31 =	sshll.u32 s1, $0xD;
	s1 =	sshrl.u32 s1, $0x2  }
0xbe: {  	s3 =	sand.u32 $0x4000, s31;
	s1 =	sadd.s32 s1, s30  }
0xbf: {  	s0 =	sor.u32 s3, s0;
	s1 =	sshll.u32 s1, $0x11  }
0xc0: {  	s0 =	sor.u32 s1, s0  }
0xc1: {  	s0 =	sadd.s32 $0x8F2B, s0  }
0xc2: {  	[sflag:s0] =	ssyncadd.remote.s32 $0x1  }
0xc3: {  	_ =	sfence.sel $0xFFFF  }
0xc4: {  	[dreg:$0x0] =	wrdreg $0xFFFFFFFF;
	(pc) =	sbr.abs _section_cstart, $3  }
0xc5: {  	[dreg:$0x1] =	wrdreg $0xFFFFFFFF  }
0xc6: {  	_ =	task.clear_ibuf [dreg:s9], $0x2FFFF;
	_ =	strace $0x9FFFFFFF  }
0xc7: {  	(tm) =	ssettm $0x7FFFFFFF  }
tec
execute0_lowered:
.L_overlay_start_1:
0x0: {  	(tag) =	ssettag $0x1  }
0x1: {  	s0 =	rddreg [dreg:$0x0]  }
0x2: {  	s1 =	rddreg [dreg:$0x1]  }
0x3: {  	s5 =	rddreg [dreg:$0x2]  }
0x4: {  	s6 =	rddreg [dreg:$0x3];
	s13 =	stileid.u32  }
0x5: {  	s3 =	srdreg.scid;
	s2 =	rddreg [dreg:$0x4];
	s22 =	simm.s32 $0x1980  }
0x6: {  	s23 =	simm.s32 $0x1A00;
	s28 =	simm.s32 $0x1B00;
	s29 =	simm.s32 $0x5B00  }
0x7: {  	s30 =	simm.s32 $0x9B00;
	s31 =	simm.s32 $0x11B00;
	s7 =	sand.u32 $0x1, s3  }
0x8: {  	s4 =	sshll.u32 s13, $0x1;
	s3 =	simm.s32 $0x0;
	s9 =	sshll.u32 s13, $0xA  }
0x9: {  	s26 =	sshll.u32 s13, $0xD;
	s17 =	smul.u32 $0x1900, s13;
	s8 =	sor.u32 s7, s4  }
0xa: {  	[smem:$0x7FF] =	sst s3;
	s11 =	ssub.s32 $0x2, s7;
	s14 =	sadd.s32 s9, s6  }
0xb: {  	s9 =	sadd.s32 s26, s2;
	s19 =	smul.u32 $0xC80, s7;
	s7 =	sshll.u32 s7, $0xE  }
0xc: {  	s10 =	smul.u32 $0xC80, s8;
	_ =	strace $0x80000047;
	[dreg:$0x7] =	wrdreg s22  }
0xd: {  	s12 =	sshrl.u32 s11, $0x1;
	s16 =	sadd.s32 $0x800, s9;
	[dreg:$0x8] =	wrdreg s23  }
0xe: {  	s8 =	smul.u32 $0xC800, s8;
	s18 =	sadd.s32 $0x1000, s9;
	[dreg:$0xf] =	wrdreg s16  }
0xf: {  	s20 =	sadd.s32 $0x1800, s9;
	s7 =	sadd.s32 s7, s14;
	[dreg:$0x10] =	wrdreg s18  }
0x10: {  	s11 =	ssub.s32 s11, s12;
	[dreg:$0x11] =	wrdreg s20;
	s18 =	sadd.s32 $0x1800, s5  }
0x11: {  	s14 =	sadd.s32 $0xC00, s7;
	s7 =	simm.s32 $0x1900;
	s4 =	smin.u32 s10, $0x17A20  }
0x12: {  	s25 =	sadd.s32 s5, s8;
	s26 =	sor.u32 $0x30, s10;
	s5 =	sadd.s32 s8, s18  }
0x13: {  	[dreg:$0x15] =	wrdreg s14;
	s16 =	smax.u32 s11, $0x1;
	s23 =	sor.u32 $0x60, s10  }
0x14: {  	s8 =	simm.s32 $0xDB00;
	s11 =	simm.s32 $0x5;
	[dreg:$0xb] =	wrdreg s25  }
0x15: {  	s14 =	simm.s32 $0x6;
	s24 =	sshrl.u32 s4, $0x3;
	[dreg:$0x14] =	wrdreg s5  }
0x16: {  	s12 =	sadd.s32 $0x800, s25;
	s15 =	sadd.s32 $0x1000, s25;
	[dreg:$0x16] =	wrdreg s16  }
0x17: {  	v0 =	vlaneseq.u32;
	s13 =	ssub.s32 s10, s4;
	s25 =	simm.s32 $0x1A80;
	[dreg:$0xd] =	wrdreg s12  }
0x18: {  	v4 =	vor.u32 s26, v0;
	s26 =	simm.s32 $0x9;
	s5 =	simm.s32 $0x80;
	[dreg:$0xe] =	wrdreg s15  }
0x19: {  	s16 =	simm.s32 $0x4;
	s0 =	sadd.s32 s0, s24;
	[dreg:$0x9] =	wrdreg s25  }
0x1a: {  	s1 =	sadd.s32 s1, s24;
	s12 =	sor.u32 $0x10, s10;
	[dreg:$0xa] =	wrdreg s0  }
0x1b: {  	s15 =	sor.u32 $0x10, s13;
	s21 =	sadd.s32 $0x20, s13;
	[dreg:$0xc] =	wrdreg s1  }
0x1c: {  	s24 =	sadd.s32 $0x30, s13;
	s20 =	sadd.s32 $0x50, s13;
	[dreg:$0x12] =	wrdreg s21  }
0x1d: {  	s22 =	sadd.s32 $0x60, s13;
	s25 =	sor.u32 $0x70, s10;
	[dreg:$0x13] =	wrdreg s24  }
0x1e: {  	v1 =	vmov s10;
	v6 =	vor.u32 s23, v0;
	s0 =	sadd.s32 s19, s17;
	s1 =	sor.u32 $0x20, s10;
	[dreg:$0x18] =	wrdreg s20  }
0x1f: {  	vm1 =	vlt.u32 v6, v1;
	s17 =	sadd.s32 $0x40, s13;
	s19 =	sor.u32 $0x40, s10;
	[dreg:$0x19] =	wrdreg s22  }
0x20: {  	vm4 =	vlt.u32 v4, v1;
	s21 =	sor.u32 $0x50, s10;
	s24 =	sadd.s32 $0x70, s13;
	v2 =	vor.u32 s12, v0;
	v7 =	vor.u32 s25, v0;
	[dreg:$0x6] =	wrdreg s0  }
0x21: {  	s10 =	simm.s32 $0x2;
	s12 =	simm.s32 $0x3;
	[dreg:$0x17] =	wrdreg s17;
	v3 =	vor.u32 s1, v0;
	v5 =	vor.u32 s19, v0;
	v8 =	vor.u32 s21, v0  }
0x22: {  	s20 =	simm.s32 $0x0;
	[dreg:$0x1a] =	wrdreg s24;
	s1 =	simm.s32 $0xA;
	vm0 =	vlt.u32 v7, v1;
	vm6 =	vlt.u32 v2, v1;
	vm2 =	vlt.u32 v8, v1  }
0x23: {  	s0 =	simm.s32 $0x1;
	s17 =	simm.s32 $0x7;
	s19 =	simm.s32 $0x8;
	vm3 =	vlt.u32 v5, v1;
	vm5 =	vlt.u32 v3, v1;
	v1 =	vimm.f32 $0.0e+00  }
.LBB2_1:
0x24: {  	s6 =	rddreg [dreg:$0xa]  }
0x25: {  	[tilespmem:s3], [sflag:$0x9] =	stream.linear.gather [hbm4b:s6+s3], $0xC80, $0x38;
	[tilespmem:$0x14380] =	vst v63  }
0x26: {  	s22 =	rddreg [dreg:$0xc];
	s21 =	simm.s32 $0xC80  }
0x27: {  	[tilespmem:s21], [sflag:$0x9] =	stream.linear.gather [hbm4b:s22+s3], $0xC80, $0x38;
	[tilespmem:$0x14380] =	vst v63  }
0x28: {  	s23 =	rddreg [dreg:$0xb]  }
0x29: {  	[tilespmem:s28], [sflag:$0x1] =	stream.linear.gather [hbm4b:s23+s3], $0x4000, $0x38;
	[tilespmem:$0x14380] =	vst v63  }
0x2a: {  	s24 =	rddreg [dreg:$0xd]  }
0x2b: {  	[tilespmem:s29], [sflag:$0x2] =	stream.linear.gather [hbm4b:s24+s3], $0x4000, $0x38;
	[tilespmem:$0x14380] =	vst v63  }
0x2c: {  	s25 =	rddreg [dreg:$0xe]  }
0x2d: {  	[tilespmem:s30], [sflag:$0x3] =	stream.linear.gather [hbm4b:s25+s3], $0x4000, $0x38;
	[tilespmem:$0x14380] =	vst v63  }
0x2e: {  	[tilespmem:$0x11B00] =	vst v1  }
0x2f: {  	[tilespmem:$0x11B10] =	vst v1  }
0x30: {  	[tilespmem:$0x11B20] =	vst v1  }
0x31: {  	[tilespmem:$0x11B30] =	vst v1  }
0x32: {  	[tilespmem:$0x11B40] =	vst v1  }
0x33: {  	[tilespmem:$0x11B50] =	vst v1  }
0x34: {  	[tilespmem:$0x11B60] =	vst v1  }
0x35: {  	[tilespmem:$0x11B70] =	vst v1  }
0x36: {  	[tilespmem:$0x11B80] =	vst v1  }
0x37: {  	[tilespmem:$0x11B90] =	vst v1  }
0x38: {  	[tilespmem:$0x11BA0] =	vst v1  }
0x39: {  	[tilespmem:$0x11BB0] =	vst v1  }
0x3a: {  	[tilespmem:$0x11BC0] =	vst v1  }
0x3b: {  	[tilespmem:$0x11BD0] =	vst v1  }
0x3c: {  	[tilespmem:$0x11BE0] =	vst v1  }
0x3d: {  	[tilespmem:$0x11BF0] =	vst v1  }
0x3e: {  	[tilespmem:$0x11C00] =	vst v1  }
0x3f: {  	[tilespmem:$0x11C10] =	vst v1  }
0x40: {  	[tilespmem:$0x11C20] =	vst v1  }
0x41: {  	[tilespmem:$0x11C30] =	vst v1  }
0x42: {  	[tilespmem:$0x11C40] =	vst v1  }
0x43: {  	[tilespmem:$0x11C50] =	vst v1  }
0x44: {  	[tilespmem:$0x11C60] =	vst v1  }
0x45: {  	[tilespmem:$0x11C70] =	vst v1  }
0x46: {  	[tilespmem:$0x11C80] =	vst v1  }
0x47: {  	[tilespmem:$0x11C90] =	vst v1  }
0x48: {  	[tilespmem:$0x11CA0] =	vst v1  }
0x49: {  	[tilespmem:$0x11CB0] =	vst v1  }
0x4a: {  	[tilespmem:$0x11CC0] =	vst v1  }
0x4b: {  	[tilespmem:$0x11CD0] =	vst v1  }
0x4c: {  	[tilespmem:$0x11CE0] =	vst v1  }
0x4d: {  	[tilespmem:$0x11CF0] =	vst v1  }
0x4e: {  	[tilespmem:$0x11D00] =	vst v1  }
0x4f: {  	[tilespmem:$0x11D10] =	vst v1  }
0x50: {  	[tilespmem:$0x11D20] =	vst v1  }
0x51: {  	[tilespmem:$0x11D30] =	vst v1  }
0x52: {  	[tilespmem:$0x11D40] =	vst v1  }
0x53: {  	[tilespmem:$0x11D50] =	vst v1  }
0x54: {  	[tilespmem:$0x11D60] =	vst v1  }
0x55: {  	[tilespmem:$0x11D70] =	vst v1  }
0x56: {  	[tilespmem:$0x11D80] =	vst v1  }
0x57: {  	[tilespmem:$0x11D90] =	vst v1  }
0x58: {  	[tilespmem:$0x11DA0] =	vst v1  }
0x59: {  	[tilespmem:$0x11DB0] =	vst v1  }
0x5a: {  	[tilespmem:$0x11DC0] =	vst v1  }
0x5b: {  	[tilespmem:$0x11DD0] =	vst v1  }
0x5c: {  	[tilespmem:$0x11DE0] =	vst v1  }
0x5d: {  	[tilespmem:$0x11DF0] =	vst v1  }
0x5e: {  	[tilespmem:$0x11E00] =	vst v1  }
0x5f: {  	[tilespmem:$0x11E10] =	vst v1  }
0x60: {  	[tilespmem:$0x11E20] =	vst v1  }
0x61: {  	[tilespmem:$0x11E30] =	vst v1  }
0x62: {  	[tilespmem:$0x11E40] =	vst v1  }
0x63: {  	[tilespmem:$0x11E50] =	vst v1  }
0x64: {  	[tilespmem:$0x11E60] =	vst v1  }
0x65: {  	[tilespmem:$0x11E70] =	vst v1  }
0x66: {  	[tilespmem:$0x11E80] =	vst v1  }
0x67: {  	[tilespmem:$0x11E90] =	vst v1  }
0x68: {  	[tilespmem:$0x11EA0] =	vst v1  }
0x69: {  	[tilespmem:$0x11EB0] =	vst v1  }
0x6a: {  	[tilespmem:$0x11EC0] =	vst v1  }
0x6b: {  	[tilespmem:$0x11ED0] =	vst v1  }
0x6c: {  	[tilespmem:$0x11EE0] =	vst v1  }
0x6d: {  	[tilespmem:$0x11EF0] =	vst v1  }
0x6e: {  	[tilespmem:$0x11F00] =	vst v1  }
0x6f: {  	[tilespmem:$0x11F10] =	vst v1  }
0x70: {  	[tilespmem:$0x11F20] =	vst v1  }
0x71: {  	[tilespmem:$0x11F30] =	vst v1  }
0x72: {  	[tilespmem:$0x11F40] =	vst v1  }
0x73: {  	[tilespmem:$0x11F50] =	vst v1  }
0x74: {  	[tilespmem:$0x11F60] =	vst v1  }
0x75: {  	[tilespmem:$0x11F70] =	vst v1  }
0x76: {  	[tilespmem:$0x11F80] =	vst v1  }
0x77: {  	[tilespmem:$0x11F90] =	vst v1  }
0x78: {  	[tilespmem:$0x11FA0] =	vst v1  }
0x79: {  	[tilespmem:$0x11FB0] =	vst v1  }
0x7a: {  	[tilespmem:$0x11FC0] =	vst v1  }
0x7b: {  	[tilespmem:$0x11FD0] =	vst v1  }
0x7c: {  	[tilespmem:$0x11FE0] =	vst v1  }
0x7d: {  	[tilespmem:$0x11FF0] =	vst v1  }
0x7e: {  	[tilespmem:$0x12000] =	vst v1  }
0x7f: {  	[tilespmem:$0x12010] =	vst v1  }
0x80: {  	[tilespmem:$0x12020] =	vst v1  }
0x81: {  	[tilespmem:$0x12030] =	vst v1  }
0x82: {  	[tilespmem:$0x12040] =	vst v1  }
0x83: {  	[tilespmem:$0x12050] =	vst v1  }
0x84: {  	[tilespmem:$0x12060] =	vst v1  }
0x85: {  	[tilespmem:$0x12070] =	vst v1  }
0x86: {  	[tilespmem:$0x12080] =	vst v1  }
0x87: {  	[tilespmem:$0x12090] =	vst v1  }
0x88: {  	[tilespmem:$0x120A0] =	vst v1  }
0x89: {  	[tilespmem:$0x120B0] =	vst v1  }
0x8a: {  	[tilespmem:$0x120C0] =	vst v1  }
0x8b: {  	[tilespmem:$0x120D0] =	vst v1  }
0x8c: {  	[tilespmem:$0x120E0] =	vst v1  }
0x8d: {  	[tilespmem:$0x120F0] =	vst v1  }
0x8e: {  	[tilespmem:$0x12100] =	vst v1  }
0x8f: {  	[tilespmem:$0x12110] =	vst v1  }
0x90: {  	[tilespmem:$0x12120] =	vst v1  }
0x91: {  	[tilespmem:$0x12130] =	vst v1  }
0x92: {  	[tilespmem:$0x12140] =	vst v1  }
0x93: {  	[tilespmem:$0x12150] =	vst v1  }
0x94: {  	[tilespmem:$0x12160] =	vst v1  }
0x95: {  	[tilespmem:$0x12170] =	vst v1  }
0x96: {  	[tilespmem:$0x12180] =	vst v1  }
0x97: {  	[tilespmem:$0x12190] =	vst v1  }
0x98: {  	[tilespmem:$0x121A0] =	vst v1  }
0x99: {  	[tilespmem:$0x121B0] =	vst v1  }
0x9a: {  	[tilespmem:$0x121C0] =	vst v1  }
0x9b: {  	[tilespmem:$0x121D0] =	vst v1  }
0x9c: {  	[tilespmem:$0x121E0] =	vst v1  }
0x9d: {  	[tilespmem:$0x121F0] =	vst v1  }
0x9e: {  	[tilespmem:$0x12200] =	vst v1  }
0x9f: {  	[tilespmem:$0x12210] =	vst v1  }
0xa0: {  	[tilespmem:$0x12220] =	vst v1  }
0xa1: {  	[tilespmem:$0x12230] =	vst v1  }
0xa2: {  	[tilespmem:$0x12240] =	vst v1  }
0xa3: {  	[tilespmem:$0x12250] =	vst v1  }
0xa4: {  	[tilespmem:$0x12260] =	vst v1  }
0xa5: {  	[tilespmem:$0x12270] =	vst v1  }
0xa6: {  	[tilespmem:$0x12280] =	vst v1  }
0xa7: {  	[tilespmem:$0x12290] =	vst v1  }
0xa8: {  	[tilespmem:$0x122A0] =	vst v1  }
0xa9: {  	[tilespmem:$0x122B0] =	vst v1  }
0xaa: {  	[tilespmem:$0x122C0] =	vst v1  }
0xab: {  	[tilespmem:$0x122D0] =	vst v1  }
0xac: {  	[tilespmem:$0x122E0] =	vst v1  }
0xad: {  	[tilespmem:$0x122F0] =	vst v1  }
0xae: {  	[spmem:s9] =	stream.linear.scatter [tilespmem:s31], [sflag:$0xA], $0x800, $0x38;
	[tilespmem:$0x14380] =	vst v63  }
0xaf: {  	_ =	swait.ge [sflag:s1], $0x800  }
0xb0: {  	[sflag:s1] =	ssyncset.done $0x0  }
0xb1: {  	s21 =	rddreg [dreg:$0xf];
	[sflag:s1] =	ssyncadd.s32 $0xFFFFF800  }
0xb2: {  	[spmem:s21] =	stream.linear.scatter [tilespmem:s31], [sflag:$0xA], $0x800, $0x38;
	[tilespmem:$0x14380] =	vst v63  }
0xb3: {  	_ =	swait.ge [sflag:s1], $0x800  }
0xb4: {  	[sflag:s1] =	ssyncset.done $0x0  }
0xb5: {  	s22 =	rddreg [dreg:$0x10];
	[sflag:s1] =	ssyncadd.s32 $0xFFFFF800  }
0xb6: {  	[spmem:s22] =	stream.linear.scatter [tilespmem:s31], [sflag:$0xA], $0x800, $0x38;
	[tilespmem:$0x14380] =	vst v63  }
0xb7: {  	_ =	swait.ge [sflag:s1], $0x800  }
0xb8: {  	[sflag:s1] =	ssyncset.done $0x0  }
0xb9: {  	s23 =	rddreg [dreg:$0x11];
	[sflag:s1] =	ssyncadd.s32 $0xFFFFF800  }
0xba: {  	[spmem:s23] =	stream.linear.scatter [tilespmem:s31], [sflag:$0xA], $0x800, $0x38;
	[tilespmem:$0x14380] =	vst v63  }
0xbb: {  	_ =	swait.ge [sflag:s1], $0x800  }
0xbc: {  	[sflag:s1] =	ssyncset.done $0x0  }
0xbd: {  	[sflag:s1] =	ssyncadd.s32 $0xFFFFF800  }
0xbe: {  	_ =	swait.ge [sflag:s26], $0xC80  }
0xbf: {  	[sflag:s26] =	ssyncset.done $0x0  }
0xc0: {  	[sflag:s26] =	ssyncadd.s32 $0xFFFFF380  }
0xc1: {  	_ =	swait.ge [sflag:s26], $0xC80  }
0xc2: {  	[sflag:s26] =	ssyncset.done $0x0  }
0xc3: {  	[sflag:s26] =	ssyncadd.s32 $0xFFFFF380  }
0xc4: {  	[bflag:$0x0] =	sbarrier.arrive $0xFFFF  }
0xc5: {  	_ =	swait.ge [sflag:s0], $0x4000  }
0xc6: {  	[sflag:s0] =	ssyncset.done $0x0  }
0xc7: {  	[sflag:s0] =	ssyncadd.s32 $0xFFFFC000  }
0xc8: {  	v2 =	vld [tilespmem:s13+$0x0]  }
0xc9: {  	v3 =	vld [tilespmem:s13+$0xC80];
	_ =	sdelay $0x3  }
0xca: {  	v2 =	vshll.u32 v2, $0x4  }
0xcb: {  	v2 =	vadd.s32 v3, v2  }
0xcc: {  	[tilespmem:$0x1900] =	vst v2  }
0xcd: {  	v2 =	vld [tilespmem:s15+$0x0]  }
0xce: {  	v3 =	vld [tilespmem:s15+$0xC80];
	_ =	sdelay $0x3  }
0xcf: {  	v2 =	vshll.u32 v2, $0x4  }
0xd0: {  	v2 =	vadd.s32 v3, v2  }
0xd1: {  	v2 =	vsel vm6, $0x400, v2  }
0xd2: {  	[tilespmem:$0x1910] =	vst v2  }
0xd3: {  	s24 =	rddreg [dreg:$0x12];
	v2 =	vld [tilespmem:s13+$0x20]  }
0xd4: {  	v3 =	vld [tilespmem:s24+$0xC80];
	_ =	sdelay $0x3  }
0xd5: {  	v2 =	vshll.u32 v2, $0x4  }
0xd6: {  	v2 =	vadd.s32 v3, v2  }
0xd7: {  	v2 =	vsel vm5, $0x400, v2  }
0xd8: {  	[tilespmem:$0x1920] =	vst v2  }
0xd9: {  	s25 =	rddreg [dreg:$0x13];
	v2 =	vld [tilespmem:s13+$0x30]  }
0xda: {  	v3 =	vld [tilespmem:s25+$0xC80];
	_ =	sdelay $0x3  }
0xdb: {  	v2 =	vshll.u32 v2, $0x4  }
0xdc: {  	v2 =	vadd.s32 v3, v2  }
0xdd: {  	v2 =	vsel vm4, $0x400, v2  }
0xde: {  	[tilespmem:$0x1930] =	vst v2  }
0xdf: {  	s21 =	rddreg [dreg:$0x17];
	v2 =	vld [tilespmem:s13+$0x40]  }
0xe0: {  	v3 =	vld [tilespmem:s21+$0xC80];
	_ =	sdelay $0x3  }
0xe1: {  	v2 =	vshll.u32 v2, $0x4  }
0xe2: {  	v2 =	vadd.s32 v3, v2  }
0xe3: {  	v2 =	vsel vm3, $0x400, v2  }
0xe4: {  	[tilespmem:$0x1940] =	vst v2  }
0xe5: {  	s22 =	rddreg [dreg:$0x18];
	v2 =	vld [tilespmem:s13+$0x50]  }
0xe6: {  	v3 =	vld [tilespmem:s22+$0xC80];
	_ =	sdelay $0x3  }
0xe7: {  	v2 =	vshll.u32 v2, $0x4  }
0xe8: {  	v2 =	vadd.s32 v3, v2  }
0xe9: {  	v2 =	vsel vm2, $0x400, v2  }
0xea: {  	[tilespmem:$0x1950] =	vst v2  }
0xeb: {  	s23 =	rddreg [dreg:$0x19];
	v2 =	vld [tilespmem:s13+$0x60]  }
0xec: {  	v3 =	vld [tilespmem:s23+$0xC80];
	_ =	sdelay $0x3  }
0xed: {  	v2 =	vshll.u32 v2, $0x4  }
0xee: {  	v2 =	vadd.s32 v3, v2  }
0xef: {  	v2 =	vsel vm1, $0x400, v2  }
0xf0: {  	[tilespmem:$0x1960] =	vst v2  }
0xf1: {  	s24 =	rddreg [dreg:$0x1a];
	v2 =	vld [tilespmem:s13+$0x70]  }
0xf2: {  	v3 =	vld [tilespmem:s24+$0xC80];
	_ =	sdelay $0x3  }
0xf3: {  	v2 =	vshll.u32 v2, $0x4  }
0xf4: {  	v2 =	vadd.s32 v3, v2  }
0xf5: {  	v2 =	vsel vm0, $0x400, v2  }
0xf6: {  	[tilespmem:$0x1970] =	vst v2  }
0xf7: {  	[spmem:s2] =	stream.indirect.scatter.add.f32 [tilespmem:s28], [sflag:$0x5], $0x80, s7, s5, $0xb8;
	[tilespmem:$0x14380] =	vst v63  }
0xf8: {  	s25 =	rddreg [dreg:$0x14];
	s21 =	simm.s32 $0xFFFFF400  }
0xf9: {  	[tilespmem:s8], [sflag:$0x4] =	stream.linear.gather [hbm4b:s25+s3], $0x4000, $0x38;
	[tilespmem:$0x14380] =	vst v63  }
.LBB2_2:
0xfa: {  	_ =	swait.ge [sflag:s10], $0x4000  }
0xfb: {  	s22 =	rddreg [dreg:$0x6]  }
0xfc: {  	s22 =	sadd.s32 s21, s22  }
0xfd: {  	s23 =	sadd.s32 $0xC80, s22  }
0xfe: {  	p0 =	slt.s32 s23, $0x18620;
	s24 =	smov.u32 s23  }
0xff: {  	[sflag:s10] =	ssyncset.done $0x0;
	s24 =	simm.s32 @!p0 $0x18620  }
0x100: {  	[sflag:s10] =	ssyncadd.s32 $0xFFFFC000;
	s25 =	ssub.s32 s24, s4  }
0x101: {  	v2 =	vld [tilespmem:s25+$0x0]  }
0x102: {  	v3 =	vld [tilespmem:s25+$0xC80];
	_ =	sdelay $0x3  }
0x103: {  	v4 =	vor.u32 s24, v0;
	v2 =	vshll.u32 v2, $0x4  }
0x104: {  	vm7 =	vlt.u32 v4, s23;
	v2 =	vadd.s32 v3, v2  }
0x105: {  	v2 =	vsel vm7, $0x400, v2  }
0x106: {  	s6 =	sor.u32 $0x10, s25;
	[tilespmem:$0x1980] =	vst v2  }
0x107: {  	v2 =	vld [tilespmem:s6+$0x0]  }
0x108: {  	v3 =	vld [tilespmem:s25+$0xC90];
	_ =	sdelay $0x2  }
0x109: {  	s6 =	sor.u32 $0x10, s24  }
0x10a: {  	v33 =	vor.u32 s6, v0;
	v2 =	vshll.u32 v2, $0x4  }
0x10b: {  	vm7 =	vlt.u32 v33, s23;
	v2 =	vadd.s32 v3, v2  }
0x10c: {  	v2 =	vsel vm7, $0x400, v2  }
0x10d: {  	[tilespmem:$0x1990] =	vst v2  }
0x10e: {  	v2 =	vld [tilespmem:s25+$0x20]  }
0x10f: {  	v3 =	vld [tilespmem:s25+$0xCA0];
	_ =	sdelay $0x2  }
0x110: {  	s6 =	sadd.s32 $0x20, s24  }
0x111: {  	v34 =	vor.u32 s6, v0;
	v2 =	vshll.u32 v2, $0x4  }
0x112: {  	vm7 =	vlt.u32 v34, s23;
	v2 =	vadd.s32 v3, v2  }
0x113: {  	v2 =	vsel vm7, $0x400, v2  }
0x114: {  	[tilespmem:$0x19A0] =	vst v2  }
0x115: {  	v2 =	vld [tilespmem:s25+$0x30]  }
0x116: {  	v3 =	vld [tilespmem:s25+$0xCB0];
	_ =	sdelay $0x2  }
0x117: {  	s6 =	sadd.s32 $0x30, s24  }
0x118: {  	v35 =	vor.u32 s6, v0;
	v2 =	vshll.u32 v2, $0x4  }
0x119: {  	vm7 =	vlt.u32 v35, s23;
	v2 =	vadd.s32 v3, v2  }
0x11a: {  	v2 =	vsel vm7, $0x400, v2  }
0x11b: {  	[tilespmem:$0x19B0] =	vst v2  }
0x11c: {  	v2 =	vld [tilespmem:s25+$0x40]  }
0x11d: {  	v3 =	vld [tilespmem:s25+$0xCC0];
	_ =	sdelay $0x2  }
0x11e: {  	s6 =	sor.u32 $0x40, s24  }
0x11f: {  	v36 =	vor.u32 s6, v0;
	v2 =	vshll.u32 v2, $0x4  }
0x120: {  	vm7 =	vlt.u32 v36, s23;
	v2 =	vadd.s32 v3, v2  }
0x121: {  	v2 =	vsel vm7, $0x400, v2  }
0x122: {  	[tilespmem:$0x19C0] =	vst v2  }
0x123: {  	v2 =	vld [tilespmem:s25+$0x50]  }
0x124: {  	v3 =	vld [tilespmem:s25+$0xCD0];
	_ =	sdelay $0x2  }
0x125: {  	s6 =	sor.u32 $0x50, s24  }
0x126: {  	v37 =	vor.u32 s6, v0;
	v2 =	vshll.u32 v2, $0x4  }
0x127: {  	vm7 =	vlt.u32 v37, s23;
	v2 =	vadd.s32 v3, v2  }
0x128: {  	v2 =	vsel vm7, $0x400, v2  }
0x129: {  	[tilespmem:$0x19D0] =	vst v2  }
0x12a: {  	v2 =	vld [tilespmem:s25+$0x60]  }
0x12b: {  	v3 =	vld [tilespmem:s25+$0xCE0];
	_ =	sdelay $0x2  }
0x12c: {  	s6 =	sadd.s32 $0x60, s24  }
0x12d: {  	v38 =	vor.u32 s6, v0;
	v2 =	vshll.u32 v2, $0x4  }
0x12e: {  	vm7 =	vlt.u32 v38, s23;
	v2 =	vadd.s32 v3, v2  }
0x12f: {  	v2 =	vsel vm7, $0x400, v2  }
0x130: {  	[tilespmem:$0x19E0] =	vst v2  }
0x131: {  	v2 =	vld [tilespmem:s25+$0x70]  }
0x132: {  	v3 =	vld [tilespmem:s25+$0xCF0];
	_ =	sdelay $0x2  }
0x133: {  	s24 =	sadd.s32 $0x70, s24  }
0x134: {  	v39 =	vor.u32 s24, v0;
	v2 =	vshll.u32 v2, $0x4  }
0x135: {  	vm7 =	vlt.u32 v39, s23;
	v2 =	vadd.s32 v3, v2  }
0x136: {  	v2 =	vsel vm7, $0x400, v2  }
0x137: {  	p0 =	slt.s32 s23, $0x184A0;
	s25 =	rddreg [dreg:$0x7];
	[tilespmem:$0x19F0] =	vst v2  }
0x138: {  	[spmem:s2] =	stream.indirect.scatter.add.f32 [tilespmem:s29], [sflag:$0x6], $0x80, s25, s5, $0xb8;
	[tilespmem:$0x14380] =	vst v63  }
0x139: {  	s23 =	simm.s32 @!p0 $0x184A0;
	_ =	swait.ge [sflag:s11], $0x4000  }
0x13a: {  	s23 =	sshll.u32 s23, $0x4;
	[sflag:s11] =	ssyncset.done $0x0  }
0x13b: {  	s6 =	sadd.s32 s23, s18;
	s23 =	sadd.s32 $0xD00, s22;
	[sflag:s11] =	ssyncadd.s32 $0xFFFFC000  }
0x13c: {  	[tilespmem:s28], [sflag:$0x1] =	stream.linear.gather [hbm4b:s6+s3], $0x4000, $0x38;
	[tilespmem:$0x14380] =	vst v63  }
0x13d: {  	p0 =	slt.s32 s23, $0x18620;
	s24 =	smov.u32 s23;
	_ =	swait.ge [sflag:s12], $0x4000  }
0x13e: {  	s24 =	simm.s32 @!p0 $0x18620;
	[sflag:s12] =	ssyncset.done $0x0  }
0x13f: {  	s25 =	ssub.s32 s24, s4;
	[sflag:s12] =	ssyncadd.s32 $0xFFFFC000  }
0x140: {  	v2 =	vld [tilespmem:s25+$0x0]  }
0x141: {  	v3 =	vld [tilespmem:s25+$0xC80];
	_ =	sdelay $0x3  }
0x142: {  	v40 =	vor.u32 s24, v0;
	v2 =	vshll.u32 v2, $0x4  }
0x143: {  	vm7 =	vlt.u32 v40, s23;
	v2 =	vadd.s32 v3, v2  }
0x144: {  	v2 =	vsel vm7, $0x400, v2  }
0x145: {  	s6 =	sor.u32 $0x10, s25;
	[tilespmem:$0x1A00] =	vst v2  }
0x146: {  	v2 =	vld [tilespmem:s6+$0x0]  }
0x147: {  	v3 =	vld [tilespmem:s25+$0xC90];
	_ =	sdelay $0x2  }
0x148: {  	s6 =	sor.u32 $0x10, s24  }
0x149: {  	v41 =	vor.u32 s6, v0;
	v2 =	vshll.u32 v2, $0x4  }
0x14a: {  	vm7 =	vlt.u32 v41, s23;
	v2 =	vadd.s32 v3, v2  }
0x14b: {  	v2 =	vsel vm7, $0x400, v2  }
0x14c: {  	[tilespmem:$0x1A10] =	vst v2  }
0x14d: {  	v2 =	vld [tilespmem:s25+$0x20]  }
0x14e: {  	v3 =	vld [tilespmem:s25+$0xCA0];
	_ =	sdelay $0x2  }
0x14f: {  	s6 =	sadd.s32 $0x20, s24  }
0x150: {  	v42 =	vor.u32 s6, v0;
	v2 =	vshll.u32 v2, $0x4  }
0x151: {  	vm7 =	vlt.u32 v42, s23;
	v2 =	vadd.s32 v3, v2  }
0x152: {  	v2 =	vsel vm7, $0x400, v2  }
0x153: {  	[tilespmem:$0x1A20] =	vst v2  }
0x154: {  	v2 =	vld [tilespmem:s25+$0x30]  }
0x155: {  	v3 =	vld [tilespmem:s25+$0xCB0];
	_ =	sdelay $0x2  }
0x156: {  	s6 =	sadd.s32 $0x30, s24  }
0x157: {  	v43 =	vor.u32 s6, v0;
	v2 =	vshll.u32 v2, $0x4  }
0x158: {  	vm7 =	vlt.u32 v43, s23;
	v2 =	vadd.s32 v3, v2  }
0x159: {  	v2 =	vsel vm7, $0x400, v2  }
0x15a: {  	[tilespmem:$0x1A30] =	vst v2  }
0x15b: {  	v2 =	vld [tilespmem:s25+$0x40]  }
0x15c: {  	v3 =	vld [tilespmem:s25+$0xCC0];
	_ =	sdelay $0x2  }
0x15d: {  	s6 =	sor.u32 $0x40, s24  }
0x15e: {  	v44 =	vor.u32 s6, v0;
	v2 =	vshll.u32 v2, $0x4  }
0x15f: {  	vm7 =	vlt.u32 v44, s23;
	v2 =	vadd.s32 v3, v2  }
0x160: {  	v2 =	vsel vm7, $0x400, v2  }
0x161: {  	[tilespmem:$0x1A40] =	vst v2  }
0x162: {  	v2 =	vld [tilespmem:s25+$0x50]  }
0x163: {  	v3 =	vld [tilespmem:s25+$0xCD0];
	_ =	sdelay $0x2  }
0x164: {  	s6 =	sor.u32 $0x50, s24  }
0x165: {  	v45 =	vor.u32 s6, v0;
	v2 =	vshll.u32 v2, $0x4  }
0x166: {  	vm7 =	vlt.u32 v45, s23;
	v2 =	vadd.s32 v3, v2  }
0x167: {  	v2 =	vsel vm7, $0x400, v2  }
0x168: {  	[tilespmem:$0x1A50] =	vst v2  }
0x169: {  	v2 =	vld [tilespmem:s25+$0x60]  }
0x16a: {  	v3 =	vld [tilespmem:s25+$0xCE0];
	_ =	sdelay $0x2  }
0x16b: {  	s6 =	sadd.s32 $0x60, s24  }
0x16c: {  	v46 =	vor.u32 s6, v0;
	v2 =	vshll.u32 v2, $0x4  }
0x16d: {  	vm7 =	vlt.u32 v46, s23;
	v2 =	vadd.s32 v3, v2  }
0x16e: {  	v2 =	vsel vm7, $0x400, v2  }
0x16f: {  	[tilespmem:$0x1A60] =	vst v2  }
0x170: {  	v2 =	vld [tilespmem:s25+$0x70]  }
0x171: {  	v3 =	vld [tilespmem:s25+$0xCF0];
	_ =	sdelay $0x2  }
0x172: {  	s24 =	sadd.s32 $0x70, s24  }
0x173: {  	v47 =	vor.u32 s24, v0;
	v2 =	vshll.u32 v2, $0x4  }
0x174: {  	vm7 =	vlt.u32 v47, s23;
	v2 =	vadd.s32 v3, v2  }
0x175: {  	v2 =	vsel vm7, $0x400, v2  }
0x176: {  	p0 =	slt.s32 s23, $0x184A0;
	s25 =	rddreg [dreg:$0x8];
	[tilespmem:$0x1A70] =	vst v2  }
0x177: {  	[spmem:s2] =	stream.indirect.scatter.add.f32 [tilespmem:s30], [sflag:$0x7], $0x80, s25, s5, $0xb8;
	[tilespmem:$0x14380] =	vst v63  }
0x178: {  	s23 =	simm.s32 @!p0 $0x184A0;
	_ =	swait.ge [sflag:s14], $0x4000  }
0x179: {  	s23 =	sshll.u32 s23, $0x4;
	[sflag:s14] =	ssyncset.done $0x0  }
0x17a: {  	s6 =	sadd.s32 s23, s18;
	s23 =	sadd.s32 $0xD80, s22;
	[sflag:s14] =	ssyncadd.s32 $0xFFFFC000  }
0x17b: {  	[tilespmem:s29], [sflag:$0x2] =	stream.linear.gather [hbm4b:s6+s3], $0x4000, $0x38;
	[tilespmem:$0x14380] =	vst v63  }
0x17c: {  	p0 =	slt.s32 s23, $0x18620;
	s24 =	smov.u32 s23;
	_ =	swait.ge [sflag:s16], $0x4000  }
0x17d: {  	s24 =	simm.s32 @!p0 $0x18620;
	[sflag:s16] =	ssyncset.done $0x0  }
0x17e: {  	s25 =	ssub.s32 s24, s4;
	[sflag:s16] =	ssyncadd.s32 $0xFFFFC000  }
0x17f: {  	v2 =	vld [tilespmem:s25+$0x0]  }
0x180: {  	v3 =	vld [tilespmem:s25+$0xC80];
	_ =	sdelay $0x3  }
0x181: {  	v48 =	vor.u32 s24, v0;
	v2 =	vshll.u32 v2, $0x4  }
0x182: {  	vm7 =	vlt.u32 v48, s23;
	v2 =	vadd.s32 v3, v2  }
0x183: {  	v2 =	vsel vm7, $0x400, v2  }
0x184: {  	s6 =	sor.u32 $0x10, s25;
	[tilespmem:$0x1A80] =	vst v2  }
0x185: {  	v2 =	vld [tilespmem:s6+$0x0]  }
0x186: {  	v3 =	vld [tilespmem:s25+$0xC90];
	_ =	sdelay $0x2  }
0x187: {  	s6 =	sor.u32 $0x10, s24  }
0x188: {  	v49 =	vor.u32 s6, v0;
	v2 =	vshll.u32 v2, $0x4  }
0x189: {  	vm7 =	vlt.u32 v49, s23;
	v2 =	vadd.s32 v3, v2  }
0x18a: {  	v2 =	vsel vm7, $0x400, v2  }
0x18b: {  	[tilespmem:$0x1A90] =	vst v2  }
0x18c: {  	v2 =	vld [tilespmem:s25+$0x20]  }
0x18d: {  	v3 =	vld [tilespmem:s25+$0xCA0];
	_ =	sdelay $0x2  }
0x18e: {  	s6 =	sadd.s32 $0x20, s24  }
0x18f: {  	v50 =	vor.u32 s6, v0;
	v2 =	vshll.u32 v2, $0x4  }
0x190: {  	vm7 =	vlt.u32 v50, s23;
	v2 =	vadd.s32 v3, v2  }
0x191: {  	v2 =	vsel vm7, $0x400, v2  }
0x192: {  	[tilespmem:$0x1AA0] =	vst v2  }
0x193: {  	v2 =	vld [tilespmem:s25+$0x30]  }
0x194: {  	v3 =	vld [tilespmem:s25+$0xCB0];
	_ =	sdelay $0x2  }
0x195: {  	s6 =	sadd.s32 $0x30, s24  }
0x196: {  	v51 =	vor.u32 s6, v0;
	v2 =	vshll.u32 v2, $0x4  }
0x197: {  	vm7 =	vlt.u32 v51, s23;
	v2 =	vadd.s32 v3, v2  }
0x198: {  	v2 =	vsel vm7, $0x400, v2  }
0x199: {  	[tilespmem:$0x1AB0] =	vst v2  }
0x19a: {  	v2 =	vld [tilespmem:s25+$0x40]  }
0x19b: {  	v3 =	vld [tilespmem:s25+$0xCC0];
	_ =	sdelay $0x2  }
0x19c: {  	s6 =	sor.u32 $0x40, s24  }
0x19d: {  	v52 =	vor.u32 s6, v0;
	v2 =	vshll.u32 v2, $0x4  }
0x19e: {  	vm7 =	vlt.u32 v52, s23;
	v2 =	vadd.s32 v3, v2  }
0x19f: {  	v2 =	vsel vm7, $0x400, v2  }
0x1a0: {  	[tilespmem:$0x1AC0] =	vst v2  }
0x1a1: {  	v2 =	vld [tilespmem:s25+$0x50]  }
0x1a2: {  	v3 =	vld [tilespmem:s25+$0xCD0];
	_ =	sdelay $0x2  }
0x1a3: {  	s6 =	sor.u32 $0x50, s24  }
0x1a4: {  	v53 =	vor.u32 s6, v0;
	v2 =	vshll.u32 v2, $0x4  }
0x1a5: {  	vm7 =	vlt.u32 v53, s23;
	v2 =	vadd.s32 v3, v2  }
0x1a6: {  	v2 =	vsel vm7, $0x400, v2  }
0x1a7: {  	[tilespmem:$0x1AD0] =	vst v2  }
0x1a8: {  	v2 =	vld [tilespmem:s25+$0x60]  }
0x1a9: {  	v3 =	vld [tilespmem:s25+$0xCE0];
	_ =	sdelay $0x2  }
0x1aa: {  	s6 =	sadd.s32 $0x60, s24  }
0x1ab: {  	v54 =	vor.u32 s6, v0;
	v2 =	vshll.u32 v2, $0x4  }
0x1ac: {  	vm7 =	vlt.u32 v54, s23;
	v2 =	vadd.s32 v3, v2  }
0x1ad: {  	v2 =	vsel vm7, $0x400, v2  }
0x1ae: {  	[tilespmem:$0x1AE0] =	vst v2  }
0x1af: {  	v2 =	vld [tilespmem:s25+$0x70]  }
0x1b0: {  	v3 =	vld [tilespmem:s25+$0xCF0];
	_ =	sdelay $0x2  }
0x1b1: {  	s24 =	sadd.s32 $0x70, s24  }
0x1b2: {  	v55 =	vor.u32 s24, v0;
	v2 =	vshll.u32 v2, $0x4  }
0x1b3: {  	vm7 =	vlt.u32 v55, s23;
	v2 =	vadd.s32 v3, v2  }
0x1b4: {  	v2 =	vsel vm7, $0x400, v2  }
0x1b5: {  	p0 =	slt.s32 s23, $0x184A0;
	s25 =	rddreg [dreg:$0x9];
	[tilespmem:$0x1AF0] =	vst v2  }
0x1b6: {  	[spmem:s2] =	stream.indirect.scatter.add.f32 [tilespmem:s8], [sflag:$0x8], $0x80, s25, s5, $0xb8;
	[tilespmem:$0x14380] =	vst v63  }
0x1b7: {  	s23 =	simm.s32 @!p0 $0x184A0;
	_ =	swait.ge [sflag:s17], $0x4000  }
0x1b8: {  	s24 =	sshll.u32 s23, $0x4;
	[sflag:s17] =	ssyncset.done $0x0  }
0x1b9: {  	s22 =	sadd.s32 $0xE00, s22;
	s6 =	sadd.s32 s24, s18;
	[sflag:s17] =	ssyncadd.s32 $0xFFFFC000  }
0x1ba: {  	[tilespmem:s30], [sflag:$0x3] =	stream.linear.gather [hbm4b:s6+s3], $0x4000, $0x38;
	[tilespmem:$0x14380] =	vst v63  }
0x1bb: {  	p0 =	slt.s32 s22, $0x18620;
	s23 =	smov.u32 s22;
	_ =	swait.ge [sflag:s0], $0x4000  }
0x1bc: {  	s23 =	simm.s32 @!p0 $0x18620;
	[sflag:s0] =	ssyncset.done $0x0  }
0x1bd: {  	s24 =	ssub.s32 s23, s4;
	[sflag:s0] =	ssyncadd.s32 $0xFFFFC000  }
0x1be: {  	v2 =	vld [tilespmem:s24+$0x0]  }
0x1bf: {  	v3 =	vld [tilespmem:s24+$0xC80];
	_ =	sdelay $0x3  }
0x1c0: {  	v56 =	vor.u32 s23, v0;
	v2 =	vshll.u32 v2, $0x4  }
0x1c1: {  	vm7 =	vlt.u32 v56, s22;
	v2 =	vadd.s32 v3, v2  }
0x1c2: {  	v2 =	vsel vm7, $0x400, v2  }
0x1c3: {  	s25 =	sor.u32 $0x10, s24;
	[tilespmem:$0x1900] =	vst v2  }
0x1c4: {  	v2 =	vld [tilespmem:s25+$0x0]  }
0x1c5: {  	v3 =	vld [tilespmem:s24+$0xC90];
	_ =	sdelay $0x2  }
0x1c6: {  	s25 =	sor.u32 $0x10, s23  }
0x1c7: {  	v57 =	vor.u32 s25, v0;
	v2 =	vshll.u32 v2, $0x4  }
0x1c8: {  	vm7 =	vlt.u32 v57, s22;
	v2 =	vadd.s32 v3, v2  }
0x1c9: {  	v2 =	vsel vm7, $0x400, v2  }
0x1ca: {  	[tilespmem:$0x1910] =	vst v2  }
0x1cb: {  	v2 =	vld [tilespmem:s24+$0x20]  }
0x1cc: {  	v3 =	vld [tilespmem:s24+$0xCA0];
	_ =	sdelay $0x2  }
0x1cd: {  	s25 =	sadd.s32 $0x20, s23  }
0x1ce: {  	v58 =	vor.u32 s25, v0;
	v2 =	vshll.u32 v2, $0x4  }
0x1cf: {  	vm7 =	vlt.u32 v58, s22;
	v2 =	vadd.s32 v3, v2  }
0x1d0: {  	v2 =	vsel vm7, $0x400, v2  }
0x1d1: {  	[tilespmem:$0x1920] =	vst v2  }
0x1d2: {  	v2 =	vld [tilespmem:s24+$0x30]  }
0x1d3: {  	v3 =	vld [tilespmem:s24+$0xCB0];
	_ =	sdelay $0x2  }
0x1d4: {  	s25 =	sadd.s32 $0x30, s23  }
0x1d5: {  	v59 =	vor.u32 s25, v0;
	v2 =	vshll.u32 v2, $0x4  }
0x1d6: {  	vm7 =	vlt.u32 v59, s22;
	v2 =	vadd.s32 v3, v2  }
0x1d7: {  	v2 =	vsel vm7, $0x400, v2  }
0x1d8: {  	[tilespmem:$0x1930] =	vst v2  }
0x1d9: {  	v2 =	vld [tilespmem:s24+$0x40]  }
0x1da: {  	v3 =	vld [tilespmem:s24+$0xCC0];
	_ =	sdelay $0x2  }
0x1db: {  	s25 =	sor.u32 $0x40, s23  }
0x1dc: {  	v60 =	vor.u32 s25, v0;
	v2 =	vshll.u32 v2, $0x4  }
0x1dd: {  	vm7 =	vlt.u32 v60, s22;
	v2 =	vadd.s32 v3, v2  }
0x1de: {  	v2 =	vsel vm7, $0x400, v2  }
0x1df: {  	[tilespmem:$0x1940] =	vst v2  }
0x1e0: {  	v2 =	vld [tilespmem:s24+$0x50]  }
0x1e1: {  	v3 =	vld [tilespmem:s24+$0xCD0];
	_ =	sdelay $0x2  }
0x1e2: {  	s25 =	sor.u32 $0x50, s23  }
0x1e3: {  	v61 =	vor.u32 s25, v0;
	v2 =	vshll.u32 v2, $0x4  }
0x1e4: {  	vm7 =	vlt.u32 v61, s22;
	v2 =	vadd.s32 v3, v2  }
0x1e5: {  	v2 =	vsel vm7, $0x400, v2  }
0x1e6: {  	[tilespmem:$0x1950] =	vst v2  }
0x1e7: {  	v2 =	vld [tilespmem:s24+$0x60]  }
0x1e8: {  	v3 =	vld [tilespmem:s24+$0xCE0];
	_ =	sdelay $0x2  }
0x1e9: {  	s25 =	sadd.s32 $0x60, s23  }
0x1ea: {  	v62 =	vor.u32 s25, v0;
	v2 =	vshll.u32 v2, $0x4  }
0x1eb: {  	vm7 =	vlt.u32 v62, s22;
	v2 =	vadd.s32 v3, v2  }
0x1ec: {  	v2 =	vsel vm7, $0x400, v2  }
0x1ed: {  	[tilespmem:$0x1960] =	vst v2  }
0x1ee: {  	v2 =	vld [tilespmem:s24+$0x70]  }
0x1ef: {  	v3 =	vld [tilespmem:s24+$0xCF0];
	_ =	sdelay $0x2  }
0x1f0: {  	s24 =	sadd.s32 $0x70, s23  }
0x1f1: {  	v63 =	vor.u32 s24, v0;
	v2 =	vshll.u32 v2, $0x4  }
0x1f2: {  	vm7 =	vlt.u32 v63, s22;
	v2 =	vadd.s32 v3, v2  }
0x1f3: {  	p0 =	slt.s32 s22, $0x184A0;
	v2 =	vsel vm7, $0x400, v2  }
0x1f4: {  	s22 =	simm.s32 @!p0 $0x184A0;
	p0 =	sne.s32 s21, $0xFFFFFE00;
	[tilespmem:$0x1970] =	vst v2  }
0x1f5: {  	[spmem:s2] =	stream.indirect.scatter.add.f32 [tilespmem:s28], [sflag:$0x5], $0x80, s7, s5, $0xb8;
	[tilespmem:$0x14380] =	vst v63  }
.Ltmp0:
0x1f6: {  	_ = 	snop;
	(pc) =	sbr.rel @p0 .LBB2_2-.Ltmp0, $4  }
0x1f7: {  	_ =	swait.ge [sflag:s19], $0x4000  }
0x1f8: {  	s25 =	sshll.u32 s22, $0x4;
	[sflag:s19] =	ssyncset.done $0x0  }
0x1f9: {  	s21 =	sadd.s32 $0x200, s21;
	s6 =	sadd.s32 s25, s18;
	[sflag:s19] =	ssyncadd.s32 $0xFFFFC000  }
0x1fa: {  	[tilespmem:s8], [sflag:$0x4] =	stream.linear.gather [hbm4b:s6+s3], $0x4000, $0x38;
	[tilespmem:$0x14380] =	vst v63  }
0x1fb: {  	_ =	swait.ge [sflag:s11], $0x4000  }
0x1fc: {  	[sflag:s11] =	ssyncset.done $0x0  }
0x1fd: {  	[sflag:s11] =	ssyncadd.s32 $0xFFFFC000  }
0x1fe: {  	_ =	swait.ge [sflag:s10], $0x4000  }
0x1ff: {  	[sflag:s10] =	ssyncset.done $0x0  }
0x200: {  	[sflag:s10] =	ssyncadd.s32 $0xFFFFC000  }
0x201: {  	_ =	swait.ge [sflag:s12], $0x4000  }
0x202: {  	[sflag:s12] =	ssyncset.done $0x0  }
0x203: {  	[sflag:s12] =	ssyncadd.s32 $0xFFFFC000  }
0x204: {  	_ =	swait.ge [sflag:s16], $0x4000  }
0x205: {  	[sflag:s16] =	ssyncset.done $0x0  }
0x206: {  	s6 =	stileid.u32;
	[sflag:s16] =	ssyncadd.s32 $0xFFFFC000  }
0x207: {  	s6 =	sshll.u32 s6, $0x6;
	[bflag:$0x0] =	sbarrier.arrive $0xFFFF  }
0x208: {  	s21 =	sshrl.u32 s9, $0x3;
	s6 =	sor.u32 $0x1C0A, s6;
	s22 =	rddreg [dreg:$0x15]  }
0x209: {  	[hbm:s22], [sflag:s6] =	dma.local [spmem:s21], $0x400  }
0x20a: {  	_ =	swait.ge [sflag:s1], $0x400  }
0x20b: {  	s20 =	sadd.s32 $0x1, s20;
	s25 =	rddreg [dreg:$0x16]  }
0x20c: {  	p0 =	sne.s32 s20, s25  }
.Ltmp1:
0x20d: {  	_ = 	snop;
	(pc) =	sbr.rel @p0 .LBB2_1-.Ltmp1, $3  }
0x20e: {  	_ =	sdelay $0x1  }
0x20f: {  	[sflag:s1] =	ssyncset.done $0x0  }
0x210: {  	[sflag:s1] =	ssyncadd.s32 $0xFFFFFC00  }
0x211: {  	_ =	sfence.sel $0x180000  }
0x212: {  	[bflag:$0x0] =	sbarrier.arrive $0xFFFF  }
0x213: {  	_ =	strace $0x90000047  }
0x214: {  	s0 =	stileid.u32;
	[bflag:$0x2] =	sbarrier.arrive $0xFFFF  }
0x215: {  	p0 =	sne.s32 s0, $0x0;
	s0 =	rddreg [dreg:$0x5]  }
0x216: {  	s0 =	sadd.s32 @!p0 $0x100000, s0  }
0x217: {  	[sflag:s0] =	ssyncadd.tile.s32 @!p0 $0x1;
	_ =	shalt  }
.Lfunc_end2:
_tile_overlayer_lowered:
.L_overlay_start_2:
0x218: {  	(tag) =	ssettag $0x2  }
0x219: {  	s0 =	rddreg [dreg:$0x0];
	s2 =	stileid.u32  }
0x21a: {  	s1 =	rddreg [dreg:$0x1];
	p0 =	sne.s32 s2, $0x0  }
0x21b: {  	s3 =	rddreg [dreg:$0x2];
	[bflag:$0x3] =	sbarrier.arrive $0xFFFF;
	s2 =	simm.s32 @!p0 $0x1C0A  }
0x21c: {  	[timem:s3], [sflag:s2] =	dma.local @!p0 [hbm:s0], s1  }
0x21d: {  	s0 =	simm.s32 @!p0 $0xA  }
0x21e: {  	_ =	swait.ge @!p0 [sflag:s0], s1  }
0x21f: {  	s1 =	ssub.s32 @!p0 $0x0, s1;
	[sflag:s0] =	ssyncset.done @!p0 $0x0  }
0x220: {  	[sflag:s0] =	ssyncadd.s32 @!p0 s1  }
0x221: {  	[bflag:$0x3] =	sbarrier.arrive $0xFFFF  }
0x222: {  	_ =	shalt  }

</sc_bundles>
